<compile_context>
chip_gen: v7x
topology: tpu7x:2x2x1
jax: 0.10.2.dev20260603
libtpu: 0.0.44.dev20260713+nightly
codegen_flags: <defaults>
</compile_context>

<pallas_src>
import functools

import jax
import jax.numpy as jnp
from jax import lax
from jax.experimental import pallas as pl
from jax.experimental.pallas import tpu as pltpu
from jax.experimental.pallas import tpu_sc as plsc

N = 10000
E = 160000
D = 256
HALF = 128

NC = 2
NS = 16
CHUNK = 64
E_PAD = 163840
EPT = E_PAD // NS
N_CHUNKS = EPT // CHUNK
NPHASE = 4
CPP = N_CHUNKS // NPHASE
ACC_ROWS = 10240
ROWS_PT = ACC_ROWS // NS

_MESH = plsc.VectorSubcoreMesh(core_axis_name="c", subcore_axis_name="s")


def _zero_vmem_2d(buf, rows):
  z = jnp.zeros((16,), jnp.float32)

  def body(i, _):
    r = i // 8
    c = i - r * 8
    buf[r, pl.ds(c * 16, 16)] = z
    return 0

  lax.fori_loop(0, rows * 8, body, 0)


def _zero_vmem_1d(buf, n):
  z = jnp.zeros((16,), jnp.float32)

  def body(i, _):
    buf[pl.ds(i * 16, 16)] = z
    return 0

  lax.fori_loop(0, n // 16, body, 0)


DCH = 128
DNCH = (E_PAD // 2) // NS // DCH


@functools.partial(
    pl.kernel,
    out_type=jax.ShapeDtypeStruct((NC, ACC_ROWS), jnp.float32),
    mesh=_MESH,
    scratch_types=[
        pltpu.VMEM((DNCH, DCH), jnp.int32),
        pltpu.VMEM((DCH,), jnp.float32),
        pltpu.VMEM((ROWS_PT,), jnp.float32),
        pltpu.VMEM_SHARED((ACC_ROWS,), jnp.float32),
    ],
)
def _degree(cols_hbm, deg_hbm, cidx_v, ones_v, zbuf_v, deg_sp):
  cid = lax.axis_index("c")
  sid = lax.axis_index("s")

  _zero_vmem_1d(zbuf_v, ROWS_PT)
  one = jnp.full((16,), 1.0, jnp.float32)

  def set_ones(i, _):
    ones_v[pl.ds(i * 16, 16)] = one
    return 0

  lax.fori_loop(0, DCH // 16, set_ones, 0)

  pltpu.sync_copy(zbuf_v, deg_sp.at[pl.ds(sid * ROWS_PT, ROWS_PT)])
  pltpu.sync_copy(cols_hbm.at[cid, sid], cidx_v)
  plsc.subcore_barrier()

  def body(j, _):
    pltpu.sync_copy(ones_v, deg_sp.at[cidx_v.at[j]], add=True)
    return 0

  lax.fori_loop(0, DNCH, body, 0)
  plsc.subcore_barrier()
  pltpu.sync_copy(
      deg_sp.at[pl.ds(sid * ROWS_PT, ROWS_PT)],
      deg_hbm.at[cid, pl.ds(sid * ROWS_PT, ROWS_PT)],
  )


@functools.partial(
    pl.kernel,
    out_type=jax.ShapeDtypeStruct((NC, ACC_ROWS, HALF), jnp.float32),
    mesh=_MESH,
    scratch_types=[
        pltpu.VMEM((CPP, CHUNK), jnp.int32),
        pltpu.VMEM((CPP, CHUNK), jnp.int32),
        pltpu.VMEM((CHUNK, HALF), jnp.float32),
        pltpu.VMEM((CHUNK, HALF), jnp.float32),
        pltpu.VMEM((CHUNK, HALF), jnp.float32),
        pltpu.VMEM((CHUNK, HALF), jnp.float32),
        pltpu.VMEM_SHARED((ACC_ROWS, HALF), jnp.float32),
        pltpu.SemaphoreType.DMA,
        pltpu.SemaphoreType.DMA,
        pltpu.SemaphoreType.DMA,
        pltpu.SemaphoreType.DMA,
    ],
)
def _propagate(table_hbm, rows_hbm, cols_hbm, out_hbm, ridx_v, cidx_v, buf0,
               buf1, buf2, buf3, acc_sp, sem0, sem1, sem2, sem3):
  cid = lax.axis_index("c")
  sid = lax.axis_index("s")

  _zero_vmem_2d(buf0, CHUNK)

  def zcopy(k, _):
    pltpu.sync_copy(buf0, acc_sp.at[pl.ds(sid * ROWS_PT + k * CHUNK, CHUNK)])
    return 0

  lax.fori_loop(0, ROWS_PT // CHUNK, zcopy, 0)
  plsc.subcore_barrier()

  def start(j, buf, sem):
    pltpu.async_copy(table_hbm.at[ridx_v.at[j]], buf, sem)

  def wait(buf, sem):
    pltpu.make_async_copy(table_hbm.at[pl.ds(0, CHUNK)], buf, sem).wait()

  def scat(j, buf):
    pltpu.sync_copy(buf, acc_sp.at[cidx_v.at[j]], add=True)

  bufs = (buf0, buf1, buf2, buf3)
  sems = (sem0, sem1, sem2, sem3)

  def phase(p, _):
    pltpu.sync_copy(rows_hbm.at[cid, sid, p], ridx_v)
    pltpu.sync_copy(cols_hbm.at[sid, p], cidx_v)

    for k in range(3):
      start(k, bufs[k], sems[k])

    def body(t, _):
      j0 = 4 * t
      for k in range(4):
        start(j0 + 3 + k, bufs[(k + 3) % 4], sems[(k + 3) % 4])
        wait(bufs[k], sems[k])
        scat(j0 + k, bufs[k])
      return 0

    lax.fori_loop(0, CPP // 4 - 1, body, 0)
    j0 = CPP - 4
    start(j0 + 3, bufs[3], sems[3])
    for k in range(4):
      wait(bufs[k], sems[k])
      scat(j0 + k, bufs[k])
    return 0

  lax.fori_loop(0, NPHASE, phase, 0)

  plsc.subcore_barrier()

  pltpu.sync_copy(
      acc_sp.at[pl.ds(sid * ROWS_PT, ROWS_PT)],
      out_hbm.at[cid, pl.ds(sid * ROWS_PT, ROWS_PT)],
  )


_MB = 1000


def _s_from_deg(degp_ref):
  deg = degp_ref[0] + degp_ref[1]
  safe = jnp.where(deg > 0, deg, 1.0)
  return jnp.where(deg > 0, lax.rsqrt(safe), 0.0)


def _matmul_body(x_ref, wt_ref, out_ref):
  out_ref[...] = jnp.dot(x_ref[...], wt_ref[...],
                         preferred_element_type=jnp.float32)


def _scale_split_body(m_ref, degp_ref, out_ref):
  s = _s_from_deg(degp_ref)
  hs = m_ref[...] * s
  out_ref[0] = hs[:, :HALF]
  out_ref[1] = hs[:, HALF:]


def _lin_mid_body(acc_ref, degp_ref, b_ref, wt_ref, out_ref):
  s = _s_from_deg(degp_ref)
  a = jnp.concatenate([acc_ref[0], acc_ref[1]], axis=1)
  mid = a * s + b_ref[...]
  h = jnp.dot(mid, wt_ref[...], preferred_element_type=jnp.float32) * s
  out_ref[0] = h[:, :HALF]
  out_ref[1] = h[:, HALF:]


def _final_body(acc_ref, degp_ref, b_ref, out_ref):
  s = _s_from_deg(degp_ref)
  a = jnp.concatenate([acc_ref[0], acc_ref[1]], axis=1)
  out_ref[...] = a * s + b_ref[...]


def _matmul(x, wt):
  return pl.pallas_call(
      _matmul_body,
      grid=(N // _MB,),
      in_specs=[
          pl.BlockSpec((_MB, D), lambda i: (i, 0)),
          pl.BlockSpec((D, D), lambda i: (0, 0)),
      ],
      out_specs=pl.BlockSpec((_MB, D), lambda i: (i, 0)),
      out_shape=jax.ShapeDtypeStruct((N, D), jnp.float32),
  )(x, wt)


def _scale_split(m, degp3):
  return pl.pallas_call(
      _scale_split_body,
      grid=(N // _MB,),
      in_specs=[
          pl.BlockSpec((_MB, D), lambda i: (i, 0)),
          pl.BlockSpec((NC, _MB, 1), lambda i: (0, i, 0)),
      ],
      out_specs=pl.BlockSpec((NC, _MB, HALF), lambda i: (0, i, 0)),
      out_shape=jax.ShapeDtypeStruct((NC, N, HALF), jnp.float32),
  )(m, degp3)


def _lin_mid(acc, degp3, b, wt):
  return pl.pallas_call(
      _lin_mid_body,
      grid=(N // _MB,),
      in_specs=[
          pl.BlockSpec((NC, _MB, HALF), lambda i: (0, i, 0)),
          pl.BlockSpec((NC, _MB, 1), lambda i: (0, i, 0)),
          pl.BlockSpec((1, D), lambda i: (0, 0)),
          pl.BlockSpec((D, D), lambda i: (0, 0)),
      ],
      out_specs=pl.BlockSpec((NC, _MB, HALF), lambda i: (0, i, 0)),
      out_shape=jax.ShapeDtypeStruct((NC, N, HALF), jnp.float32),
  )(acc, degp3, b, wt)


def _final(acc, degp3, b):
  return pl.pallas_call(
      _final_body,
      grid=(N // _MB,),
      in_specs=[
          pl.BlockSpec((NC, _MB, HALF), lambda i: (0, i, 0)),
          pl.BlockSpec((NC, _MB, 1), lambda i: (0, i, 0)),
          pl.BlockSpec((1, D), lambda i: (0, 0)),
      ],
      out_specs=pl.BlockSpec((_MB, D), lambda i: (i, 0)),
      out_shape=jax.ShapeDtypeStruct((N, D), jnp.float32),
  )(acc, degp3, b)


def kernel(x, edge_index, W0, b0, W1, b1):
  row = edge_index[0].astype(jnp.int32)
  col = edge_index[1].astype(jnp.int32)

  colp = jnp.full((E_PAD,), N, jnp.int32).at[:E].set(col)
  rows2 = (
      jnp.zeros((NC * E_PAD,), jnp.int32)
      .at[:E].set(row)
      .at[E_PAD:E_PAD + E].set(row + N)
  )

  rows4 = rows2.reshape(NC, NS, NPHASE, CPP, CHUNK)
  cols3 = colp.reshape(NS, NPHASE, CPP, CHUNK)

  m0 = _matmul(x, W0.T)
  degp = _degree(colp.reshape(NC, NS, DNCH, DCH))
  degp3 = degp.reshape(NC, ACC_ROWS, 1)

  h0 = _scale_split(m0, degp3)
  acc0 = _propagate(h0.reshape(NC * N, HALF), rows4, cols3)
  h1 = _lin_mid(acc0, degp3, b0.reshape(1, D), W1.T)
  acc1 = _propagate(h1.reshape(NC * N, HALF), rows4, cols3)
  return _final(acc1, degp3, b1.reshape(1, D))

# --- scband reference (transcript-rebuilt; emitter-appended) ---
"""Pipeline reference for scband-gcn-85529978733068 (READ-ONLY COPY).

The authoritative reference and input builder live on the scoring server;
editing this copy changes nothing except your own understanding.
"""

import jax, jax.numpy as jnp
import numpy as np

N = 10000
E = 160000
D = 256


def setup_inputs(seed: int = 0) -> dict:
    key = jax.random.key(seed)
    ks = jax.random.split(key, 6)
    x = jax.random.normal(ks[0], (N, D), dtype=jnp.float32)
    edge_index = jax.random.randint(ks[1], (2, E), 0, N)
    # PyG Linear weights: shape [out_channels, in_channels], bias [out_channels]
    W0 = jax.random.normal(ks[2], (D, D), dtype=jnp.float32) * (1.0 / np.sqrt(D))
    b0 = jnp.zeros((D,), dtype=jnp.float32)
    W1 = jax.random.normal(ks[3], (D, D), dtype=jnp.float32) * (1.0 / np.sqrt(D))
    b1 = jnp.zeros((D,), dtype=jnp.float32)
    return {"x": x, "edge_index": edge_index, "W0": W0, "b0": b0, "W1": W1, "b1": b1}


def _gcn_layer(x, edge_index, W, b):
    # GCNConv with add_self_loops=False, normalize=True, edge_weight=None
    row = edge_index[0]
    col = edge_index[1]
    n = x.shape[0]
    ew = jnp.ones((row.shape[0],), dtype=x.dtype)
    # symmetric normalization: deg over destination nodes
    deg = jnp.zeros((n,), dtype=x.dtype).at[col].add(ew)
    deg_inv_sqrt = jnp.where(deg > 0, 1.0 / jnp.sqrt(jnp.where(deg > 0, deg, 1.0)), 0.0)
    norm = deg_inv_sqrt[row] * ew * deg_inv_sqrt[col]
    # linear transform first (PyG applies lin before propagate)
    h = x @ W.T
    # gather source features, scale by norm, scatter-add into destinations
    msg = h[row] * norm[:, None]
    out = jnp.zeros_like(h).at[col].add(msg)
    return out + b


def reference(x, edge_index, W0, b0, W1, b1):
    h = _gcn_layer(x, edge_index, W0, b0)
    h = _gcn_layer(h, edge_index, W1, b1)
    return h

if __name__ == "__main__":
    import jax
    _d = setup_inputs()
    print(jax.jit(kernel)(*tuple(_d.values())))

</pallas_src>

<mosaic_0001>
#map = affine_map<(d0, d1) -> (0, 0)>
#map1 = affine_map<(d0, d1) -> (0, 0, 0, 0, 0)>
#map2 = affine_map<(d0, d1) -> (0, 0, 0, 0)>
#map3 = affine_map<(d0, d1) -> (0, 0, 0)>
module attributes {stable_mosaic.version = 14 : i64} {
  func.func @_propagate(%arg0: i32, %arg1: i32, %arg2: memref<20000x128xf32, #tpu.memory_space<hbm>>, %arg3: memref<2x16x4x40x64xi32, #tpu.memory_space<hbm>>, %arg4: memref<16x4x40x64xi32, #tpu.memory_space<hbm>>, %arg5: memref<2x10240x128xf32, #tpu.memory_space<hbm>>, %arg6: memref<40x64xi32, #tpu.memory_space<vmem>>, %arg7: memref<40x64xi32, #tpu.memory_space<vmem>>, %arg8: memref<64x128xf32, #tpu.memory_space<vmem>>, %arg9: memref<64x128xf32, #tpu.memory_space<vmem>>, %arg10: memref<64x128xf32, #tpu.memory_space<vmem>>, %arg11: memref<64x128xf32, #tpu.memory_space<vmem>>, %arg12: memref<10240x128xf32, #tpu.memory_space<vmem_shared>>, %arg13: memref<!tpu.dma_semaphore, #tpu.memory_space<semaphore_mem>>, %arg14: memref<!tpu.dma_semaphore, #tpu.memory_space<semaphore_mem>>, %arg15: memref<!tpu.dma_semaphore, #tpu.memory_space<semaphore_mem>>, %arg16: memref<!tpu.dma_semaphore, #tpu.memory_space<semaphore_mem>>) attributes {dimension_semantics = [#tpu.dimension_semantics<core_parallel>, #tpu.dimension_semantics<subcore_parallel>], iteration_bounds = array<i64: 2, 16>, scalar_prefetch = 0 : i64, scratch_operands = 11 : i64, tpu.core_type = #tpu.core_type<sc_vector_subcore>, window_params = [{transform_indices = #map}, {transform_indices = #map1}, {transform_indices = #map2}, {transform_indices = #map3}]} {
    %broadcast_in_dim3A = arith.constant 0.000000e+00 : f32
    %broadcast_in_dim3A_0 = vector.broadcast %broadcast_in_dim3A : f32 to vector<16xf32>
    %scan3A = arith.constant 0 : i32
    %scan3A_1 = arith.constant 0 : i32
    %scan3A_2 = arith.constant 512 : i32
    %scan3A_3 = arith.addi %scan3A_1, %scan3A_2 : i32
    %scan3A_4 = arith.constant 1 : i32
    %scan3A_5 = scf.for %scan3A_25 = %scan3A_1 to %scan3A_3 step %scan3A_4 iter_args(%scan3A_26 = %scan3A) -> (i32)  : i32 {
      %jit3A = arith.constant 8 : i32
      %div3A = arith.divsi %scan3A_25, %jit3A : i32
      %sign3A = arith.constant 0 : i32
      %sign3A_27 = arith.cmpi sgt, %scan3A_25, %sign3A : i32
      %sign3A_28 = arith.extui %sign3A_27 : i1 to i32
      %sign3A_29 = arith.constant 0 : i32
      %sign3A_30 = arith.cmpi slt, %scan3A_25, %sign3A_29 : i32
      %sign3A_31 = arith.extui %sign3A_30 : i1 to i32
      %sign3A_32 = arith.subi %sign3A_28, %sign3A_31 : i32
      %sign3A_33 = arith.constant 0 : i32
      %sign3A_34 = arith.cmpi sgt, %jit3A, %sign3A_33 : i32
      %sign3A_35 = arith.extui %sign3A_34 : i1 to i32
      %sign3A_36 = arith.constant 0 : i32
      %sign3A_37 = arith.cmpi slt, %jit3A, %sign3A_36 : i32
      %sign3A_38 = arith.extui %sign3A_37 : i1 to i32
      %sign3A_39 = arith.subi %sign3A_35, %sign3A_38 : i32
      %ne3A = arith.cmpi ne, %sign3A_32, %sign3A_39 : i32
      %rem3A = arith.remsi %scan3A_25, %jit3A : i32
      %ne3A_40 = arith.constant 0 : i32
      %ne3A_41 = arith.cmpi ne, %rem3A, %ne3A_40 : i32
      %and3A = arith.andi %ne3A, %ne3A_41 : i1
      %sub3A = arith.constant 1 : i32
      %sub3A_42 = arith.subi %div3A, %sub3A : i32
      %select_n3A = arith.select %and3A, %sub3A_42, %div3A : i32
      %mul3A_43 = arith.constant 8 : i32
      %mul3A_44 = arith.muli %select_n3A, %mul3A_43 : i32
      %sub3A_45 = arith.subi %scan3A_25, %mul3A_44 : i32
      %mul3A_46 = arith.constant 16 : i32
      %mul3A_47 = arith.muli %sub3A_45, %mul3A_46 : i32
      %swap3A = arith.index_cast %select_n3A : i32 to index
      %swap3A_48 = arith.index_cast %mul3A_47 : i32 to index
      %swap3A_49 = tpu.vector_load %arg8[%swap3A, %swap3A_48] {strides = array<i32>} : memref<64x128xf32, #tpu.memory_space<vmem>>, vector<1x16xf32>,
      %swap3A_50 = vector.shape_cast %swap3A_49 : vector<1x16xf32> to vector<16xf32>
      %swap3A_51 = vector.shape_cast %broadcast_in_dim3A_0 : vector<16xf32> to vector<1x16xf32>
      tpu.vector_store %arg8[%swap3A, %swap3A_48], %swap3A_51 {strides = array<i32>} : memref<64x128xf32, #tpu.memory_space<vmem>>, vector<1x16xf32>,
      %scan3A_52 = arith.constant 0 : i32
      scf.yield %scan3A_52 : i32
    }
    %scan3A_6 = arith.constant 512 : i32
    %scan3A_7 = arith.constant 0 : i32
    %scan3A_8 = arith.constant 0 : i32
    %scan3A_9 = arith.constant 10 : i32
    %scan3A_10 = arith.addi %scan3A_8, %scan3A_9 : i32
    %scan3A_11 = arith.constant 1 : i32
    %scan3A_12 = scf.for %scan3A_25 = %scan3A_8 to %scan3A_10 step %scan3A_11 iter_args(%scan3A_26 = %scan3A_7) -> (i32)  : i32 {
      %mul3A_27 = arith.constant 640 : i32
      %mul3A_28 = arith.muli %arg1, %mul3A_27 : i32
      %mul3A_29 = arith.constant 64 : i32
      %mul3A_30 = arith.muli %scan3A_25, %mul3A_29 : i32
      %add3A = arith.addi %mul3A_28, %mul3A_30 : i32
      "tpu.region"() ({
        %run_scoped3A = tpu.sem_alloc : memref<!tpu.dma_semaphore, #tpu.memory_space<semaphore_mem>>
        %dma_start3A = arith.constant 0 : i32
        %dma_start3A_32 = tpu.memref_slice %arg12[%add3A, %dma_start3A] : memref<10240x128xf32, #tpu.memory_space<vmem_shared>> -> memref<64x128xf32, #tpu.memory_space<vmem_shared>>
        %dma_start3A_33 = arith.constant 0 : i32
        %dma_start3A_34 = tpu.memref_slice %arg12[%add3A, %dma_start3A_33] : memref<10240x128xf32, #tpu.memory_space<vmem_shared>> -> memref<64x128xf32, #tpu.memory_space<vmem_shared>>
        tpu.enqueue_dma source(%arg8 : memref<64x128xf32, #tpu.memory_space<vmem>>) target(%dma_start3A_34 : memref<64x128xf32, #tpu.memory_space<vmem_shared>>) target_semaphore(%run_scoped3A : memref<!tpu.dma_semaphore, #tpu.memory_space<semaphore_mem>>)
        %dma_wait3A = arith.constant 0 : i32
        %dma_wait3A_35 = tpu.memref_slice %arg12[%add3A, %dma_wait3A] : memref<10240x128xf32, #tpu.memory_space<vmem_shared>> -> memref<64x128xf32, #tpu.memory_space<vmem_shared>>
        %dma_wait3A_36 = arith.constant 0 : i32
        %dma_wait3A_37 = tpu.memref_slice %arg12[%add3A, %dma_wait3A_36] : memref<10240x128xf32, #tpu.memory_space<vmem_shared>> -> memref<64x128xf32, #tpu.memory_space<vmem_shared>>
        tpu.wait_dma2 semaphore(%run_scoped3A : memref<!tpu.dma_semaphore, #tpu.memory_space<semaphore_mem>>) src(%arg8 : memref<64x128xf32, #tpu.memory_space<vmem>>) dst(%dma_wait3A_37 : memref<64x128xf32, #tpu.memory_space<vmem_shared>>)
        tpu.yield
      }) : () -> ()
      %scan3A_31 = arith.constant 0 : i32
      scf.yield %scan3A_31 : i32
    }
    %scan3A_13 = arith.constant 10 : i32
    %barrier3A = arith.constant 0 : index
    tpu.barrier barrier_id(%barrier3A)
    %scan3A_14 = arith.constant 0 : i32
    %scan3A_15 = arith.constant 0 : i32
    %scan3A_16 = arith.constant 4 : i32
    %scan3A_17 = arith.addi %scan3A_15, %scan3A_16 : i32
    %scan3A_18 = arith.constant 1 : i32
    %scan3A_19 = scf.for %scan3A_25 = %scan3A_15 to %scan3A_17 step %scan3A_18 iter_args(%scan3A_26 = %scan3A_14) -> (i32)  : i32 {
      "tpu.region"() ({
        %run_scoped3A_88 = tpu.sem_alloc : memref<!tpu.dma_semaphore, #tpu.memory_space<semaphore_mem>>
        %dma_start3A_89 = arith.constant 0 : i32
        %dma_start3A_90 = arith.constant 0 : i32
        %dma_start3A_91 = tpu.memref_slice %arg3[%arg0, %arg1, %scan3A_25, %dma_start3A_89, %dma_start3A_90] : memref<2x16x4x40x64xi32, #tpu.memory_space<hbm>> -> memref<1x1x1x40x64xi32, #tpu.memory_space<hbm>>
        %dma_start3A_92 = tpu.memref_squeeze %dma_start3A_91 : memref<1x1x1x40x64xi32, #tpu.memory_space<hbm>> -> memref<40x64xi32, #tpu.memory_space<hbm>>
        %dma_start3A_93 = arith.constant 0 : i32
        %dma_start3A_94 = arith.constant 0 : i32
        %dma_start3A_95 = tpu.memref_slice %arg3[%arg0, %arg1, %scan3A_25, %dma_start3A_93, %dma_start3A_94] : memref<2x16x4x40x64xi32, #tpu.memory_space<hbm>> -> memref<1x1x1x40x64xi32, #tpu.memory_space<hbm>>
        %dma_start3A_96 = tpu.memref_squeeze %dma_start3A_95 : memref<1x1x1x40x64xi32, #tpu.memory_space<hbm>> -> memref<40x64xi32, #tpu.memory_space<hbm>>
        tpu.enqueue_dma source(%dma_start3A_96 : memref<40x64xi32, #tpu.memory_space<hbm>>) target(%arg6 : memref<40x64xi32, #tpu.memory_space<vmem>>) target_semaphore(%run_scoped3A_88 : memref<!tpu.dma_semaphore, #tpu.memory_space<semaphore_mem>>)
        %dma_wait3A_97 = arith.constant 0 : i32
        %dma_wait3A_98 = arith.constant 0 : i32
        %dma_wait3A_99 = tpu.memref_slice %arg3[%arg0, %arg1, %scan3A_25, %dma_wait3A_97, %dma_wait3A_98] : memref<2x16x4x40x64xi32, #tpu.memory_space<hbm>> -> memref<1x1x1x40x64xi32, #tpu.memory_space<hbm>>
        %dma_wait3A_100 = tpu.memref_squeeze %dma_wait3A_99 : memref<1x1x1x40x64xi32, #tpu.memory_space<hbm>> -> memref<40x64xi32, #tpu.memory_space<hbm>>
        %dma_wait3A_101 = arith.constant 0 : i32
        %dma_wait3A_102 = arith.constant 0 : i32
        %dma_wait3A_103 = tpu.memref_slice %arg3[%arg0, %arg1, %scan3A_25, %dma_wait3A_101, %dma_wait3A_102] : memref<2x16x4x40x64xi32, #tpu.memory_space<hbm>> -> memref<1x1x1x40x64xi32, #tpu.memory_space<hbm>>
        %dma_wait3A_104 = tpu.memref_squeeze %dma_wait3A_103 : memref<1x1x1x40x64xi32, #tpu.memory_space<hbm>> -> memref<40x64xi32, #tpu.memory_space<hbm>>
        tpu.wait_dma2 semaphore(%run_scoped3A_88 : memref<!tpu.dma_semaphore, #tpu.memory_space<semaphore_mem>>) src(%dma_wait3A_104 : memref<40x64xi32, #tpu.memory_space<hbm>>) dst(%arg6 : memref<40x64xi32, #tpu.memory_space<vmem>>)
        tpu.yield
      }) : () -> ()
      "tpu.region"() ({
        %run_scoped3A_88 = tpu.sem_alloc : memref<!tpu.dma_semaphore, #tpu.memory_space<semaphore_mem>>
        %dma_start3A_89 = arith.constant 0 : i32
        %dma_start3A_90 = arith.constant 0 : i32
        %dma_start3A_91 = tpu.memref_slice %arg4[%arg1, %scan3A_25, %dma_start3A_89, %dma_start3A_90] : memref<16x4x40x64xi32, #tpu.memory_space<hbm>> -> memref<1x1x40x64xi32, #tpu.memory_space<hbm>>
        %dma_start3A_92 = tpu.memref_squeeze %dma_start3A_91 : memref<1x1x40x64xi32, #tpu.memory_space<hbm>> -> memref<40x64xi32, #tpu.memory_space<hbm>>
        %dma_start3A_93 = arith.constant 0 : i32
        %dma_start3A_94 = arith.constant 0 : i32
        %dma_start3A_95 = tpu.memref_slice %arg4[%arg1, %scan3A_25, %dma_start3A_93, %dma_start3A_94] : memref<16x4x40x64xi32, #tpu.memory_space<hbm>> -> memref<1x1x40x64xi32, #tpu.memory_space<hbm>>
        %dma_start3A_96 = tpu.memref_squeeze %dma_start3A_95 : memref<1x1x40x64xi32, #tpu.memory_space<hbm>> -> memref<40x64xi32, #tpu.memory_space<hbm>>
        tpu.enqueue_dma source(%dma_start3A_96 : memref<40x64xi32, #tpu.memory_space<hbm>>) target(%arg7 : memref<40x64xi32, #tpu.memory_space<vmem>>) target_semaphore(%run_scoped3A_88 : memref<!tpu.dma_semaphore, #tpu.memory_space<semaphore_mem>>)
        %dma_wait3A_97 = arith.constant 0 : i32
        %dma_wait3A_98 = arith.constant 0 : i32
        %dma_wait3A_99 = tpu.memref_slice %arg4[%arg1, %scan3A_25, %dma_wait3A_97, %dma_wait3A_98] : memref<16x4x40x64xi32, #tpu.memory_space<hbm>> -> memref<1x1x40x64xi32, #tpu.memory_space<hbm>>
        %dma_wait3A_100 = tpu.memref_squeeze %dma_wait3A_99 : memref<1x1x40x64xi32, #tpu.memory_space<hbm>> -> memref<40x64xi32, #tpu.memory_space<hbm>>
        %dma_wait3A_101 = arith.constant 0 : i32
        %dma_wait3A_102 = arith.constant 0 : i32
        %dma_wait3A_103 = tpu.memref_slice %arg4[%arg1, %scan3A_25, %dma_wait3A_101, %dma_wait3A_102] : memref<16x4x40x64xi32, #tpu.memory_space<hbm>> -> memref<1x1x40x64xi32, #tpu.memory_space<hbm>>
        %dma_wait3A_104 = tpu.memref_squeeze %dma_wait3A_103 : memref<1x1x40x64xi32, #tpu.memory_space<hbm>> -> memref<40x64xi32, #tpu.memory_space<hbm>>
        tpu.wait_dma2 semaphore(%run_scoped3A_88 : memref<!tpu.dma_semaphore, #tpu.memory_space<semaphore_mem>>) src(%dma_wait3A_104 : memref<40x64xi32, #tpu.memory_space<hbm>>) dst(%arg7 : memref<40x64xi32, #tpu.memory_space<vmem>>)
        tpu.yield
      }) : () -> ()
      %dma_start3A = arith.constant 0 : i32
      %dma_start3A_27 = arith.constant 0 : i32
      %dma_start3A_28 = tpu.memref_slice %arg6[%dma_start3A, %dma_start3A_27] : memref<40x64xi32, #tpu.memory_space<vmem>> -> memref<1x64xi32, #tpu.memory_space<vmem>>
      %dma_start3A_29 = tpu.memref_squeeze %dma_start3A_28 : memref<1x64xi32, #tpu.memory_space<vmem>> -> memref<64xi32, #tpu.memory_space<vmem>>
      %dma_start3A_30 = arith.constant 0 : i32
      %dma_start3A_31 = arith.constant 0 : i32
      %dma_start3A_32 = tpu.memref_slice %arg2[%dma_start3A_30, %dma_start3A_31] : memref<20000x128xf32, #tpu.memory_space<hbm>> -> memref<20000x128xf32, #tpu.memory_space<hbm>>
      tpu.enqueue_indirect_dma source(%dma_start3A_32 : memref<20000x128xf32, #tpu.memory_space<hbm>>) target(%arg8 : memref<64x128xf32, #tpu.memory_space<vmem>>) offsets(%dma_start3A_29 : memref<64xi32, #tpu.memory_space<vmem>>) semaphore(%arg13 : memref<!tpu.dma_semaphore, #tpu.memory_space<semaphore_mem>>)
      %dma_start3A_33 = arith.constant 1 : i32
      %dma_start3A_34 = arith.constant 0 : i32
      %dma_start3A_35 = tpu.memref_slice %arg6[%dma_start3A_33, %dma_start3A_34] : memref<40x64xi32, #tpu.memory_space<vmem>> -> memref<1x64xi32, #tpu.memory_space<vmem>>
      %dma_start3A_36 = tpu.memref_squeeze %dma_start3A_35 : memref<1x64xi32, #tpu.memory_space<vmem>> -> memref<64xi32, #tpu.memory_space<vmem>>
      %dma_start3A_37 = arith.constant 0 : i32
      %dma_start3A_38 = arith.constant 0 : i32
      %dma_start3A_39 = tpu.memref_slice %arg2[%dma_start3A_37, %dma_start3A_38] : memref<20000x128xf32, #tpu.memory_space<hbm>> -> memref<20000x128xf32, #tpu.memory_space<hbm>>
      tpu.enqueue_indirect_dma source(%dma_start3A_39 : memref<20000x128xf32, #tpu.memory_space<hbm>>) target(%arg9 : memref<64x128xf32, #tpu.memory_space<vmem>>) offsets(%dma_start3A_36 : memref<64xi32, #tpu.memory_space<vmem>>) semaphore(%arg14 : memref<!tpu.dma_semaphore, #tpu.memory_space<semaphore_mem>>)
      %dma_start3A_40 = arith.constant 2 : i32
      %dma_start3A_41 = arith.constant 0 : i32
      %dma_start3A_42 = tpu.memref_slice %arg6[%dma_start3A_40, %dma_start3A_41] : memref<40x64xi32, #tpu.memory_space<vmem>> -> memref<1x64xi32, #tpu.memory_space<vmem>>
      %dma_start3A_43 = tpu.memref_squeeze %dma_start3A_42 : memref<1x64xi32, #tpu.memory_space<vmem>> -> memref<64xi32, #tpu.memory_space<vmem>>
      %dma_start3A_44 = arith.constant 0 : i32
      %dma_start3A_45 = arith.constant 0 : i32
      %dma_start3A_46 = tpu.memref_slice %arg2[%dma_start3A_44, %dma_start3A_45] : memref<20000x128xf32, #tpu.memory_space<hbm>> -> memref<20000x128xf32, #tpu.memory_space<hbm>>
      tpu.enqueue_indirect_dma source(%dma_start3A_46 : memref<20000x128xf32, #tpu.memory_space<hbm>>) target(%arg10 : memref<64x128xf32, #tpu.memory_space<vmem>>) offsets(%dma_start3A_43 : memref<64xi32, #tpu.memory_space<vmem>>) semaphore(%arg15 : memref<!tpu.dma_semaphore, #tpu.memory_space<semaphore_mem>>)
      %scan3A_47 = arith.constant 0 : i32
      %scan3A_48 = arith.constant 0 : i32
      %scan3A_49 = arith.constant 9 : i32
      %scan3A_50 = arith.addi %scan3A_48, %scan3A_49 : i32
      %scan3A_51 = arith.constant 1 : i32
      %scan3A_52 = scf.for %scan3A_88 = %scan3A_48 to %scan3A_50 step %scan3A_51 iter_args(%scan3A_89 = %scan3A_47) -> (i32)  : i32 {
        %mul3A_90 = arith.constant 4 : i32
        %mul3A_91 = arith.muli %mul3A_90, %scan3A_88 : i32
        %add3A = arith.constant 3 : i32
        %add3A_92 = arith.addi %mul3A_91, %add3A : i32
        %add3A_93 = arith.constant 0 : i32
        %add3A_94 = arith.addi %add3A_92, %add3A_93 : i32
        %dma_start3A_95 = arith.constant 0 : i32
        %dma_start3A_96 = tpu.memref_slice %arg6[%add3A_94, %dma_start3A_95] : memref<40x64xi32, #tpu.memory_space<vmem>> -> memref<1x64xi32, #tpu.memory_space<vmem>>
        %dma_start3A_97 = tpu.memref_squeeze %dma_start3A_96 : memref<1x64xi32, #tpu.memory_space<vmem>> -> memref<64xi32, #tpu.memory_space<vmem>>
        %dma_start3A_98 = arith.constant 0 : i32
        %dma_start3A_99 = arith.constant 0 : i32
        %dma_start3A_100 = tpu.memref_slice %arg2[%dma_start3A_98, %dma_start3A_99] : memref<20000x128xf32, #tpu.memory_space<hbm>> -> memref<20000x128xf32, #tpu.memory_space<hbm>>
        tpu.enqueue_indirect_dma source(%dma_start3A_100 : memref<20000x128xf32, #tpu.memory_space<hbm>>) target(%arg11 : memref<64x128xf32, #tpu.memory_space<vmem>>) offsets(%dma_start3A_97 : memref<64xi32, #tpu.memory_space<vmem>>) semaphore(%arg16 : memref<!tpu.dma_semaphore, #tpu.memory_space<semaphore_mem>>)
        %dma_wait3A_101 = arith.constant 0 : i32
        %dma_wait3A_102 = arith.constant 0 : i32
        %dma_wait3A_103 = tpu.memref_slice %arg2[%dma_wait3A_101, %dma_wait3A_102] : memref<20000x128xf32, #tpu.memory_space<hbm>> -> memref<64x128xf32, #tpu.memory_space<hbm>>
        %dma_wait3A_104 = arith.constant 0 : i32
        %dma_wait3A_105 = arith.constant 0 : i32
        %dma_wait3A_106 = tpu.memref_slice %arg2[%dma_wait3A_104, %dma_wait3A_105] : memref<20000x128xf32, #tpu.memory_space<hbm>> -> memref<64x128xf32, #tpu.memory_space<hbm>>
        tpu.wait_dma2 semaphore(%arg13 : memref<!tpu.dma_semaphore, #tpu.memory_space<semaphore_mem>>) src(%dma_wait3A_106 : memref<64x128xf32, #tpu.memory_space<hbm>>) dst(%arg8 : memref<64x128xf32, #tpu.memory_space<vmem>>)
        %add3A_107 = arith.constant 0 : i32
        %add3A_108 = arith.addi %mul3A_91, %add3A_107 : i32
        "tpu.region"() ({
          %run_scoped3A_164 = tpu.sem_alloc : memref<!tpu.dma_semaphore, #tpu.memory_space<semaphore_mem>>
          %dma_start3A_165 = arith.constant 0 : i32
          %dma_start3A_166 = tpu.memref_slice %arg7[%add3A_108, %dma_start3A_165] : memref<40x64xi32, #tpu.memory_space<vmem>> -> memref<1x64xi32, #tpu.memory_space<vmem>>
          %dma_start3A_167 = tpu.memref_squeeze %dma_start3A_166 : memref<1x64xi32, #tpu.memory_space<vmem>> -> memref<64xi32, #tpu.memory_space<vmem>>
          %dma_start3A_168 = arith.constant 0 : i32
          %dma_start3A_169 = arith.constant 0 : i32
          %dma_start3A_170 = tpu.memref_slice %arg12[%dma_start3A_168, %dma_start3A_169] : memref<10240x128xf32, #tpu.memory_space<vmem_shared>> -> memref<10240x128xf32, #tpu.memory_space<vmem_shared>>
          tpu.enqueue_indirect_dma source(%arg8 : memref<64x128xf32, #tpu.memory_space<vmem>>) target(%dma_start3A_170 : memref<10240x128xf32, #tpu.memory_space<vmem_shared>>) offsets(%dma_start3A_167 : memref<64xi32, #tpu.memory_space<vmem>>) semaphore(%run_scoped3A_164 : memref<!tpu.dma_semaphore, #tpu.memory_space<semaphore_mem>>) {add = true}
          %dma_wait3A_171 = arith.constant 0 : i32
          %dma_wait3A_172 = tpu.memref_slice %arg7[%add3A_108, %dma_wait3A_171] : memref<40x64xi32, #tpu.memory_space<vmem>> -> memref<1x64xi32, #tpu.memory_space<vmem>>
          %dma_wait3A_173 = tpu.memref_squeeze %dma_wait3A_172 : memref<1x64xi32, #tpu.memory_space<vmem>> -> memref<64xi32, #tpu.memory_space<vmem>>
          %dma_wait3A_174 = arith.constant 0 : i32
          %dma_wait3A_175 = arith.constant 0 : i32
          %dma_wait3A_176 = tpu.memref_slice %arg12[%dma_wait3A_174, %dma_wait3A_175] : memref<10240x128xf32, #tpu.memory_space<vmem_shared>> -> memref<10240x128xf32, #tpu.memory_space<vmem_shared>>
          tpu.wait_indirect_dma semaphore(%run_scoped3A_164 : memref<!tpu.dma_semaphore, #tpu.memory_space<semaphore_mem>>) src(%arg8 : memref<64x128xf32, #tpu.memory_space<vmem>>) dst(%dma_wait3A_176 : memref<10240x128xf32, #tpu.memory_space<vmem_shared>>)
          tpu.yield
        }) : () -> ()
        %add3A_109 = arith.constant 3 : i32
        %add3A_110 = arith.addi %mul3A_91, %add3A_109 : i32
        %add3A_111 = arith.constant 1 : i32
        %add3A_112 = arith.addi %add3A_110, %add3A_111 : i32
        %dma_start3A_113 = arith.constant 0 : i32
        %dma_start3A_114 = tpu.memref_slice %arg6[%add3A_112, %dma_start3A_113] : memref<40x64xi32, #tpu.memory_space<vmem>> -> memref<1x64xi32, #tpu.memory_space<vmem>>
        %dma_start3A_115 = tpu.memref_squeeze %dma_start3A_114 : memref<1x64xi32, #tpu.memory_space<vmem>> -> memref<64xi32, #tpu.memory_space<vmem>>
        %dma_start3A_116 = arith.constant 0 : i32
        %dma_start3A_117 = arith.constant 0 : i32
        %dma_start3A_118 = tpu.memref_slice %arg2[%dma_start3A_116, %dma_start3A_117] : memref<20000x128xf32, #tpu.memory_space<hbm>> -> memref<20000x128xf32, #tpu.memory_space<hbm>>
        tpu.enqueue_indirect_dma source(%dma_start3A_118 : memref<20000x128xf32, #tpu.memory_space<hbm>>) target(%arg8 : memref<64x128xf32, #tpu.memory_space<vmem>>) offsets(%dma_start3A_115 : memref<64xi32, #tpu.memory_space<vmem>>) semaphore(%arg13 : memref<!tpu.dma_semaphore, #tpu.memory_space<semaphore_mem>>)
        %dma_wait3A_119 = arith.constant 0 : i32
        %dma_wait3A_120 = arith.constant 0 : i32
        %dma_wait3A_121 = tpu.memref_slice %arg2[%dma_wait3A_119, %dma_wait3A_120] : memref<20000x128xf32, #tpu.memory_space<hbm>> -> memref<64x128xf32, #tpu.memory_space<hbm>>
        %dma_wait3A_122 = arith.constant 0 : i32
        %dma_wait3A_123 = arith.constant 0 : i32
        %dma_wait3A_124 = tpu.memref_slice %arg2[%dma_wait3A_122, %dma_wait3A_123] : memref<20000x128xf32, #tpu.memory_space<hbm>> -> memref<64x128xf32, #tpu.memory_space<hbm>>
        tpu.wait_dma2 semaphore(%arg14 : memref<!tpu.dma_semaphore, #tpu.memory_space<semaphore_mem>>) src(%dma_wait3A_124 : memref<64x128xf32, #tpu.memory_space<hbm>>) dst(%arg9 : memref<64x128xf32, #tpu.memory_space<vmem>>)
        %add3A_125 = arith.constant 1 : i32
        %add3A_126 = arith.addi %mul3A_91, %add3A_125 : i32
        "tpu.region"() ({
          %run_scoped3A_164 = tpu.sem_alloc : memref<!tpu.dma_semaphore, #tpu.memory_space<semaphore_mem>>
          %dma_start3A_165 = arith.constant 0 : i32
          %dma_start3A_166 = tpu.memref_slice %arg7[%add3A_126, %dma_start3A_165] : memref<40x64xi32, #tpu.memory_space<vmem>> -> memref<1x64xi32, #tpu.memory_space<vmem>>
          %dma_start3A_167 = tpu.memref_squeeze %dma_start3A_166 : memref<1x64xi32, #tpu.memory_space<vmem>> -> memref<64xi32, #tpu.memory_space<vmem>>
          %dma_start3A_168 = arith.constant 0 : i32
          %dma_start3A_169 = arith.constant 0 : i32
          %dma_start3A_170 = tpu.memref_slice %arg12[%dma_start3A_168, %dma_start3A_169] : memref<10240x128xf32, #tpu.memory_space<vmem_shared>> -> memref<10240x128xf32, #tpu.memory_space<vmem_shared>>
          tpu.enqueue_indirect_dma source(%arg9 : memref<64x128xf32, #tpu.memory_space<vmem>>) target(%dma_start3A_170 : memref<10240x128xf32, #tpu.memory_space<vmem_shared>>) offsets(%dma_start3A_167 : memref<64xi32, #tpu.memory_space<vmem>>) semaphore(%run_scoped3A_164 : memref<!tpu.dma_semaphore, #tpu.memory_space<semaphore_mem>>) {add = true}
          %dma_wait3A_171 = arith.constant 0 : i32
          %dma_wait3A_172 = tpu.memref_slice %arg7[%add3A_126, %dma_wait3A_171] : memref<40x64xi32, #tpu.memory_space<vmem>> -> memref<1x64xi32, #tpu.memory_space<vmem>>
          %dma_wait3A_173 = tpu.memref_squeeze %dma_wait3A_172 : memref<1x64xi32, #tpu.memory_space<vmem>> -> memref<64xi32, #tpu.memory_space<vmem>>
          %dma_wait3A_174 = arith.constant 0 : i32
          %dma_wait3A_175 = arith.constant 0 : i32
          %dma_wait3A_176 = tpu.memref_slice %arg12[%dma_wait3A_174, %dma_wait3A_175] : memref<10240x128xf32, #tpu.memory_space<vmem_shared>> -> memref<10240x128xf32, #tpu.memory_space<vmem_shared>>
          tpu.wait_indirect_dma semaphore(%run_scoped3A_164 : memref<!tpu.dma_semaphore, #tpu.memory_space<semaphore_mem>>) src(%arg9 : memref<64x128xf32, #tpu.memory_space<vmem>>) dst(%dma_wait3A_176 : memref<10240x128xf32, #tpu.memory_space<vmem_shared>>)
          tpu.yield
        }) : () -> ()
        %add3A_127 = arith.constant 3 : i32
        %add3A_128 = arith.addi %mul3A_91, %add3A_127 : i32
        %add3A_129 = arith.constant 2 : i32
        %add3A_130 = arith.addi %add3A_128, %add3A_129 : i32
        %dma_start3A_131 = arith.constant 0 : i32
        %dma_start3A_132 = tpu.memref_slice %arg6[%add3A_130, %dma_start3A_131] : memref<40x64xi32, #tpu.memory_space<vmem>> -> memref<1x64xi32, #tpu.memory_space<vmem>>
        %dma_start3A_133 = tpu.memref_squeeze %dma_start3A_132 : memref<1x64xi32, #tpu.memory_space<vmem>> -> memref<64xi32, #tpu.memory_space<vmem>>
        %dma_start3A_134 = arith.constant 0 : i32
        %dma_start3A_135 = arith.constant 0 : i32
        %dma_start3A_136 = tpu.memref_slice %arg2[%dma_start3A_134, %dma_start3A_135] : memref<20000x128xf32, #tpu.memory_space<hbm>> -> memref<20000x128xf32, #tpu.memory_space<hbm>>
        tpu.enqueue_indirect_dma source(%dma_start3A_136 : memref<20000x128xf32, #tpu.memory_space<hbm>>) target(%arg9 : memref<64x128xf32, #tpu.memory_space<vmem>>) offsets(%dma_start3A_133 : memref<64xi32, #tpu.memory_space<vmem>>) semaphore(%arg14 : memref<!tpu.dma_semaphore, #tpu.memory_space<semaphore_mem>>)
        %dma_wait3A_137 = arith.constant 0 : i32
        %dma_wait3A_138 = arith.constant 0 : i32
        %dma_wait3A_139 = tpu.memref_slice %arg2[%dma_wait3A_137, %dma_wait3A_138] : memref<20000x128xf32, #tpu.memory_space<hbm>> -> memref<64x128xf32, #tpu.memory_space<hbm>>
        %dma_wait3A_140 = arith.constant 0 : i32
        %dma_wait3A_141 = arith.constant 0 : i32
        %dma_wait3A_142 = tpu.memref_slice %arg2[%dma_wait3A_140, %dma_wait3A_141] : memref<20000x128xf32, #tpu.memory_space<hbm>> -> memref<64x128xf32, #tpu.memory_space<hbm>>
        tpu.wait_dma2 semaphore(%arg15 : memref<!tpu.dma_semaphore, #tpu.memory_space<semaphore_mem>>) src(%dma_wait3A_142 : memref<64x128xf32, #tpu.memory_space<hbm>>) dst(%arg10 : memref<64x128xf32, #tpu.memory_space<vmem>>)
        %add3A_143 = arith.constant 2 : i32
        %add3A_144 = arith.addi %mul3A_91, %add3A_143 : i32
        "tpu.region"() ({
          %run_scoped3A_164 = tpu.sem_alloc : memref<!tpu.dma_semaphore, #tpu.memory_space<semaphore_mem>>
          %dma_start3A_165 = arith.constant 0 : i32
          %dma_start3A_166 = tpu.memref_slice %arg7[%add3A_144, %dma_start3A_165] : memref<40x64xi32, #tpu.memory_space<vmem>> -> memref<1x64xi32, #tpu.memory_space<vmem>>
          %dma_start3A_167 = tpu.memref_squeeze %dma_start3A_166 : memref<1x64xi32, #tpu.memory_space<vmem>> -> memref<64xi32, #tpu.memory_space<vmem>>
          %dma_start3A_168 = arith.constant 0 : i32
          %dma_start3A_169 = arith.constant 0 : i32
          %dma_start3A_170 = tpu.memref_slice %arg12[%dma_start3A_168, %dma_start3A_169] : memref<10240x128xf32, #tpu.memory_space<vmem_shared>> -> memref<10240x128xf32, #tpu.memory_space<vmem_shared>>
          tpu.enqueue_indirect_dma source(%arg10 : memref<64x128xf32, #tpu.memory_space<vmem>>) target(%dma_start3A_170 : memref<10240x128xf32, #tpu.memory_space<vmem_shared>>) offsets(%dma_start3A_167 : memref<64xi32, #tpu.memory_space<vmem>>) semaphore(%run_scoped3A_164 : memref<!tpu.dma_semaphore, #tpu.memory_space<semaphore_mem>>) {add = true}
          %dma_wait3A_171 = arith.constant 0 : i32
          %dma_wait3A_172 = tpu.memref_slice %arg7[%add3A_144, %dma_wait3A_171] : memref<40x64xi32, #tpu.memory_space<vmem>> -> memref<1x64xi32, #tpu.memory_space<vmem>>
          %dma_wait3A_173 = tpu.memref_squeeze %dma_wait3A_172 : memref<1x64xi32, #tpu.memory_space<vmem>> -> memref<64xi32, #tpu.memory_space<vmem>>
          %dma_wait3A_174 = arith.constant 0 : i32
          %dma_wait3A_175 = arith.constant 0 : i32
          %dma_wait3A_176 = tpu.memref_slice %arg12[%dma_wait3A_174, %dma_wait3A_175] : memref<10240x128xf32, #tpu.memory_space<vmem_shared>> -> memref<10240x128xf32, #tpu.memory_space<vmem_shared>>
          tpu.wait_indirect_dma semaphore(%run_scoped3A_164 : memref<!tpu.dma_semaphore, #tpu.memory_space<semaphore_mem>>) src(%arg10 : memref<64x128xf32, #tpu.memory_space<vmem>>) dst(%dma_wait3A_176 : memref<10240x128xf32, #tpu.memory_space<vmem_shared>>)
          tpu.yield
        }) : () -> ()
        %add3A_145 = arith.constant 3 : i32
        %add3A_146 = arith.addi %mul3A_91, %add3A_145 : i32
        %add3A_147 = arith.constant 3 : i32
        %add3A_148 = arith.addi %add3A_146, %add3A_147 : i32
        %dma_start3A_149 = arith.constant 0 : i32
        %dma_start3A_150 = tpu.memref_slice %arg6[%add3A_148, %dma_start3A_149] : memref<40x64xi32, #tpu.memory_space<vmem>> -> memref<1x64xi32, #tpu.memory_space<vmem>>
        %dma_start3A_151 = tpu.memref_squeeze %dma_start3A_150 : memref<1x64xi32, #tpu.memory_space<vmem>> -> memref<64xi32, #tpu.memory_space<vmem>>
        %dma_start3A_152 = arith.constant 0 : i32
        %dma_start3A_153 = arith.constant 0 : i32
        %dma_start3A_154 = tpu.memref_slice %arg2[%dma_start3A_152, %dma_start3A_153] : memref<20000x128xf32, #tpu.memory_space<hbm>> -> memref<20000x128xf32, #tpu.memory_space<hbm>>
        tpu.enqueue_indirect_dma source(%dma_start3A_154 : memref<20000x128xf32, #tpu.memory_space<hbm>>) target(%arg10 : memref<64x128xf32, #tpu.memory_space<vmem>>) offsets(%dma_start3A_151 : memref<64xi32, #tpu.memory_space<vmem>>) semaphore(%arg15 : memref<!tpu.dma_semaphore, #tpu.memory_space<semaphore_mem>>)
        %dma_wait3A_155 = arith.constant 0 : i32
        %dma_wait3A_156 = arith.constant 0 : i32
        %dma_wait3A_157 = tpu.memref_slice %arg2[%dma_wait3A_155, %dma_wait3A_156] : memref<20000x128xf32, #tpu.memory_space<hbm>> -> memref<64x128xf32, #tpu.memory_space<hbm>>
        %dma_wait3A_158 = arith.constant 0 : i32
        %dma_wait3A_159 = arith.constant 0 : i32
        %dma_wait3A_160 = tpu.memref_slice %arg2[%dma_wait3A_158, %dma_wait3A_159] : memref<20000x128xf32, #tpu.memory_space<hbm>> -> memref<64x128xf32, #tpu.memory_space<hbm>>
        tpu.wait_dma2 semaphore(%arg16 : memref<!tpu.dma_semaphore, #tpu.memory_space<semaphore_mem>>) src(%dma_wait3A_160 : memref<64x128xf32, #tpu.memory_space<hbm>>) dst(%arg11 : memref<64x128xf32, #tpu.memory_space<vmem>>)
        %add3A_161 = arith.constant 3 : i32
        %add3A_162 = arith.addi %mul3A_91, %add3A_161 : i32
        "tpu.region"() ({
          %run_scoped3A_164 = tpu.sem_alloc : memref<!tpu.dma_semaphore, #tpu.memory_space<semaphore_mem>>
          %dma_start3A_165 = arith.constant 0 : i32
          %dma_start3A_166 = tpu.memref_slice %arg7[%add3A_162, %dma_start3A_165] : memref<40x64xi32, #tpu.memory_space<vmem>> -> memref<1x64xi32, #tpu.memory_space<vmem>>
          %dma_start3A_167 = tpu.memref_squeeze %dma_start3A_166 : memref<1x64xi32, #tpu.memory_space<vmem>> -> memref<64xi32, #tpu.memory_space<vmem>>
          %dma_start3A_168 = arith.constant 0 : i32
          %dma_start3A_169 = arith.constant 0 : i32
          %dma_start3A_170 = tpu.memref_slice %arg12[%dma_start3A_168, %dma_start3A_169] : memref<10240x128xf32, #tpu.memory_space<vmem_shared>> -> memref<10240x128xf32, #tpu.memory_space<vmem_shared>>
          tpu.enqueue_indirect_dma source(%arg11 : memref<64x128xf32, #tpu.memory_space<vmem>>) target(%dma_start3A_170 : memref<10240x128xf32, #tpu.memory_space<vmem_shared>>) offsets(%dma_start3A_167 : memref<64xi32, #tpu.memory_space<vmem>>) semaphore(%run_scoped3A_164 : memref<!tpu.dma_semaphore, #tpu.memory_space<semaphore_mem>>) {add = true}
          %dma_wait3A_171 = arith.constant 0 : i32
          %dma_wait3A_172 = tpu.memref_slice %arg7[%add3A_162, %dma_wait3A_171] : memref<40x64xi32, #tpu.memory_space<vmem>> -> memref<1x64xi32, #tpu.memory_space<vmem>>
          %dma_wait3A_173 = tpu.memref_squeeze %dma_wait3A_172 : memref<1x64xi32, #tpu.memory_space<vmem>> -> memref<64xi32, #tpu.memory_space<vmem>>
          %dma_wait3A_174 = arith.constant 0 : i32
          %dma_wait3A_175 = arith.constant 0 : i32
          %dma_wait3A_176 = tpu.memref_slice %arg12[%dma_wait3A_174, %dma_wait3A_175] : memref<10240x128xf32, #tpu.memory_space<vmem_shared>> -> memref<10240x128xf32, #tpu.memory_space<vmem_shared>>
          tpu.wait_indirect_dma semaphore(%run_scoped3A_164 : memref<!tpu.dma_semaphore, #tpu.memory_space<semaphore_mem>>) src(%arg11 : memref<64x128xf32, #tpu.memory_space<vmem>>) dst(%dma_wait3A_176 : memref<10240x128xf32, #tpu.memory_space<vmem_shared>>)
          tpu.yield
        }) : () -> ()
        %scan3A_163 = arith.constant 0 : i32
        scf.yield %scan3A_163 : i32
      }
      %scan3A_53 = arith.constant 9 : i32
      %dma_start3A_54 = arith.constant 39 : i32
      %dma_start3A_55 = arith.constant 0 : i32
      %dma_start3A_56 = tpu.memref_slice %arg6[%dma_start3A_54, %dma_start3A_55] : memref<40x64xi32, #tpu.memory_space<vmem>> -> memref<1x64xi32, #tpu.memory_space<vmem>>
      %dma_start3A_57 = tpu.memref_squeeze %dma_start3A_56 : memref<1x64xi32, #tpu.memory_space<vmem>> -> memref<64xi32, #tpu.memory_space<vmem>>
      %dma_start3A_58 = arith.constant 0 : i32
      %dma_start3A_59 = arith.constant 0 : i32
      %dma_start3A_60 = tpu.memref_slice %arg2[%dma_start3A_58, %dma_start3A_59] : memref<20000x128xf32, #tpu.memory_space<hbm>> -> memref<20000x128xf32, #tpu.memory_space<hbm>>
      tpu.enqueue_indirect_dma source(%dma_start3A_60 : memref<20000x128xf32, #tpu.memory_space<hbm>>) target(%arg11 : memref<64x128xf32, #tpu.memory_space<vmem>>) offsets(%dma_start3A_57 : memref<64xi32, #tpu.memory_space<vmem>>) semaphore(%arg16 : memref<!tpu.dma_semaphore, #tpu.memory_space<semaphore_mem>>)
      %dma_wait3A = arith.constant 0 : i32
      %dma_wait3A_61 = arith.constant 0 : i32
      %dma_wait3A_62 = tpu.memref_slice %arg2[%dma_wait3A, %dma_wait3A_61] : memref<20000x128xf32, #tpu.memory_space<hbm>> -> memref<64x128xf32, #tpu.memory_space<hbm>>
      %dma_wait3A_63 = arith.constant 0 : i32
      %dma_wait3A_64 = arith.constant 0 : i32
      %dma_wait3A_65 = tpu.memref_slice %arg2[%dma_wait3A_63, %dma_wait3A_64] : memref<20000x128xf32, #tpu.memory_space<hbm>> -> memref<64x128xf32, #tpu.memory_space<hbm>>
      tpu.wait_dma2 semaphore(%arg13 : memref<!tpu.dma_semaphore, #tpu.memory_space<semaphore_mem>>) src(%dma_wait3A_65 : memref<64x128xf32, #tpu.memory_space<hbm>>) dst(%arg8 : memref<64x128xf32, #tpu.memory_space<vmem>>)
      %run_scoped3A = arith.constant 36 : i32
      "tpu.region"() ({
        %run_scoped3A_88 = tpu.sem_alloc : memref<!tpu.dma_semaphore, #tpu.memory_space<semaphore_mem>>
        %dma_start3A_89 = arith.constant 0 : i32
        %dma_start3A_90 = tpu.memref_slice %arg7[%run_scoped3A, %dma_start3A_89] : memref<40x64xi32, #tpu.memory_space<vmem>> -> memref<1x64xi32, #tpu.memory_space<vmem>>
        %dma_start3A_91 = tpu.memref_squeeze %dma_start3A_90 : memref<1x64xi32, #tpu.memory_space<vmem>> -> memref<64xi32, #tpu.memory_space<vmem>>
        %dma_start3A_92 = arith.constant 0 : i32
        %dma_start3A_93 = arith.constant 0 : i32
        %dma_start3A_94 = tpu.memref_slice %arg12[%dma_start3A_92, %dma_start3A_93] : memref<10240x128xf32, #tpu.memory_space<vmem_shared>> -> memref<10240x128xf32, #tpu.memory_space<vmem_shared>>
        tpu.enqueue_indirect_dma source(%arg8 : memref<64x128xf32, #tpu.memory_space<vmem>>) target(%dma_start3A_94 : memref<10240x128xf32, #tpu.memory_space<vmem_shared>>) offsets(%dma_start3A_91 : memref<64xi32, #tpu.memory_space<vmem>>) semaphore(%run_scoped3A_88 : memref<!tpu.dma_semaphore, #tpu.memory_space<semaphore_mem>>) {add = true}
        %dma_wait3A_95 = arith.constant 0 : i32
        %dma_wait3A_96 = tpu.memref_slice %arg7[%run_scoped3A, %dma_wait3A_95] : memref<40x64xi32, #tpu.memory_space<vmem>> -> memref<1x64xi32, #tpu.memory_space<vmem>>
        %dma_wait3A_97 = tpu.memref_squeeze %dma_wait3A_96 : memref<1x64xi32, #tpu.memory_space<vmem>> -> memref<64xi32, #tpu.memory_space<vmem>>
        %dma_wait3A_98 = arith.constant 0 : i32
        %dma_wait3A_99 = arith.constant 0 : i32
        %dma_wait3A_100 = tpu.memref_slice %arg12[%dma_wait3A_98, %dma_wait3A_99] : memref<10240x128xf32, #tpu.memory_space<vmem_shared>> -> memref<10240x128xf32, #tpu.memory_space<vmem_shared>>
        tpu.wait_indirect_dma semaphore(%run_scoped3A_88 : memref<!tpu.dma_semaphore, #tpu.memory_space<semaphore_mem>>) src(%arg8 : memref<64x128xf32, #tpu.memory_space<vmem>>) dst(%dma_wait3A_100 : memref<10240x128xf32, #tpu.memory_space<vmem_shared>>)
        tpu.yield
      }) : () -> ()
      %dma_wait3A_66 = arith.constant 0 : i32
      %dma_wait3A_67 = arith.constant 0 : i32
      %dma_wait3A_68 = tpu.memref_slice %arg2[%dma_wait3A_66, %dma_wait3A_67] : memref<20000x128xf32, #tpu.memory_space<hbm>> -> memref<64x128xf32, #tpu.memory_space<hbm>>
      %dma_wait3A_69 = arith.constant 0 : i32
      %dma_wait3A_70 = arith.constant 0 : i32
      %dma_wait3A_71 = tpu.memref_slice %arg2[%dma_wait3A_69, %dma_wait3A_70] : memref<20000x128xf32, #tpu.memory_space<hbm>> -> memref<64x128xf32, #tpu.memory_space<hbm>>
      tpu.wait_dma2 semaphore(%arg14 : memref<!tpu.dma_semaphore, #tpu.memory_space<semaphore_mem>>) src(%dma_wait3A_71 : memref<64x128xf32, #tpu.memory_space<hbm>>) dst(%arg9 : memref<64x128xf32, #tpu.memory_space<vmem>>)
      %run_scoped3A_72 = arith.constant 37 : i32
      "tpu.region"() ({
        %run_scoped3A_88 = tpu.sem_alloc : memref<!tpu.dma_semaphore, #tpu.memory_space<semaphore_mem>>
        %dma_start3A_89 = arith.constant 0 : i32
        %dma_start3A_90 = tpu.memref_slice %arg7[%run_scoped3A_72, %dma_start3A_89] : memref<40x64xi32, #tpu.memory_space<vmem>> -> memref<1x64xi32, #tpu.memory_space<vmem>>
        %dma_start3A_91 = tpu.memref_squeeze %dma_start3A_90 : memref<1x64xi32, #tpu.memory_space<vmem>> -> memref<64xi32, #tpu.memory_space<vmem>>
        %dma_start3A_92 = arith.constant 0 : i32
        %dma_start3A_93 = arith.constant 0 : i32
        %dma_start3A_94 = tpu.memref_slice %arg12[%dma_start3A_92, %dma_start3A_93] : memref<10240x128xf32, #tpu.memory_space<vmem_shared>> -> memref<10240x128xf32, #tpu.memory_space<vmem_shared>>
        tpu.enqueue_indirect_dma source(%arg9 : memref<64x128xf32, #tpu.memory_space<vmem>>) target(%dma_start3A_94 : memref<10240x128xf32, #tpu.memory_space<vmem_shared>>) offsets(%dma_start3A_91 : memref<64xi32, #tpu.memory_space<vmem>>) semaphore(%run_scoped3A_88 : memref<!tpu.dma_semaphore, #tpu.memory_space<semaphore_mem>>) {add = true}
        %dma_wait3A_95 = arith.constant 0 : i32
        %dma_wait3A_96 = tpu.memref_slice %arg7[%run_scoped3A_72, %dma_wait3A_95] : memref<40x64xi32, #tpu.memory_space<vmem>> -> memref<1x64xi32, #tpu.memory_space<vmem>>
        %dma_wait3A_97 = tpu.memref_squeeze %dma_wait3A_96 : memref<1x64xi32, #tpu.memory_space<vmem>> -> memref<64xi32, #tpu.memory_space<vmem>>
        %dma_wait3A_98 = arith.constant 0 : i32
        %dma_wait3A_99 = arith.constant 0 : i32
        %dma_wait3A_100 = tpu.memref_slice %arg12[%dma_wait3A_98, %dma_wait3A_99] : memref<10240x128xf32, #tpu.memory_space<vmem_shared>> -> memref<10240x128xf32, #tpu.memory_space<vmem_shared>>
        tpu.wait_indirect_dma semaphore(%run_scoped3A_88 : memref<!tpu.dma_semaphore, #tpu.memory_space<semaphore_mem>>) src(%arg9 : memref<64x128xf32, #tpu.memory_space<vmem>>) dst(%dma_wait3A_100 : memref<10240x128xf32, #tpu.memory_space<vmem_shared>>)
        tpu.yield
      }) : () -> ()
      %dma_wait3A_73 = arith.constant 0 : i32
      %dma_wait3A_74 = arith.constant 0 : i32
      %dma_wait3A_75 = tpu.memref_slice %arg2[%dma_wait3A_73, %dma_wait3A_74] : memref<20000x128xf32, #tpu.memory_space<hbm>> -> memref<64x128xf32, #tpu.memory_space<hbm>>
      %dma_wait3A_76 = arith.constant 0 : i32
      %dma_wait3A_77 = arith.constant 0 : i32
      %dma_wait3A_78 = tpu.memref_slice %arg2[%dma_wait3A_76, %dma_wait3A_77] : memref<20000x128xf32, #tpu.memory_space<hbm>> -> memref<64x128xf32, #tpu.memory_space<hbm>>
      tpu.wait_dma2 semaphore(%arg15 : memref<!tpu.dma_semaphore, #tpu.memory_space<semaphore_mem>>) src(%dma_wait3A_78 : memref<64x128xf32, #tpu.memory_space<hbm>>) dst(%arg10 : memref<64x128xf32, #tpu.memory_space<vmem>>)
      %run_scoped3A_79 = arith.constant 38 : i32
      "tpu.region"() ({
        %run_scoped3A_88 = tpu.sem_alloc : memref<!tpu.dma_semaphore, #tpu.memory_space<semaphore_mem>>
        %dma_start3A_89 = arith.constant 0 : i32
        %dma_start3A_90 = tpu.memref_slice %arg7[%run_scoped3A_79, %dma_start3A_89] : memref<40x64xi32, #tpu.memory_space<vmem>> -> memref<1x64xi32, #tpu.memory_space<vmem>>
        %dma_start3A_91 = tpu.memref_squeeze %dma_start3A_90 : memref<1x64xi32, #tpu.memory_space<vmem>> -> memref<64xi32, #tpu.memory_space<vmem>>
        %dma_start3A_92 = arith.constant 0 : i32
        %dma_start3A_93 = arith.constant 0 : i32
        %dma_start3A_94 = tpu.memref_slice %arg12[%dma_start3A_92, %dma_start3A_93] : memref<10240x128xf32, #tpu.memory_space<vmem_shared>> -> memref<10240x128xf32, #tpu.memory_space<vmem_shared>>
        tpu.enqueue_indirect_dma source(%arg10 : memref<64x128xf32, #tpu.memory_space<vmem>>) target(%dma_start3A_94 : memref<10240x128xf32, #tpu.memory_space<vmem_shared>>) offsets(%dma_start3A_91 : memref<64xi32, #tpu.memory_space<vmem>>) semaphore(%run_scoped3A_88 : memref<!tpu.dma_semaphore, #tpu.memory_space<semaphore_mem>>) {add = true}
        %dma_wait3A_95 = arith.constant 0 : i32
        %dma_wait3A_96 = tpu.memref_slice %arg7[%run_scoped3A_79, %dma_wait3A_95] : memref<40x64xi32, #tpu.memory_space<vmem>> -> memref<1x64xi32, #tpu.memory_space<vmem>>
        %dma_wait3A_97 = tpu.memref_squeeze %dma_wait3A_96 : memref<1x64xi32, #tpu.memory_space<vmem>> -> memref<64xi32, #tpu.memory_space<vmem>>
        %dma_wait3A_98 = arith.constant 0 : i32
        %dma_wait3A_99 = arith.constant 0 : i32
        %dma_wait3A_100 = tpu.memref_slice %arg12[%dma_wait3A_98, %dma_wait3A_99] : memref<10240x128xf32, #tpu.memory_space<vmem_shared>> -> memref<10240x128xf32, #tpu.memory_space<vmem_shared>>
        tpu.wait_indirect_dma semaphore(%run_scoped3A_88 : memref<!tpu.dma_semaphore, #tpu.memory_space<semaphore_mem>>) src(%arg10 : memref<64x128xf32, #tpu.memory_space<vmem>>) dst(%dma_wait3A_100 : memref<10240x128xf32, #tpu.memory_space<vmem_shared>>)
        tpu.yield
      }) : () -> ()
      %dma_wait3A_80 = arith.constant 0 : i32
      %dma_wait3A_81 = arith.constant 0 : i32
      %dma_wait3A_82 = tpu.memref_slice %arg2[%dma_wait3A_80, %dma_wait3A_81] : memref<20000x128xf32, #tpu.memory_space<hbm>> -> memref<64x128xf32, #tpu.memory_space<hbm>>
      %dma_wait3A_83 = arith.constant 0 : i32
      %dma_wait3A_84 = arith.constant 0 : i32
      %dma_wait3A_85 = tpu.memref_slice %arg2[%dma_wait3A_83, %dma_wait3A_84] : memref<20000x128xf32, #tpu.memory_space<hbm>> -> memref<64x128xf32, #tpu.memory_space<hbm>>
      tpu.wait_dma2 semaphore(%arg16 : memref<!tpu.dma_semaphore, #tpu.memory_space<semaphore_mem>>) src(%dma_wait3A_85 : memref<64x128xf32, #tpu.memory_space<hbm>>) dst(%arg11 : memref<64x128xf32, #tpu.memory_space<vmem>>)
      %run_scoped3A_86 = arith.constant 39 : i32
      "tpu.region"() ({
        %run_scoped3A_88 = tpu.sem_alloc : memref<!tpu.dma_semaphore, #tpu.memory_space<semaphore_mem>>
        %dma_start3A_89 = arith.constant 0 : i32
        %dma_start3A_90 = tpu.memref_slice %arg7[%run_scoped3A_86, %dma_start3A_89] : memref<40x64xi32, #tpu.memory_space<vmem>> -> memref<1x64xi32, #tpu.memory_space<vmem>>
        %dma_start3A_91 = tpu.memref_squeeze %dma_start3A_90 : memref<1x64xi32, #tpu.memory_space<vmem>> -> memref<64xi32, #tpu.memory_space<vmem>>
        %dma_start3A_92 = arith.constant 0 : i32
        %dma_start3A_93 = arith.constant 0 : i32
        %dma_start3A_94 = tpu.memref_slice %arg12[%dma_start3A_92, %dma_start3A_93] : memref<10240x128xf32, #tpu.memory_space<vmem_shared>> -> memref<10240x128xf32, #tpu.memory_space<vmem_shared>>
        tpu.enqueue_indirect_dma source(%arg11 : memref<64x128xf32, #tpu.memory_space<vmem>>) target(%dma_start3A_94 : memref<10240x128xf32, #tpu.memory_space<vmem_shared>>) offsets(%dma_start3A_91 : memref<64xi32, #tpu.memory_space<vmem>>) semaphore(%run_scoped3A_88 : memref<!tpu.dma_semaphore, #tpu.memory_space<semaphore_mem>>) {add = true}
        %dma_wait3A_95 = arith.constant 0 : i32
        %dma_wait3A_96 = tpu.memref_slice %arg7[%run_scoped3A_86, %dma_wait3A_95] : memref<40x64xi32, #tpu.memory_space<vmem>> -> memref<1x64xi32, #tpu.memory_space<vmem>>
        %dma_wait3A_97 = tpu.memref_squeeze %dma_wait3A_96 : memref<1x64xi32, #tpu.memory_space<vmem>> -> memref<64xi32, #tpu.memory_space<vmem>>
        %dma_wait3A_98 = arith.constant 0 : i32
        %dma_wait3A_99 = arith.constant 0 : i32
        %dma_wait3A_100 = tpu.memref_slice %arg12[%dma_wait3A_98, %dma_wait3A_99] : memref<10240x128xf32, #tpu.memory_space<vmem_shared>> -> memref<10240x128xf32, #tpu.memory_space<vmem_shared>>
        tpu.wait_indirect_dma semaphore(%run_scoped3A_88 : memref<!tpu.dma_semaphore, #tpu.memory_space<semaphore_mem>>) src(%arg11 : memref<64x128xf32, #tpu.memory_space<vmem>>) dst(%dma_wait3A_100 : memref<10240x128xf32, #tpu.memory_space<vmem_shared>>)
        tpu.yield
      }) : () -> ()
      %scan3A_87 = arith.constant 0 : i32
      scf.yield %scan3A_87 : i32
    }
    %scan3A_20 = arith.constant 4 : i32
    %barrier3A_21 = arith.constant 0 : index
    tpu.barrier barrier_id(%barrier3A_21)
    %mul3A = arith.constant 640 : i32
    %mul3A_22 = arith.muli %arg1, %mul3A : i32
    %mul3A_23 = arith.constant 640 : i32
    %mul3A_24 = arith.muli %arg1, %mul3A_23 : i32
    "tpu.region"() ({
      %run_scoped3A = tpu.sem_alloc : memref<!tpu.dma_semaphore, #tpu.memory_space<semaphore_mem>>
      %dma_start3A = arith.constant 0 : i32
      %dma_start3A_25 = tpu.memref_slice %arg5[%arg0, %mul3A_24, %dma_start3A] : memref<2x10240x128xf32, #tpu.memory_space<hbm>> -> memref<1x640x128xf32, #tpu.memory_space<hbm>>
      %dma_start3A_26 = tpu.memref_squeeze %dma_start3A_25 : memref<1x640x128xf32, #tpu.memory_space<hbm>> -> memref<640x128xf32, #tpu.memory_space<hbm>>
      %dma_start3A_27 = arith.constant 0 : i32
      %dma_start3A_28 = tpu.memref_slice %arg12[%mul3A_22, %dma_start3A_27] : memref<10240x128xf32, #tpu.memory_space<vmem_shared>> -> memref<640x128xf32, #tpu.memory_space<vmem_shared>>
      tpu.enqueue_dma source(%dma_start3A_28 : memref<640x128xf32, #tpu.memory_space<vmem_shared>>) target(%dma_start3A_26 : memref<640x128xf32, #tpu.memory_space<hbm>>) target_semaphore(%run_scoped3A : memref<!tpu.dma_semaphore, #tpu.memory_space<semaphore_mem>>)
      %dma_wait3A = arith.constant 0 : i32
      %dma_wait3A_29 = tpu.memref_slice %arg5[%arg0, %mul3A_24, %dma_wait3A] : memref<2x10240x128xf32, #tpu.memory_space<hbm>> -> memref<1x640x128xf32, #tpu.memory_space<hbm>>
      %dma_wait3A_30 = tpu.memref_squeeze %dma_wait3A_29 : memref<1x640x128xf32, #tpu.memory_space<hbm>> -> memref<640x128xf32, #tpu.memory_space<hbm>>
      %dma_wait3A_31 = arith.constant 0 : i32
      %dma_wait3A_32 = tpu.memref_slice %arg12[%mul3A_22, %dma_wait3A_31] : memref<10240x128xf32, #tpu.memory_space<vmem_shared>> -> memref<640x128xf32, #tpu.memory_space<vmem_shared>>
      tpu.wait_dma2 semaphore(%run_scoped3A : memref<!tpu.dma_semaphore, #tpu.memory_space<semaphore_mem>>) src(%dma_wait3A_32 : memref<640x128xf32, #tpu.memory_space<vmem_shared>>) dst(%dma_wait3A_30 : memref<640x128xf32, #tpu.memory_space<hbm>>)
      tpu.yield
    }) : () -> ()
    return
  }
}

#map = affine_map<(d0, d1) -> (0, 0, 0, 0)>
#map1 = affine_map<(d0, d1) -> (0, 0)>
module attributes {stable_mosaic.version = 14 : i64} {
  func.func @_degree(%arg0: i32, %arg1: i32, %arg2: memref<2x16x40x128xi32, #tpu.memory_space<hbm>>, %arg3: memref<2x10240xf32, #tpu.memory_space<hbm>>, %arg4: memref<40x128xi32, #tpu.memory_space<vmem>>, %arg5: memref<128xf32, #tpu.memory_space<vmem>>, %arg6: memref<640xf32, #tpu.memory_space<vmem>>, %arg7: memref<10240xf32, #tpu.memory_space<vmem_shared>>) attributes {dimension_semantics = [#tpu.dimension_semantics<core_parallel>, #tpu.dimension_semantics<subcore_parallel>], iteration_bounds = array<i64: 2, 16>, scalar_prefetch = 0 : i64, scratch_operands = 4 : i64, tpu.core_type = #tpu.core_type<sc_vector_subcore>, window_params = [{transform_indices = #map}, {transform_indices = #map1}]} {
    %broadcast_in_dim3A = arith.constant 0.000000e+00 : f32
    %broadcast_in_dim3A_0 = vector.broadcast %broadcast_in_dim3A : f32 to vector<16xf32>
    %scan3A = arith.constant 0 : i32
    %scan3A_1 = arith.constant 0 : i32
    %scan3A_2 = arith.constant 40 : i32
    %scan3A_3 = arith.addi %scan3A_1, %scan3A_2 : i32
    %scan3A_4 = arith.constant 1 : i32
    %scan3A_5 = scf.for %scan3A_29 = %scan3A_1 to %scan3A_3 step %scan3A_4 iter_args(%scan3A_30 = %scan3A) -> (i32)  : i32 {
      %mul3A_31 = arith.constant 16 : i32
      %mul3A_32 = arith.muli %scan3A_29, %mul3A_31 : i32
      %swap3A = arith.index_cast %mul3A_32 : i32 to index
      %swap3A_33 = tpu.vector_load %arg6[%swap3A] {strides = array<i32>} : memref<640xf32, #tpu.memory_space<vmem>>, vector<16xf32>,
      %swap3A_34 = vector.shape_cast %swap3A_33 : vector<16xf32> to vector<16xf32>
      %swap3A_35 = vector.shape_cast %broadcast_in_dim3A_0 : vector<16xf32> to vector<16xf32>
      tpu.vector_store %arg6[%swap3A], %swap3A_35 {strides = array<i32>} : memref<640xf32, #tpu.memory_space<vmem>>, vector<16xf32>,
      %scan3A_36 = arith.constant 0 : i32
      scf.yield %scan3A_36 : i32
    }
    %scan3A_6 = arith.constant 40 : i32
    %broadcast_in_dim3A_7 = arith.constant 1.000000e+00 : f32
    %broadcast_in_dim3A_8 = vector.broadcast %broadcast_in_dim3A_7 : f32 to vector<16xf32>
    %scan3A_9 = arith.constant 0 : i32
    %scan3A_10 = arith.constant 0 : i32
    %scan3A_11 = arith.constant 8 : i32
    %scan3A_12 = arith.addi %scan3A_10, %scan3A_11 : i32
    %scan3A_13 = arith.constant 1 : i32
    %scan3A_14 = scf.for %scan3A_29 = %scan3A_10 to %scan3A_12 step %scan3A_13 iter_args(%scan3A_30 = %scan3A_9) -> (i32)  : i32 {
      %mul3A_31 = arith.constant 16 : i32
      %mul3A_32 = arith.muli %scan3A_29, %mul3A_31 : i32
      %swap3A = arith.index_cast %mul3A_32 : i32 to index
      %swap3A_33 = tpu.vector_load %arg5[%swap3A] {strides = array<i32>} : memref<128xf32, #tpu.memory_space<vmem>>, vector<16xf32>,
      %swap3A_34 = vector.shape_cast %swap3A_33 : vector<16xf32> to vector<16xf32>
      %swap3A_35 = vector.shape_cast %broadcast_in_dim3A_8 : vector<16xf32> to vector<16xf32>
      tpu.vector_store %arg5[%swap3A], %swap3A_35 {strides = array<i32>} : memref<128xf32, #tpu.memory_space<vmem>>, vector<16xf32>,
      %scan3A_36 = arith.constant 0 : i32
      scf.yield %scan3A_36 : i32
    }
    %scan3A_15 = arith.constant 8 : i32
    %mul3A = arith.constant 640 : i32
    %mul3A_16 = arith.muli %arg1, %mul3A : i32
    "tpu.region"() ({
      %run_scoped3A = tpu.sem_alloc : memref<!tpu.dma_semaphore, #tpu.memory_space<semaphore_mem>>
      %dma_start3A = tpu.memref_slice %arg7[%mul3A_16] : memref<10240xf32, #tpu.memory_space<vmem_shared>> -> memref<640xf32, #tpu.memory_space<vmem_shared>>
      %dma_start3A_29 = tpu.memref_slice %arg7[%mul3A_16] : memref<10240xf32, #tpu.memory_space<vmem_shared>> -> memref<640xf32, #tpu.memory_space<vmem_shared>>
      tpu.enqueue_dma source(%arg6 : memref<640xf32, #tpu.memory_space<vmem>>) target(%dma_start3A_29 : memref<640xf32, #tpu.memory_space<vmem_shared>>) target_semaphore(%run_scoped3A : memref<!tpu.dma_semaphore, #tpu.memory_space<semaphore_mem>>)
      %dma_wait3A = tpu.memref_slice %arg7[%mul3A_16] : memref<10240xf32, #tpu.memory_space<vmem_shared>> -> memref<640xf32, #tpu.memory_space<vmem_shared>>
      %dma_wait3A_30 = tpu.memref_slice %arg7[%mul3A_16] : memref<10240xf32, #tpu.memory_space<vmem_shared>> -> memref<640xf32, #tpu.memory_space<vmem_shared>>
      tpu.wait_dma2 semaphore(%run_scoped3A : memref<!tpu.dma_semaphore, #tpu.memory_space<semaphore_mem>>) src(%arg6 : memref<640xf32, #tpu.memory_space<vmem>>) dst(%dma_wait3A_30 : memref<640xf32, #tpu.memory_space<vmem_shared>>)
      tpu.yield
    }) : () -> ()
    "tpu.region"() ({
      %run_scoped3A = tpu.sem_alloc : memref<!tpu.dma_semaphore, #tpu.memory_space<semaphore_mem>>
      %dma_start3A = arith.constant 0 : i32
      %dma_start3A_29 = arith.constant 0 : i32
      %dma_start3A_30 = tpu.memref_slice %arg2[%arg0, %arg1, %dma_start3A, %dma_start3A_29] : memref<2x16x40x128xi32, #tpu.memory_space<hbm>> -> memref<1x1x40x128xi32, #tpu.memory_space<hbm>>
      %dma_start3A_31 = tpu.memref_squeeze %dma_start3A_30 : memref<1x1x40x128xi32, #tpu.memory_space<hbm>> -> memref<40x128xi32, #tpu.memory_space<hbm>>
      %dma_start3A_32 = arith.constant 0 : i32
      %dma_start3A_33 = arith.constant 0 : i32
      %dma_start3A_34 = tpu.memref_slice %arg2[%arg0, %arg1, %dma_start3A_32, %dma_start3A_33] : memref<2x16x40x128xi32, #tpu.memory_space<hbm>> -> memref<1x1x40x128xi32, #tpu.memory_space<hbm>>
      %dma_start3A_35 = tpu.memref_squeeze %dma_start3A_34 : memref<1x1x40x128xi32, #tpu.memory_space<hbm>> -> memref<40x128xi32, #tpu.memory_space<hbm>>
      tpu.enqueue_dma source(%dma_start3A_35 : memref<40x128xi32, #tpu.memory_space<hbm>>) target(%arg4 : memref<40x128xi32, #tpu.memory_space<vmem>>) target_semaphore(%run_scoped3A : memref<!tpu.dma_semaphore, #tpu.memory_space<semaphore_mem>>)
      %dma_wait3A = arith.constant 0 : i32
      %dma_wait3A_36 = arith.constant 0 : i32
      %dma_wait3A_37 = tpu.memref_slice %arg2[%arg0, %arg1, %dma_wait3A, %dma_wait3A_36] : memref<2x16x40x128xi32, #tpu.memory_space<hbm>> -> memref<1x1x40x128xi32, #tpu.memory_space<hbm>>
      %dma_wait3A_38 = tpu.memref_squeeze %dma_wait3A_37 : memref<1x1x40x128xi32, #tpu.memory_space<hbm>> -> memref<40x128xi32, #tpu.memory_space<hbm>>
      %dma_wait3A_39 = arith.constant 0 : i32
      %dma_wait3A_40 = arith.constant 0 : i32
      %dma_wait3A_41 = tpu.memref_slice %arg2[%arg0, %arg1, %dma_wait3A_39, %dma_wait3A_40] : memref<2x16x40x128xi32, #tpu.memory_space<hbm>> -> memref<1x1x40x128xi32, #tpu.memory_space<hbm>>
      %dma_wait3A_42 = tpu.memref_squeeze %dma_wait3A_41 : memref<1x1x40x128xi32, #tpu.memory_space<hbm>> -> memref<40x128xi32, #tpu.memory_space<hbm>>
      tpu.wait_dma2 semaphore(%run_scoped3A : memref<!tpu.dma_semaphore, #tpu.memory_space<semaphore_mem>>) src(%dma_wait3A_42 : memref<40x128xi32, #tpu.memory_space<hbm>>) dst(%arg4 : memref<40x128xi32, #tpu.memory_space<vmem>>)
      tpu.yield
    }) : () -> ()
    %barrier3A = arith.constant 0 : index
    tpu.barrier barrier_id(%barrier3A)
    %scan3A_17 = arith.constant 0 : i32
    %scan3A_18 = arith.constant 0 : i32
    %scan3A_19 = arith.constant 40 : i32
    %scan3A_20 = arith.addi %scan3A_18, %scan3A_19 : i32
    %scan3A_21 = arith.constant 1 : i32
    %scan3A_22 = scf.for %scan3A_29 = %scan3A_18 to %scan3A_20 step %scan3A_21 iter_args(%scan3A_30 = %scan3A_17) -> (i32)  : i32 {
      "tpu.region"() ({
        %run_scoped3A = tpu.sem_alloc : memref<!tpu.dma_semaphore, #tpu.memory_space<semaphore_mem>>
        %dma_start3A = arith.constant 0 : i32
        %dma_start3A_32 = tpu.memref_slice %arg4[%scan3A_29, %dma_start3A] : memref<40x128xi32, #tpu.memory_space<vmem>> -> memref<1x128xi32, #tpu.memory_space<vmem>>
        %dma_start3A_33 = tpu.memref_squeeze %dma_start3A_32 : memref<1x128xi32, #tpu.memory_space<vmem>> -> memref<128xi32, #tpu.memory_space<vmem>>
        %dma_start3A_34 = arith.constant 0 : i32
        %dma_start3A_35 = tpu.memref_slice %arg7[%dma_start3A_34] : memref<10240xf32, #tpu.memory_space<vmem_shared>> -> memref<10240xf32, #tpu.memory_space<vmem_shared>>
        tpu.enqueue_indirect_dma source(%arg5 : memref<128xf32, #tpu.memory_space<vmem>>) target(%dma_start3A_35 : memref<10240xf32, #tpu.memory_space<vmem_shared>>) offsets(%dma_start3A_33 : memref<128xi32, #tpu.memory_space<vmem>>) semaphore(%run_scoped3A : memref<!tpu.dma_semaphore, #tpu.memory_space<semaphore_mem>>) {add = true}
        %dma_wait3A = arith.constant 0 : i32
        %dma_wait3A_36 = tpu.memref_slice %arg4[%scan3A_29, %dma_wait3A] : memref<40x128xi32, #tpu.memory_space<vmem>> -> memref<1x128xi32, #tpu.memory_space<vmem>>
        %dma_wait3A_37 = tpu.memref_squeeze %dma_wait3A_36 : memref<1x128xi32, #tpu.memory_space<vmem>> -> memref<128xi32, #tpu.memory_space<vmem>>
        %dma_wait3A_38 = arith.constant 0 : i32
        %dma_wait3A_39 = tpu.memref_slice %arg7[%dma_wait3A_38] : memref<10240xf32, #tpu.memory_space<vmem_shared>> -> memref<10240xf32, #tpu.memory_space<vmem_shared>>
        tpu.wait_indirect_dma semaphore(%run_scoped3A : memref<!tpu.dma_semaphore, #tpu.memory_space<semaphore_mem>>) src(%arg5 : memref<128xf32, #tpu.memory_space<vmem>>) dst(%dma_wait3A_39 : memref<10240xf32, #tpu.memory_space<vmem_shared>>)
        tpu.yield
      }) : () -> ()
      %scan3A_31 = arith.constant 0 : i32
      scf.yield %scan3A_31 : i32
    }
    %scan3A_23 = arith.constant 40 : i32
    %barrier3A_24 = arith.constant 0 : index
    tpu.barrier barrier_id(%barrier3A_24)
    %mul3A_25 = arith.constant 640 : i32
    %mul3A_26 = arith.muli %arg1, %mul3A_25 : i32
    %mul3A_27 = arith.constant 640 : i32
    %mul3A_28 = arith.muli %arg1, %mul3A_27 : i32
    "tpu.region"() ({
      %run_scoped3A = tpu.sem_alloc : memref<!tpu.dma_semaphore, #tpu.memory_space<semaphore_mem>>
      %dma_start3A = tpu.memref_slice %arg3[%arg0, %mul3A_28] : memref<2x10240xf32, #tpu.memory_space<hbm>> -> memref<1x640xf32, #tpu.memory_space<hbm>>
      %dma_start3A_29 = tpu.memref_squeeze %dma_start3A : memref<1x640xf32, #tpu.memory_space<hbm>> -> memref<640xf32, #tpu.memory_space<hbm>>
      %dma_start3A_30 = tpu.memref_slice %arg7[%mul3A_26] : memref<10240xf32, #tpu.memory_space<vmem_shared>> -> memref<640xf32, #tpu.memory_space<vmem_shared>>
      tpu.enqueue_dma source(%dma_start3A_30 : memref<640xf32, #tpu.memory_space<vmem_shared>>) target(%dma_start3A_29 : memref<640xf32, #tpu.memory_space<hbm>>) target_semaphore(%run_scoped3A : memref<!tpu.dma_semaphore, #tpu.memory_space<semaphore_mem>>)
      %dma_wait3A = tpu.memref_slice %arg3[%arg0, %mul3A_28] : memref<2x10240xf32, #tpu.memory_space<hbm>> -> memref<1x640xf32, #tpu.memory_space<hbm>>
      %dma_wait3A_31 = tpu.memref_squeeze %dma_wait3A : memref<1x640xf32, #tpu.memory_space<hbm>> -> memref<640xf32, #tpu.memory_space<hbm>>
      %dma_wait3A_32 = tpu.memref_slice %arg7[%mul3A_26] : memref<10240xf32, #tpu.memory_space<vmem_shared>> -> memref<640xf32, #tpu.memory_space<vmem_shared>>
      tpu.wait_dma2 semaphore(%run_scoped3A : memref<!tpu.dma_semaphore, #tpu.memory_space<semaphore_mem>>) src(%dma_wait3A_32 : memref<640xf32, #tpu.memory_space<vmem_shared>>) dst(%dma_wait3A_31 : memref<640xf32, #tpu.memory_space<hbm>>)
      tpu.yield
    }) : () -> ()
    return
  }
}

#map = affine_map<(d0, d1) -> (0, 0)>
#map1 = affine_map<(d0, d1) -> (0, 0, 0, 0, 0)>
#map2 = affine_map<(d0, d1) -> (0, 0, 0, 0)>
#map3 = affine_map<(d0, d1) -> (0, 0, 0)>
module attributes {stable_mosaic.version = 14 : i64} {
  func.func @_propagate(%arg0: i32, %arg1: i32, %arg2: memref<20000x128xf32, #tpu.memory_space<hbm>>, %arg3: memref<2x16x4x40x64xi32, #tpu.memory_space<hbm>>, %arg4: memref<16x4x40x64xi32, #tpu.memory_space<hbm>>, %arg5: memref<2x10240x128xf32, #tpu.memory_space<hbm>>, %arg6: memref<40x64xi32, #tpu.memory_space<vmem>>, %arg7: memref<40x64xi32, #tpu.memory_space<vmem>>, %arg8: memref<64x128xf32, #tpu.memory_space<vmem>>, %arg9: memref<64x128xf32, #tpu.memory_space<vmem>>, %arg10: memref<64x128xf32, #tpu.memory_space<vmem>>, %arg11: memref<64x128xf32, #tpu.memory_space<vmem>>, %arg12: memref<10240x128xf32, #tpu.memory_space<vmem_shared>>, %arg13: memref<!tpu.dma_semaphore, #tpu.memory_space<semaphore_mem>>, %arg14: memref<!tpu.dma_semaphore, #tpu.memory_space<semaphore_mem>>, %arg15: memref<!tpu.dma_semaphore, #tpu.memory_space<semaphore_mem>>, %arg16: memref<!tpu.dma_semaphore, #tpu.memory_space<semaphore_mem>>) attributes {dimension_semantics = [#tpu.dimension_semantics<core_parallel>, #tpu.dimension_semantics<subcore_parallel>], iteration_bounds = array<i64: 2, 16>, scalar_prefetch = 0 : i64, scratch_operands = 11 : i64, tpu.core_type = #tpu.core_type<sc_vector_subcore>, window_params = [{transform_indices = #map}, {transform_indices = #map1}, {transform_indices = #map2}, {transform_indices = #map3}]} {
    %broadcast_in_dim3A = arith.constant 0.000000e+00 : f32
    %broadcast_in_dim3A_0 = vector.broadcast %broadcast_in_dim3A : f32 to vector<16xf32>
    %scan3A = arith.constant 0 : i32
    %scan3A_1 = arith.constant 0 : i32
    %scan3A_2 = arith.constant 512 : i32
    %scan3A_3 = arith.addi %scan3A_1, %scan3A_2 : i32
    %scan3A_4 = arith.constant 1 : i32
    %scan3A_5 = scf.for %scan3A_25 = %scan3A_1 to %scan3A_3 step %scan3A_4 iter_args(%scan3A_26 = %scan3A) -> (i32)  : i32 {
      %jit3A = arith.constant 8 : i32
      %div3A = arith.divsi %scan3A_25, %jit3A : i32
      %sign3A = arith.constant 0 : i32
      %sign3A_27 = arith.cmpi sgt, %scan3A_25, %sign3A : i32
      %sign3A_28 = arith.extui %sign3A_27 : i1 to i32
      %sign3A_29 = arith.constant 0 : i32
      %sign3A_30 = arith.cmpi slt, %scan3A_25, %sign3A_29 : i32
      %sign3A_31 = arith.extui %sign3A_30 : i1 to i32
      %sign3A_32 = arith.subi %sign3A_28, %sign3A_31 : i32
      %sign3A_33 = arith.constant 0 : i32
      %sign3A_34 = arith.cmpi sgt, %jit3A, %sign3A_33 : i32
      %sign3A_35 = arith.extui %sign3A_34 : i1 to i32
      %sign3A_36 = arith.constant 0 : i32
      %sign3A_37 = arith.cmpi slt, %jit3A, %sign3A_36 : i32
      %sign3A_38 = arith.extui %sign3A_37 : i1 to i32
      %sign3A_39 = arith.subi %sign3A_35, %sign3A_38 : i32
      %ne3A = arith.cmpi ne, %sign3A_32, %sign3A_39 : i32
      %rem3A = arith.remsi %scan3A_25, %jit3A : i32
      %ne3A_40 = arith.constant 0 : i32
      %ne3A_41 = arith.cmpi ne, %rem3A, %ne3A_40 : i32
      %and3A = arith.andi %ne3A, %ne3A_41 : i1
      %sub3A = arith.constant 1 : i32
      %sub3A_42 = arith.subi %div3A, %sub3A : i32
      %select_n3A = arith.select %and3A, %sub3A_42, %div3A : i32
      %mul3A_43 = arith.constant 8 : i32
      %mul3A_44 = arith.muli %select_n3A, %mul3A_43 : i32
      %sub3A_45 = arith.subi %scan3A_25, %mul3A_44 : i32
      %mul3A_46 = arith.constant 16 : i32
      %mul3A_47 = arith.muli %sub3A_45, %mul3A_46 : i32
      %swap3A = arith.index_cast %select_n3A : i32 to index
      %swap3A_48 = arith.index_cast %mul3A_47 : i32 to index
      %swap3A_49 = tpu.vector_load %arg8[%swap3A, %swap3A_48] {strides = array<i32>} : memref<64x128xf32, #tpu.memory_space<vmem>>, vector<1x16xf32>,
      %swap3A_50 = vector.shape_cast %swap3A_49 : vector<1x16xf32> to vector<16xf32>
      %swap3A_51 = vector.shape_cast %broadcast_in_dim3A_0 : vector<16xf32> to vector<1x16xf32>
      tpu.vector_store %arg8[%swap3A, %swap3A_48], %swap3A_51 {strides = array<i32>} : memref<64x128xf32, #tpu.memory_space<vmem>>, vector<1x16xf32>,
      %scan3A_52 = arith.constant 0 : i32
      scf.yield %scan3A_52 : i32
    }
    %scan3A_6 = arith.constant 512 : i32
    %scan3A_7 = arith.constant 0 : i32
    %scan3A_8 = arith.constant 0 : i32
    %scan3A_9 = arith.constant 10 : i32
    %scan3A_10 = arith.addi %scan3A_8, %scan3A_9 : i32
    %scan3A_11 = arith.constant 1 : i32
    %scan3A_12 = scf.for %scan3A_25 = %scan3A_8 to %scan3A_10 step %scan3A_11 iter_args(%scan3A_26 = %scan3A_7) -> (i32)  : i32 {
      %mul3A_27 = arith.constant 640 : i32
      %mul3A_28 = arith.muli %arg1, %mul3A_27 : i32
      %mul3A_29 = arith.constant 64 : i32
      %mul3A_30 = arith.muli %scan3A_25, %mul3A_29 : i32
      %add3A = arith.addi %mul3A_28, %mul3A_30 : i32
      "tpu.region"() ({
        %run_scoped3A = tpu.sem_alloc : memref<!tpu.dma_semaphore, #tpu.memory_space<semaphore_mem>>
        %dma_start3A = arith.constant 0 : i32
        %dma_start3A_32 = tpu.memref_slice %arg12[%add3A, %dma_start3A] : memref<10240x128xf32, #tpu.memory_space<vmem_shared>> -> memref<64x128xf32, #tpu.memory_space<vmem_shared>>
        %dma_start3A_33 = arith.constant 0 : i32
        %dma_start3A_34 = tpu.memref_slice %arg12[%add3A, %dma_start3A_33] : memref<10240x128xf32, #tpu.memory_space<vmem_shared>> -> memref<64x128xf32, #tpu.memory_space<vmem_shared>>
        tpu.enqueue_dma source(%arg8 : memref<64x128xf32, #tpu.memory_space<vmem>>) target(%dma_start3A_34 : memref<64x128xf32, #tpu.memory_space<vmem_shared>>) target_semaphore(%run_scoped3A : memref<!tpu.dma_semaphore, #tpu.memory_space<semaphore_mem>>)
        %dma_wait3A = arith.constant 0 : i32
        %dma_wait3A_35 = tpu.memref_slice %arg12[%add3A, %dma_wait3A] : memref<10240x128xf32, #tpu.memory_space<vmem_shared>> -> memref<64x128xf32, #tpu.memory_space<vmem_shared>>
        %dma_wait3A_36 = arith.constant 0 : i32
        %dma_wait3A_37 = tpu.memref_slice %arg12[%add3A, %dma_wait3A_36] : memref<10240x128xf32, #tpu.memory_space<vmem_shared>> -> memref<64x128xf32, #tpu.memory_space<vmem_shared>>
        tpu.wait_dma2 semaphore(%run_scoped3A : memref<!tpu.dma_semaphore, #tpu.memory_space<semaphore_mem>>) src(%arg8 : memref<64x128xf32, #tpu.memory_space<vmem>>) dst(%dma_wait3A_37 : memref<64x128xf32, #tpu.memory_space<vmem_shared>>)
        tpu.yield
      }) : () -> ()
      %scan3A_31 = arith.constant 0 : i32
      scf.yield %scan3A_31 : i32
    }
    %scan3A_13 = arith.constant 10 : i32
    %barrier3A = arith.constant 0 : index
    tpu.barrier barrier_id(%barrier3A)
    %scan3A_14 = arith.constant 0 : i32
    %scan3A_15 = arith.constant 0 : i32
    %scan3A_16 = arith.constant 4 : i32
    %scan3A_17 = arith.addi %scan3A_15, %scan3A_16 : i32
    %scan3A_18 = arith.constant 1 : i32
    %scan3A_19 = scf.for %scan3A_25 = %scan3A_15 to %scan3A_17 step %scan3A_18 iter_args(%scan3A_26 = %scan3A_14) -> (i32)  : i32 {
      "tpu.region"() ({
        %run_scoped3A_88 = tpu.sem_alloc : memref<!tpu.dma_semaphore, #tpu.memory_space<semaphore_mem>>
        %dma_start3A_89 = arith.constant 0 : i32
        %dma_start3A_90 = arith.constant 0 : i32
        %dma_start3A_91 = tpu.memref_slice %arg3[%arg0, %arg1, %scan3A_25, %dma_start3A_89, %dma_start3A_90] : memref<2x16x4x40x64xi32, #tpu.memory_space<hbm>> -> memref<1x1x1x40x64xi32, #tpu.memory_space<hbm>>
        %dma_start3A_92 = tpu.memref_squeeze %dma_start3A_91 : memref<1x1x1x40x64xi32, #tpu.memory_space<hbm>> -> memref<40x64xi32, #tpu.memory_space<hbm>>
        %dma_start3A_93 = arith.constant 0 : i32
        %dma_start3A_94 = arith.constant 0 : i32
        %dma_start3A_95 = tpu.memref_slice %arg3[%arg0, %arg1, %scan3A_25, %dma_start3A_93, %dma_start3A_94] : memref<2x16x4x40x64xi32, #tpu.memory_space<hbm>> -> memref<1x1x1x40x64xi32, #tpu.memory_space<hbm>>
        %dma_start3A_96 = tpu.memref_squeeze %dma_start3A_95 : memref<1x1x1x40x64xi32, #tpu.memory_space<hbm>> -> memref<40x64xi32, #tpu.memory_space<hbm>>
        tpu.enqueue_dma source(%dma_start3A_96 : memref<40x64xi32, #tpu.memory_space<hbm>>) target(%arg6 : memref<40x64xi32, #tpu.memory_space<vmem>>) target_semaphore(%run_scoped3A_88 : memref<!tpu.dma_semaphore, #tpu.memory_space<semaphore_mem>>)
        %dma_wait3A_97 = arith.constant 0 : i32
        %dma_wait3A_98 = arith.constant 0 : i32
        %dma_wait3A_99 = tpu.memref_slice %arg3[%arg0, %arg1, %scan3A_25, %dma_wait3A_97, %dma_wait3A_98] : memref<2x16x4x40x64xi32, #tpu.memory_space<hbm>> -> memref<1x1x1x40x64xi32, #tpu.memory_space<hbm>>
        %dma_wait3A_100 = tpu.memref_squeeze %dma_wait3A_99 : memref<1x1x1x40x64xi32, #tpu.memory_space<hbm>> -> memref<40x64xi32, #tpu.memory_space<hbm>>
        %dma_wait3A_101 = arith.constant 0 : i32
        %dma_wait3A_102 = arith.constant 0 : i32
        %dma_wait3A_103 = tpu.memref_slice %arg3[%arg0, %arg1, %scan3A_25, %dma_wait3A_101, %dma_wait3A_102] : memref<2x16x4x40x64xi32, #tpu.memory_space<hbm>> -> memref<1x1x1x40x64xi32, #tpu.memory_space<hbm>>
        %dma_wait3A_104 = tpu.memref_squeeze %dma_wait3A_103 : memref<1x1x1x40x64xi32, #tpu.memory_space<hbm>> -> memref<40x64xi32, #tpu.memory_space<hbm>>
        tpu.wait_dma2 semaphore(%run_scoped3A_88 : memref<!tpu.dma_semaphore, #tpu.memory_space<semaphore_mem>>) src(%dma_wait3A_104 : memref<40x64xi32, #tpu.memory_space<hbm>>) dst(%arg6 : memref<40x64xi32, #tpu.memory_space<vmem>>)
        tpu.yield
      }) : () -> ()
      "tpu.region"() ({
        %run_scoped3A_88 = tpu.sem_alloc : memref<!tpu.dma_semaphore, #tpu.memory_space<semaphore_mem>>
        %dma_start3A_89 = arith.constant 0 : i32
        %dma_start3A_90 = arith.constant 0 : i32
        %dma_start3A_91 = tpu.memref_slice %arg4[%arg1, %scan3A_25, %dma_start3A_89, %dma_start3A_90] : memref<16x4x40x64xi32, #tpu.memory_space<hbm>> -> memref<1x1x40x64xi32, #tpu.memory_space<hbm>>
        %dma_start3A_92 = tpu.memref_squeeze %dma_start3A_91 : memref<1x1x40x64xi32, #tpu.memory_space<hbm>> -> memref<40x64xi32, #tpu.memory_space<hbm>>
        %dma_start3A_93 = arith.constant 0 : i32
        %dma_start3A_94 = arith.constant 0 : i32
        %dma_start3A_95 = tpu.memref_slice %arg4[%arg1, %scan3A_25, %dma_start3A_93, %dma_start3A_94] : memref<16x4x40x64xi32, #tpu.memory_space<hbm>> -> memref<1x1x40x64xi32, #tpu.memory_space<hbm>>
        %dma_start3A_96 = tpu.memref_squeeze %dma_start3A_95 : memref<1x1x40x64xi32, #tpu.memory_space<hbm>> -> memref<40x64xi32, #tpu.memory_space<hbm>>
        tpu.enqueue_dma source(%dma_start3A_96 : memref<40x64xi32, #tpu.memory_space<hbm>>) target(%arg7 : memref<40x64xi32, #tpu.memory_space<vmem>>) target_semaphore(%run_scoped3A_88 : memref<!tpu.dma_semaphore, #tpu.memory_space<semaphore_mem>>)
        %dma_wait3A_97 = arith.constant 0 : i32
        %dma_wait3A_98 = arith.constant 0 : i32
        %dma_wait3A_99 = tpu.memref_slice %arg4[%arg1, %scan3A_25, %dma_wait3A_97, %dma_wait3A_98] : memref<16x4x40x64xi32, #tpu.memory_space<hbm>> -> memref<1x1x40x64xi32, #tpu.memory_space<hbm>>
        %dma_wait3A_100 = tpu.memref_squeeze %dma_wait3A_99 : memref<1x1x40x64xi32, #tpu.memory_space<hbm>> -> memref<40x64xi32, #tpu.memory_space<hbm>>
        %dma_wait3A_101 = arith.constant 0 : i32
        %dma_wait3A_102 = arith.constant 0 : i32
        %dma_wait3A_103 = tpu.memref_slice %arg4[%arg1, %scan3A_25, %dma_wait3A_101, %dma_wait3A_102] : memref<16x4x40x64xi32, #tpu.memory_space<hbm>> -> memref<1x1x40x64xi32, #tpu.memory_space<hbm>>
        %dma_wait3A_104 = tpu.memref_squeeze %dma_wait3A_103 : memref<1x1x40x64xi32, #tpu.memory_space<hbm>> -> memref<40x64xi32, #tpu.memory_space<hbm>>
        tpu.wait_dma2 semaphore(%run_scoped3A_88 : memref<!tpu.dma_semaphore, #tpu.memory_space<semaphore_mem>>) src(%dma_wait3A_104 : memref<40x64xi32, #tpu.memory_space<hbm>>) dst(%arg7 : memref<40x64xi32, #tpu.memory_space<vmem>>)
        tpu.yield
      }) : () -> ()
      %dma_start3A = arith.constant 0 : i32
      %dma_start3A_27 = arith.constant 0 : i32
      %dma_start3A_28 = tpu.memref_slice %arg6[%dma_start3A, %dma_start3A_27] : memref<40x64xi32, #tpu.memory_space<vmem>> -> memref<1x64xi32, #tpu.memory_space<vmem>>
      %dma_start3A_29 = tpu.memref_squeeze %dma_start3A_28 : memref<1x64xi32, #tpu.memory_space<vmem>> -> memref<64xi32, #tpu.memory_space<vmem>>
      %dma_start3A_30 = arith.constant 0 : i32
      %dma_start3A_31 = arith.constant 0 : i32
      %dma_start3A_32 = tpu.memref_slice %arg2[%dma_start3A_30, %dma_start3A_31] : memref<20000x128xf32, #tpu.memory_space<hbm>> -> memref<20000x128xf32, #tpu.memory_space<hbm>>
      tpu.enqueue_indirect_dma source(%dma_start3A_32 : memref<20000x128xf32, #tpu.memory_space<hbm>>) target(%arg8 : memref<64x128xf32, #tpu.memory_space<vmem>>) offsets(%dma_start3A_29 : memref<64xi32, #tpu.memory_space<vmem>>) semaphore(%arg13 : memref<!tpu.dma_semaphore, #tpu.memory_space<semaphore_mem>>)
      %dma_start3A_33 = arith.constant 1 : i32
      %dma_start3A_34 = arith.constant 0 : i32
      %dma_start3A_35 = tpu.memref_slice %arg6[%dma_start3A_33, %dma_start3A_34] : memref<40x64xi32, #tpu.memory_space<vmem>> -> memref<1x64xi32, #tpu.memory_space<vmem>>
      %dma_start3A_36 = tpu.memref_squeeze %dma_start3A_35 : memref<1x64xi32, #tpu.memory_space<vmem>> -> memref<64xi32, #tpu.memory_space<vmem>>
      %dma_start3A_37 = arith.constant 0 : i32
      %dma_start3A_38 = arith.constant 0 : i32
      %dma_start3A_39 = tpu.memref_slice %arg2[%dma_start3A_37, %dma_start3A_38] : memref<20000x128xf32, #tpu.memory_space<hbm>> -> memref<20000x128xf32, #tpu.memory_space<hbm>>
      tpu.enqueue_indirect_dma source(%dma_start3A_39 : memref<20000x128xf32, #tpu.memory_space<hbm>>) target(%arg9 : memref<64x128xf32, #tpu.memory_space<vmem>>) offsets(%dma_start3A_36 : memref<64xi32, #tpu.memory_space<vmem>>) semaphore(%arg14 : memref<!tpu.dma_semaphore, #tpu.memory_space<semaphore_mem>>)
      %dma_start3A_40 = arith.constant 2 : i32
      %dma_start3A_41 = arith.constant 0 : i32
      %dma_start3A_42 = tpu.memref_slice %arg6[%dma_start3A_40, %dma_start3A_41] : memref<40x64xi32, #tpu.memory_space<vmem>> -> memref<1x64xi32, #tpu.memory_space<vmem>>
      %dma_start3A_43 = tpu.memref_squeeze %dma_start3A_42 : memref<1x64xi32, #tpu.memory_space<vmem>> -> memref<64xi32, #tpu.memory_space<vmem>>
      %dma_start3A_44 = arith.constant 0 : i32
      %dma_start3A_45 = arith.constant 0 : i32
      %dma_start3A_46 = tpu.memref_slice %arg2[%dma_start3A_44, %dma_start3A_45] : memref<20000x128xf32, #tpu.memory_space<hbm>> -> memref<20000x128xf32, #tpu.memory_space<hbm>>
      tpu.enqueue_indirect_dma source(%dma_start3A_46 : memref<20000x128xf32, #tpu.memory_space<hbm>>) target(%arg10 : memref<64x128xf32, #tpu.memory_space<vmem>>) offsets(%dma_start3A_43 : memref<64xi32, #tpu.memory_space<vmem>>) semaphore(%arg15 : memref<!tpu.dma_semaphore, #tpu.memory_space<semaphore_mem>>)
      %scan3A_47 = arith.constant 0 : i32
      %scan3A_48 = arith.constant 0 : i32
      %scan3A_49 = arith.constant 9 : i32
      %scan3A_50 = arith.addi %scan3A_48, %scan3A_49 : i32
      %scan3A_51 = arith.constant 1 : i32
      %scan3A_52 = scf.for %scan3A_88 = %scan3A_48 to %scan3A_50 step %scan3A_51 iter_args(%scan3A_89 = %scan3A_47) -> (i32)  : i32 {
        %mul3A_90 = arith.constant 4 : i32
        %mul3A_91 = arith.muli %mul3A_90, %scan3A_88 : i32
        %add3A = arith.constant 3 : i32
        %add3A_92 = arith.addi %mul3A_91, %add3A : i32
        %add3A_93 = arith.constant 0 : i32
        %add3A_94 = arith.addi %add3A_92, %add3A_93 : i32
        %dma_start3A_95 = arith.constant 0 : i32
        %dma_start3A_96 = tpu.memref_slice %arg6[%add3A_94, %dma_start3A_95] : memref<40x64xi32, #tpu.memory_space<vmem>> -> memref<1x64xi32, #tpu.memory_space<vmem>>
        %dma_start3A_97 = tpu.memref_squeeze %dma_start3A_96 : memref<1x64xi32, #tpu.memory_space<vmem>> -> memref<64xi32, #tpu.memory_space<vmem>>
        %dma_start3A_98 = arith.constant 0 : i32
        %dma_start3A_99 = arith.constant 0 : i32
        %dma_start3A_100 = tpu.memref_slice %arg2[%dma_start3A_98, %dma_start3A_99] : memref<20000x128xf32, #tpu.memory_space<hbm>> -> memref<20000x128xf32, #tpu.memory_space<hbm>>
        tpu.enqueue_indirect_dma source(%dma_start3A_100 : memref<20000x128xf32, #tpu.memory_space<hbm>>) target(%arg11 : memref<64x128xf32, #tpu.memory_space<vmem>>) offsets(%dma_start3A_97 : memref<64xi32, #tpu.memory_space<vmem>>) semaphore(%arg16 : memref<!tpu.dma_semaphore, #tpu.memory_space<semaphore_mem>>)
        %dma_wait3A_101 = arith.constant 0 : i32
        %dma_wait3A_102 = arith.constant 0 : i32
        %dma_wait3A_103 = tpu.memref_slice %arg2[%dma_wait3A_101, %dma_wait3A_102] : memref<20000x128xf32, #tpu.memory_space<hbm>> -> memref<64x128xf32, #tpu.memory_space<hbm>>
        %dma_wait3A_104 = arith.constant 0 : i32
        %dma_wait3A_105 = arith.constant 0 : i32
        %dma_wait3A_106 = tpu.memref_slice %arg2[%dma_wait3A_104, %dma_wait3A_105] : memref<20000x128xf32, #tpu.memory_space<hbm>> -> memref<64x128xf32, #tpu.memory_space<hbm>>
        tpu.wait_dma2 semaphore(%arg13 : memref<!tpu.dma_semaphore, #tpu.memory_space<semaphore_mem>>) src(%dma_wait3A_106 : memref<64x128xf32, #tpu.memory_space<hbm>>) dst(%arg8 : memref<64x128xf32, #tpu.memory_space<vmem>>)
        %add3A_107 = arith.constant 0 : i32
        %add3A_108 = arith.addi %mul3A_91, %add3A_107 : i32
        "tpu.region"() ({
          %run_scoped3A_164 = tpu.sem_alloc : memref<!tpu.dma_semaphore, #tpu.memory_space<semaphore_mem>>
          %dma_start3A_165 = arith.constant 0 : i32
          %dma_start3A_166 = tpu.memref_slice %arg7[%add3A_108, %dma_start3A_165] : memref<40x64xi32, #tpu.memory_space<vmem>> -> memref<1x64xi32, #tpu.memory_space<vmem>>
          %dma_start3A_167 = tpu.memref_squeeze %dma_start3A_166 : memref<1x64xi32, #tpu.memory_space<vmem>> -> memref<64xi32, #tpu.memory_space<vmem>>
          %dma_start3A_168 = arith.constant 0 : i32
          %dma_start3A_169 = arith.constant 0 : i32
          %dma_start3A_170 = tpu.memref_slice %arg12[%dma_start3A_168, %dma_start3A_169] : memref<10240x128xf32, #tpu.memory_space<vmem_shared>> -> memref<10240x128xf32, #tpu.memory_space<vmem_shared>>
          tpu.enqueue_indirect_dma source(%arg8 : memref<64x128xf32, #tpu.memory_space<vmem>>) target(%dma_start3A_170 : memref<10240x128xf32, #tpu.memory_space<vmem_shared>>) offsets(%dma_start3A_167 : memref<64xi32, #tpu.memory_space<vmem>>) semaphore(%run_scoped3A_164 : memref<!tpu.dma_semaphore, #tpu.memory_space<semaphore_mem>>) {add = true}
          %dma_wait3A_171 = arith.constant 0 : i32
          %dma_wait3A_172 = tpu.memref_slice %arg7[%add3A_108, %dma_wait3A_171] : memref<40x64xi32, #tpu.memory_space<vmem>> -> memref<1x64xi32, #tpu.memory_space<vmem>>
          %dma_wait3A_173 = tpu.memref_squeeze %dma_wait3A_172 : memref<1x64xi32, #tpu.memory_space<vmem>> -> memref<64xi32, #tpu.memory_space<vmem>>
          %dma_wait3A_174 = arith.constant 0 : i32
          %dma_wait3A_175 = arith.constant 0 : i32
          %dma_wait3A_176 = tpu.memref_slice %arg12[%dma_wait3A_174, %dma_wait3A_175] : memref<10240x128xf32, #tpu.memory_space<vmem_shared>> -> memref<10240x128xf32, #tpu.memory_space<vmem_shared>>
          tpu.wait_indirect_dma semaphore(%run_scoped3A_164 : memref<!tpu.dma_semaphore, #tpu.memory_space<semaphore_mem>>) src(%arg8 : memref<64x128xf32, #tpu.memory_space<vmem>>) dst(%dma_wait3A_176 : memref<10240x128xf32, #tpu.memory_space<vmem_shared>>)
          tpu.yield
        }) : () -> ()
        %add3A_109 = arith.constant 3 : i32
        %add3A_110 = arith.addi %mul3A_91, %add3A_109 : i32
        %add3A_111 = arith.constant 1 : i32
        %add3A_112 = arith.addi %add3A_110, %add3A_111 : i32
        %dma_start3A_113 = arith.constant 0 : i32
        %dma_start3A_114 = tpu.memref_slice %arg6[%add3A_112, %dma_start3A_113] : memref<40x64xi32, #tpu.memory_space<vmem>> -> memref<1x64xi32, #tpu.memory_space<vmem>>
        %dma_start3A_115 = tpu.memref_squeeze %dma_start3A_114 : memref<1x64xi32, #tpu.memory_space<vmem>> -> memref<64xi32, #tpu.memory_space<vmem>>
        %dma_start3A_116 = arith.constant 0 : i32
        %dma_start3A_117 = arith.constant 0 : i32
        %dma_start3A_118 = tpu.memref_slice %arg2[%dma_start3A_116, %dma_start3A_117] : memref<20000x128xf32, #tpu.memory_space<hbm>> -> memref<20000x128xf32, #tpu.memory_space<hbm>>
        tpu.enqueue_indirect_dma source(%dma_start3A_118 : memref<20000x128xf32, #tpu.memory_space<hbm>>) target(%arg8 : memref<64x128xf32, #tpu.memory_space<vmem>>) offsets(%dma_start3A_115 : memref<64xi32, #tpu.memory_space<vmem>>) semaphore(%arg13 : memref<!tpu.dma_semaphore, #tpu.memory_space<semaphore_mem>>)
        %dma_wait3A_119 = arith.constant 0 : i32
        %dma_wait3A_120 = arith.constant 0 : i32
        %dma_wait3A_121 = tpu.memref_slice %arg2[%dma_wait3A_119, %dma_wait3A_120] : memref<20000x128xf32, #tpu.memory_space<hbm>> -> memref<64x128xf32, #tpu.memory_space<hbm>>
        %dma_wait3A_122 = arith.constant 0 : i32
        %dma_wait3A_123 = arith.constant 0 : i32
        %dma_wait3A_124 = tpu.memref_slice %arg2[%dma_wait3A_122, %dma_wait3A_123] : memref<20000x128xf32, #tpu.memory_space<hbm>> -> memref<64x128xf32, #tpu.memory_space<hbm>>
        tpu.wait_dma2 semaphore(%arg14 : memref<!tpu.dma_semaphore, #tpu.memory_space<semaphore_mem>>) src(%dma_wait3A_124 : memref<64x128xf32, #tpu.memory_space<hbm>>) dst(%arg9 : memref<64x128xf32, #tpu.memory_space<vmem>>)
        %add3A_125 = arith.constant 1 : i32
        %add3A_126 = arith.addi %mul3A_91, %add3A_125 : i32
        "tpu.region"() ({
          %run_scoped3A_164 = tpu.sem_alloc : memref<!tpu.dma_semaphore, #tpu.memory_space<semaphore_mem>>
          %dma_start3A_165 = arith.constant 0 : i32
          %dma_start3A_166 = tpu.memref_slice %arg7[%add3A_126, %dma_start3A_165] : memref<40x64xi32, #tpu.memory_space<vmem>> -> memref<1x64xi32, #tpu.memory_space<vmem>>
          %dma_start3A_167 = tpu.memref_squeeze %dma_start3A_166 : memref<1x64xi32, #tpu.memory_space<vmem>> -> memref<64xi32, #tpu.memory_space<vmem>>
          %dma_start3A_168 = arith.constant 0 : i32
          %dma_start3A_169 = arith.constant 0 : i32
          %dma_start3A_170 = tpu.memref_slice %arg12[%dma_start3A_168, %dma_start3A_169] : memref<10240x128xf32, #tpu.memory_space<vmem_shared>> -> memref<10240x128xf32, #tpu.memory_space<vmem_shared>>
          tpu.enqueue_indirect_dma source(%arg9 : memref<64x128xf32, #tpu.memory_space<vmem>>) target(%dma_start3A_170 : memref<10240x128xf32, #tpu.memory_space<vmem_shared>>) offsets(%dma_start3A_167 : memref<64xi32, #tpu.memory_space<vmem>>) semaphore(%run_scoped3A_164 : memref<!tpu.dma_semaphore, #tpu.memory_space<semaphore_mem>>) {add = true}
          %dma_wait3A_171 = arith.constant 0 : i32
          %dma_wait3A_172 = tpu.memref_slice %arg7[%add3A_126, %dma_wait3A_171] : memref<40x64xi32, #tpu.memory_space<vmem>> -> memref<1x64xi32, #tpu.memory_space<vmem>>
          %dma_wait3A_173 = tpu.memref_squeeze %dma_wait3A_172 : memref<1x64xi32, #tpu.memory_space<vmem>> -> memref<64xi32, #tpu.memory_space<vmem>>
          %dma_wait3A_174 = arith.constant 0 : i32
          %dma_wait3A_175 = arith.constant 0 : i32
          %dma_wait3A_176 = tpu.memref_slice %arg12[%dma_wait3A_174, %dma_wait3A_175] : memref<10240x128xf32, #tpu.memory_space<vmem_shared>> -> memref<10240x128xf32, #tpu.memory_space<vmem_shared>>
          tpu.wait_indirect_dma semaphore(%run_scoped3A_164 : memref<!tpu.dma_semaphore, #tpu.memory_space<semaphore_mem>>) src(%arg9 : memref<64x128xf32, #tpu.memory_space<vmem>>) dst(%dma_wait3A_176 : memref<10240x128xf32, #tpu.memory_space<vmem_shared>>)
          tpu.yield
        }) : () -> ()
        %add3A_127 = arith.constant 3 : i32
        %add3A_128 = arith.addi %mul3A_91, %add3A_127 : i32
        %add3A_129 = arith.constant 2 : i32
        %add3A_130 = arith.addi %add3A_128, %add3A_129 : i32
        %dma_start3A_131 = arith.constant 0 : i32
        %dma_start3A_132 = tpu.memref_slice %arg6[%add3A_130, %dma_start3A_131] : memref<40x64xi32, #tpu.memory_space<vmem>> -> memref<1x64xi32, #tpu.memory_space<vmem>>
        %dma_start3A_133 = tpu.memref_squeeze %dma_start3A_132 : memref<1x64xi32, #tpu.memory_space<vmem>> -> memref<64xi32, #tpu.memory_space<vmem>>
        %dma_start3A_134 = arith.constant 0 : i32
        %dma_start3A_135 = arith.constant 0 : i32
        %dma_start3A_136 = tpu.memref_slice %arg2[%dma_start3A_134, %dma_start3A_135] : memref<20000x128xf32, #tpu.memory_space<hbm>> -> memref<20000x128xf32, #tpu.memory_space<hbm>>
        tpu.enqueue_indirect_dma source(%dma_start3A_136 : memref<20000x128xf32, #tpu.memory_space<hbm>>) target(%arg9 : memref<64x128xf32, #tpu.memory_space<vmem>>) offsets(%dma_start3A_133 : memref<64xi32, #tpu.memory_space<vmem>>) semaphore(%arg14 : memref<!tpu.dma_semaphore, #tpu.memory_space<semaphore_mem>>)
        %dma_wait3A_137 = arith.constant 0 : i32
        %dma_wait3A_138 = arith.constant 0 : i32
        %dma_wait3A_139 = tpu.memref_slice %arg2[%dma_wait3A_137, %dma_wait3A_138] : memref<20000x128xf32, #tpu.memory_space<hbm>> -> memref<64x128xf32, #tpu.memory_space<hbm>>
        %dma_wait3A_140 = arith.constant 0 : i32
        %dma_wait3A_141 = arith.constant 0 : i32
        %dma_wait3A_142 = tpu.memref_slice %arg2[%dma_wait3A_140, %dma_wait3A_141] : memref<20000x128xf32, #tpu.memory_space<hbm>> -> memref<64x128xf32, #tpu.memory_space<hbm>>
        tpu.wait_dma2 semaphore(%arg15 : memref<!tpu.dma_semaphore, #tpu.memory_space<semaphore_mem>>) src(%dma_wait3A_142 : memref<64x128xf32, #tpu.memory_space<hbm>>) dst(%arg10 : memref<64x128xf32, #tpu.memory_space<vmem>>)
        %add3A_143 = arith.constant 2 : i32
        %add3A_144 = arith.addi %mul3A_91, %add3A_143 : i32
        "tpu.region"() ({
          %run_scoped3A_164 = tpu.sem_alloc : memref<!tpu.dma_semaphore, #tpu.memory_space<semaphore_mem>>
          %dma_start3A_165 = arith.constant 0 : i32
          %dma_start3A_166 = tpu.memref_slice %arg7[%add3A_144, %dma_start3A_165] : memref<40x64xi32, #tpu.memory_space<vmem>> -> memref<1x64xi32, #tpu.memory_space<vmem>>
          %dma_start3A_167 = tpu.memref_squeeze %dma_start3A_166 : memref<1x64xi32, #tpu.memory_space<vmem>> -> memref<64xi32, #tpu.memory_space<vmem>>
          %dma_start3A_168 = arith.constant 0 : i32
          %dma_start3A_169 = arith.constant 0 : i32
          %dma_start3A_170 = tpu.memref_slice %arg12[%dma_start3A_168, %dma_start3A_169] : memref<10240x128xf32, #tpu.memory_space<vmem_shared>> -> memref<10240x128xf32, #tpu.memory_space<vmem_shared>>
          tpu.enqueue_indirect_dma source(%arg10 : memref<64x128xf32, #tpu.memory_space<vmem>>) target(%dma_start3A_170 : memref<10240x128xf32, #tpu.memory_space<vmem_shared>>) offsets(%dma_start3A_167 : memref<64xi32, #tpu.memory_space<vmem>>) semaphore(%run_scoped3A_164 : memref<!tpu.dma_semaphore, #tpu.memory_space<semaphore_mem>>) {add = true}
          %dma_wait3A_171 = arith.constant 0 : i32
          %dma_wait3A_172 = tpu.memref_slice %arg7[%add3A_144, %dma_wait3A_171] : memref<40x64xi32, #tpu.memory_space<vmem>> -> memref<1x64xi32, #tpu.memory_space<vmem>>
          %dma_wait3A_173 = tpu.memref_squeeze %dma_wait3A_172 : memref<1x64xi32, #tpu.memory_space<vmem>> -> memref<64xi32, #tpu.memory_space<vmem>>
          %dma_wait3A_174 = arith.constant 0 : i32
          %dma_wait3A_175 = arith.constant 0 : i32
          %dma_wait3A_176 = tpu.memref_slice %arg12[%dma_wait3A_174, %dma_wait3A_175] : memref<10240x128xf32, #tpu.memory_space<vmem_shared>> -> memref<10240x128xf32, #tpu.memory_space<vmem_shared>>
          tpu.wait_indirect_dma semaphore(%run_scoped3A_164 : memref<!tpu.dma_semaphore, #tpu.memory_space<semaphore_mem>>) src(%arg10 : memref<64x128xf32, #tpu.memory_space<vmem>>) dst(%dma_wait3A_176 : memref<10240x128xf32, #tpu.memory_space<vmem_shared>>)
          tpu.yield
        }) : () -> ()
        %add3A_145 = arith.constant 3 : i32
        %add3A_146 = arith.addi %mul3A_91, %add3A_145 : i32
        %add3A_147 = arith.constant 3 : i32
        %add3A_148 = arith.addi %add3A_146, %add3A_147 : i32
        %dma_start3A_149 = arith.constant 0 : i32
        %dma_start3A_150 = tpu.memref_slice %arg6[%add3A_148, %dma_start3A_149] : memref<40x64xi32, #tpu.memory_space<vmem>> -> memref<1x64xi32, #tpu.memory_space<vmem>>
        %dma_start3A_151 = tpu.memref_squeeze %dma_start3A_150 : memref<1x64xi32, #tpu.memory_space<vmem>> -> memref<64xi32, #tpu.memory_space<vmem>>
        %dma_start3A_152 = arith.constant 0 : i32
        %dma_start3A_153 = arith.constant 0 : i32
        %dma_start3A_154 = tpu.memref_slice %arg2[%dma_start3A_152, %dma_start3A_153] : memref<20000x128xf32, #tpu.memory_space<hbm>> -> memref<20000x128xf32, #tpu.memory_space<hbm>>
        tpu.enqueue_indirect_dma source(%dma_start3A_154 : memref<20000x128xf32, #tpu.memory_space<hbm>>) target(%arg10 : memref<64x128xf32, #tpu.memory_space<vmem>>) offsets(%dma_start3A_151 : memref<64xi32, #tpu.memory_space<vmem>>) semaphore(%arg15 : memref<!tpu.dma_semaphore, #tpu.memory_space<semaphore_mem>>)
        %dma_wait3A_155 = arith.constant 0 : i32
        %dma_wait3A_156 = arith.constant 0 : i32
        %dma_wait3A_157 = tpu.memref_slice %arg2[%dma_wait3A_155, %dma_wait3A_156] : memref<20000x128xf32, #tpu.memory_space<hbm>> -> memref<64x128xf32, #tpu.memory_space<hbm>>
        %dma_wait3A_158 = arith.constant 0 : i32
        %dma_wait3A_159 = arith.constant 0 : i32
        %dma_wait3A_160 = tpu.memref_slice %arg2[%dma_wait3A_158, %dma_wait3A_159] : memref<20000x128xf32, #tpu.memory_space<hbm>> -> memref<64x128xf32, #tpu.memory_space<hbm>>
        tpu.wait_dma2 semaphore(%arg16 : memref<!tpu.dma_semaphore, #tpu.memory_space<semaphore_mem>>) src(%dma_wait3A_160 : memref<64x128xf32, #tpu.memory_space<hbm>>) dst(%arg11 : memref<64x128xf32, #tpu.memory_space<vmem>>)
        %add3A_161 = arith.constant 3 : i32
        %add3A_162 = arith.addi %mul3A_91, %add3A_161 : i32
        "tpu.region"() ({
          %run_scoped3A_164 = tpu.sem_alloc : memref<!tpu.dma_semaphore, #tpu.memory_space<semaphore_mem>>
          %dma_start3A_165 = arith.constant 0 : i32
          %dma_start3A_166 = tpu.memref_slice %arg7[%add3A_162, %dma_start3A_165] : memref<40x64xi32, #tpu.memory_space<vmem>> -> memref<1x64xi32, #tpu.memory_space<vmem>>
          %dma_start3A_167 = tpu.memref_squeeze %dma_start3A_166 : memref<1x64xi32, #tpu.memory_space<vmem>> -> memref<64xi32, #tpu.memory_space<vmem>>
          %dma_start3A_168 = arith.constant 0 : i32
          %dma_start3A_169 = arith.constant 0 : i32
          %dma_start3A_170 = tpu.memref_slice %arg12[%dma_start3A_168, %dma_start3A_169] : memref<10240x128xf32, #tpu.memory_space<vmem_shared>> -> memref<10240x128xf32, #tpu.memory_space<vmem_shared>>
          tpu.enqueue_indirect_dma source(%arg11 : memref<64x128xf32, #tpu.memory_space<vmem>>) target(%dma_start3A_170 : memref<10240x128xf32, #tpu.memory_space<vmem_shared>>) offsets(%dma_start3A_167 : memref<64xi32, #tpu.memory_space<vmem>>) semaphore(%run_scoped3A_164 : memref<!tpu.dma_semaphore, #tpu.memory_space<semaphore_mem>>) {add = true}
          %dma_wait3A_171 = arith.constant 0 : i32
          %dma_wait3A_172 = tpu.memref_slice %arg7[%add3A_162, %dma_wait3A_171] : memref<40x64xi32, #tpu.memory_space<vmem>> -> memref<1x64xi32, #tpu.memory_space<vmem>>
          %dma_wait3A_173 = tpu.memref_squeeze %dma_wait3A_172 : memref<1x64xi32, #tpu.memory_space<vmem>> -> memref<64xi32, #tpu.memory_space<vmem>>
          %dma_wait3A_174 = arith.constant 0 : i32
          %dma_wait3A_175 = arith.constant 0 : i32
          %dma_wait3A_176 = tpu.memref_slice %arg12[%dma_wait3A_174, %dma_wait3A_175] : memref<10240x128xf32, #tpu.memory_space<vmem_shared>> -> memref<10240x128xf32, #tpu.memory_space<vmem_shared>>
          tpu.wait_indirect_dma semaphore(%run_scoped3A_164 : memref<!tpu.dma_semaphore, #tpu.memory_space<semaphore_mem>>) src(%arg11 : memref<64x128xf32, #tpu.memory_space<vmem>>) dst(%dma_wait3A_176 : memref<10240x128xf32, #tpu.memory_space<vmem_shared>>)
          tpu.yield
        }) : () -> ()
        %scan3A_163 = arith.constant 0 : i32
        scf.yield %scan3A_163 : i32
      }
      %scan3A_53 = arith.constant 9 : i32
      %dma_start3A_54 = arith.constant 39 : i32
      %dma_start3A_55 = arith.constant 0 : i32
      %dma_start3A_56 = tpu.memref_slice %arg6[%dma_start3A_54, %dma_start3A_55] : memref<40x64xi32, #tpu.memory_space<vmem>> -> memref<1x64xi32, #tpu.memory_space<vmem>>
      %dma_start3A_57 = tpu.memref_squeeze %dma_start3A_56 : memref<1x64xi32, #tpu.memory_space<vmem>> -> memref<64xi32, #tpu.memory_space<vmem>>
      %dma_start3A_58 = arith.constant 0 : i32
      %dma_start3A_59 = arith.constant 0 : i32
      %dma_start3A_60 = tpu.memref_slice %arg2[%dma_start3A_58, %dma_start3A_59] : memref<20000x128xf32, #tpu.memory_space<hbm>> -> memref<20000x128xf32, #tpu.memory_space<hbm>>
      tpu.enqueue_indirect_dma source(%dma_start3A_60 : memref<20000x128xf32, #tpu.memory_space<hbm>>) target(%arg11 : memref<64x128xf32, #tpu.memory_space<vmem>>) offsets(%dma_start3A_57 : memref<64xi32, #tpu.memory_space<vmem>>) semaphore(%arg16 : memref<!tpu.dma_semaphore, #tpu.memory_space<semaphore_mem>>)
      %dma_wait3A = arith.constant 0 : i32
      %dma_wait3A_61 = arith.constant 0 : i32
      %dma_wait3A_62 = tpu.memref_slice %arg2[%dma_wait3A, %dma_wait3A_61] : memref<20000x128xf32, #tpu.memory_space<hbm>> -> memref<64x128xf32, #tpu.memory_space<hbm>>
      %dma_wait3A_63 = arith.constant 0 : i32
      %dma_wait3A_64 = arith.constant 0 : i32
      %dma_wait3A_65 = tpu.memref_slice %arg2[%dma_wait3A_63, %dma_wait3A_64] : memref<20000x128xf32, #tpu.memory_space<hbm>> -> memref<64x128xf32, #tpu.memory_space<hbm>>
      tpu.wait_dma2 semaphore(%arg13 : memref<!tpu.dma_semaphore, #tpu.memory_space<semaphore_mem>>) src(%dma_wait3A_65 : memref<64x128xf32, #tpu.memory_space<hbm>>) dst(%arg8 : memref<64x128xf32, #tpu.memory_space<vmem>>)
      %run_scoped3A = arith.constant 36 : i32
      "tpu.region"() ({
        %run_scoped3A_88 = tpu.sem_alloc : memref<!tpu.dma_semaphore, #tpu.memory_space<semaphore_mem>>
        %dma_start3A_89 = arith.constant 0 : i32
        %dma_start3A_90 = tpu.memref_slice %arg7[%run_scoped3A, %dma_start3A_89] : memref<40x64xi32, #tpu.memory_space<vmem>> -> memref<1x64xi32, #tpu.memory_space<vmem>>
        %dma_start3A_91 = tpu.memref_squeeze %dma_start3A_90 : memref<1x64xi32, #tpu.memory_space<vmem>> -> memref<64xi32, #tpu.memory_space<vmem>>
        %dma_start3A_92 = arith.constant 0 : i32
        %dma_start3A_93 = arith.constant 0 : i32
        %dma_start3A_94 = tpu.memref_slice %arg12[%dma_start3A_92, %dma_start3A_93] : memref<10240x128xf32, #tpu.memory_space<vmem_shared>> -> memref<10240x128xf32, #tpu.memory_space<vmem_shared>>
        tpu.enqueue_indirect_dma source(%arg8 : memref<64x128xf32, #tpu.memory_space<vmem>>) target(%dma_start3A_94 : memref<10240x128xf32, #tpu.memory_space<vmem_shared>>) offsets(%dma_start3A_91 : memref<64xi32, #tpu.memory_space<vmem>>) semaphore(%run_scoped3A_88 : memref<!tpu.dma_semaphore, #tpu.memory_space<semaphore_mem>>) {add = true}
        %dma_wait3A_95 = arith.constant 0 : i32
        %dma_wait3A_96 = tpu.memref_slice %arg7[%run_scoped3A, %dma_wait3A_95] : memref<40x64xi32, #tpu.memory_space<vmem>> -> memref<1x64xi32, #tpu.memory_space<vmem>>
        %dma_wait3A_97 = tpu.memref_squeeze %dma_wait3A_96 : memref<1x64xi32, #tpu.memory_space<vmem>> -> memref<64xi32, #tpu.memory_space<vmem>>
        %dma_wait3A_98 = arith.constant 0 : i32
        %dma_wait3A_99 = arith.constant 0 : i32
        %dma_wait3A_100 = tpu.memref_slice %arg12[%dma_wait3A_98, %dma_wait3A_99] : memref<10240x128xf32, #tpu.memory_space<vmem_shared>> -> memref<10240x128xf32, #tpu.memory_space<vmem_shared>>
        tpu.wait_indirect_dma semaphore(%run_scoped3A_88 : memref<!tpu.dma_semaphore, #tpu.memory_space<semaphore_mem>>) src(%arg8 : memref<64x128xf32, #tpu.memory_space<vmem>>) dst(%dma_wait3A_100 : memref<10240x128xf32, #tpu.memory_space<vmem_shared>>)
        tpu.yield
      }) : () -> ()
      %dma_wait3A_66 = arith.constant 0 : i32
      %dma_wait3A_67 = arith.constant 0 : i32
      %dma_wait3A_68 = tpu.memref_slice %arg2[%dma_wait3A_66, %dma_wait3A_67] : memref<20000x128xf32, #tpu.memory_space<hbm>> -> memref<64x128xf32, #tpu.memory_space<hbm>>
      %dma_wait3A_69 = arith.constant 0 : i32
      %dma_wait3A_70 = arith.constant 0 : i32
      %dma_wait3A_71 = tpu.memref_slice %arg2[%dma_wait3A_69, %dma_wait3A_70] : memref<20000x128xf32, #tpu.memory_space<hbm>> -> memref<64x128xf32, #tpu.memory_space<hbm>>
      tpu.wait_dma2 semaphore(%arg14 : memref<!tpu.dma_semaphore, #tpu.memory_space<semaphore_mem>>) src(%dma_wait3A_71 : memref<64x128xf32, #tpu.memory_space<hbm>>) dst(%arg9 : memref<64x128xf32, #tpu.memory_space<vmem>>)
      %run_scoped3A_72 = arith.constant 37 : i32
      "tpu.region"() ({
        %run_scoped3A_88 = tpu.sem_alloc : memref<!tpu.dma_semaphore, #tpu.memory_space<semaphore_mem>>
        %dma_start3A_89 = arith.constant 0 : i32
        %dma_start3A_90 = tpu.memref_slice %arg7[%run_scoped3A_72, %dma_start3A_89] : memref<40x64xi32, #tpu.memory_space<vmem>> -> memref<1x64xi32, #tpu.memory_space<vmem>>
        %dma_start3A_91 = tpu.memref_squeeze %dma_start3A_90 : memref<1x64xi32, #tpu.memory_space<vmem>> -> memref<64xi32, #tpu.memory_space<vmem>>
        %dma_start3A_92 = arith.constant 0 : i32
        %dma_start3A_93 = arith.constant 0 : i32
        %dma_start3A_94 = tpu.memref_slice %arg12[%dma_start3A_92, %dma_start3A_93] : memref<10240x128xf32, #tpu.memory_space<vmem_shared>> -> memref<10240x128xf32, #tpu.memory_space<vmem_shared>>
        tpu.enqueue_indirect_dma source(%arg9 : memref<64x128xf32, #tpu.memory_space<vmem>>) target(%dma_start3A_94 : memref<10240x128xf32, #tpu.memory_space<vmem_shared>>) offsets(%dma_start3A_91 : memref<64xi32, #tpu.memory_space<vmem>>) semaphore(%run_scoped3A_88 : memref<!tpu.dma_semaphore, #tpu.memory_space<semaphore_mem>>) {add = true}
        %dma_wait3A_95 = arith.constant 0 : i32
        %dma_wait3A_96 = tpu.memref_slice %arg7[%run_scoped3A_72, %dma_wait3A_95] : memref<40x64xi32, #tpu.memory_space<vmem>> -> memref<1x64xi32, #tpu.memory_space<vmem>>
        %dma_wait3A_97 = tpu.memref_squeeze %dma_wait3A_96 : memref<1x64xi32, #tpu.memory_space<vmem>> -> memref<64xi32, #tpu.memory_space<vmem>>
        %dma_wait3A_98 = arith.constant 0 : i32
        %dma_wait3A_99 = arith.constant 0 : i32
        %dma_wait3A_100 = tpu.memref_slice %arg12[%dma_wait3A_98, %dma_wait3A_99] : memref<10240x128xf32, #tpu.memory_space<vmem_shared>> -> memref<10240x128xf32, #tpu.memory_space<vmem_shared>>
        tpu.wait_indirect_dma semaphore(%run_scoped3A_88 : memref<!tpu.dma_semaphore, #tpu.memory_space<semaphore_mem>>) src(%arg9 : memref<64x128xf32, #tpu.memory_space<vmem>>) dst(%dma_wait3A_100 : memref<10240x128xf32, #tpu.memory_space<vmem_shared>>)
        tpu.yield
      }) : () -> ()
      %dma_wait3A_73 = arith.constant 0 : i32
      %dma_wait3A_74 = arith.constant 0 : i32
      %dma_wait3A_75 = tpu.memref_slice %arg2[%dma_wait3A_73, %dma_wait3A_74] : memref<20000x128xf32, #tpu.memory_space<hbm>> -> memref<64x128xf32, #tpu.memory_space<hbm>>
      %dma_wait3A_76 = arith.constant 0 : i32
      %dma_wait3A_77 = arith.constant 0 : i32
      %dma_wait3A_78 = tpu.memref_slice %arg2[%dma_wait3A_76, %dma_wait3A_77] : memref<20000x128xf32, #tpu.memory_space<hbm>> -> memref<64x128xf32, #tpu.memory_space<hbm>>
      tpu.wait_dma2 semaphore(%arg15 : memref<!tpu.dma_semaphore, #tpu.memory_space<semaphore_mem>>) src(%dma_wait3A_78 : memref<64x128xf32, #tpu.memory_space<hbm>>) dst(%arg10 : memref<64x128xf32, #tpu.memory_space<vmem>>)
      %run_scoped3A_79 = arith.constant 38 : i32
      "tpu.region"() ({
        %run_scoped3A_88 = tpu.sem_alloc : memref<!tpu.dma_semaphore, #tpu.memory_space<semaphore_mem>>
        %dma_start3A_89 = arith.constant 0 : i32
        %dma_start3A_90 = tpu.memref_slice %arg7[%run_scoped3A_79, %dma_start3A_89] : memref<40x64xi32, #tpu.memory_space<vmem>> -> memref<1x64xi32, #tpu.memory_space<vmem>>
        %dma_start3A_91 = tpu.memref_squeeze %dma_start3A_90 : memref<1x64xi32, #tpu.memory_space<vmem>> -> memref<64xi32, #tpu.memory_space<vmem>>
        %dma_start3A_92 = arith.constant 0 : i32
        %dma_start3A_93 = arith.constant 0 : i32
        %dma_start3A_94 = tpu.memref_slice %arg12[%dma_start3A_92, %dma_start3A_93] : memref<10240x128xf32, #tpu.memory_space<vmem_shared>> -> memref<10240x128xf32, #tpu.memory_space<vmem_shared>>
        tpu.enqueue_indirect_dma source(%arg10 : memref<64x128xf32, #tpu.memory_space<vmem>>) target(%dma_start3A_94 : memref<10240x128xf32, #tpu.memory_space<vmem_shared>>) offsets(%dma_start3A_91 : memref<64xi32, #tpu.memory_space<vmem>>) semaphore(%run_scoped3A_88 : memref<!tpu.dma_semaphore, #tpu.memory_space<semaphore_mem>>) {add = true}
        %dma_wait3A_95 = arith.constant 0 : i32
        %dma_wait3A_96 = tpu.memref_slice %arg7[%run_scoped3A_79, %dma_wait3A_95] : memref<40x64xi32, #tpu.memory_space<vmem>> -> memref<1x64xi32, #tpu.memory_space<vmem>>
        %dma_wait3A_97 = tpu.memref_squeeze %dma_wait3A_96 : memref<1x64xi32, #tpu.memory_space<vmem>> -> memref<64xi32, #tpu.memory_space<vmem>>
        %dma_wait3A_98 = arith.constant 0 : i32
        %dma_wait3A_99 = arith.constant 0 : i32
        %dma_wait3A_100 = tpu.memref_slice %arg12[%dma_wait3A_98, %dma_wait3A_99] : memref<10240x128xf32, #tpu.memory_space<vmem_shared>> -> memref<10240x128xf32, #tpu.memory_space<vmem_shared>>
        tpu.wait_indirect_dma semaphore(%run_scoped3A_88 : memref<!tpu.dma_semaphore, #tpu.memory_space<semaphore_mem>>) src(%arg10 : memref<64x128xf32, #tpu.memory_space<vmem>>) dst(%dma_wait3A_100 : memref<10240x128xf32, #tpu.memory_space<vmem_shared>>)
        tpu.yield
      }) : () -> ()
      %dma_wait3A_80 = arith.constant 0 : i32
      %dma_wait3A_81 = arith.constant 0 : i32
      %dma_wait3A_82 = tpu.memref_slice %arg2[%dma_wait3A_80, %dma_wait3A_81] : memref<20000x128xf32, #tpu.memory_space<hbm>> -> memref<64x128xf32, #tpu.memory_space<hbm>>
      %dma_wait3A_83 = arith.constant 0 : i32
      %dma_wait3A_84 = arith.constant 0 : i32
      %dma_wait3A_85 = tpu.memref_slice %arg2[%dma_wait3A_83, %dma_wait3A_84] : memref<20000x128xf32, #tpu.memory_space<hbm>> -> memref<64x128xf32, #tpu.memory_space<hbm>>
      tpu.wait_dma2 semaphore(%arg16 : memref<!tpu.dma_semaphore, #tpu.memory_space<semaphore_mem>>) src(%dma_wait3A_85 : memref<64x128xf32, #tpu.memory_space<hbm>>) dst(%arg11 : memref<64x128xf32, #tpu.memory_space<vmem>>)
      %run_scoped3A_86 = arith.constant 39 : i32
      "tpu.region"() ({
        %run_scoped3A_88 = tpu.sem_alloc : memref<!tpu.dma_semaphore, #tpu.memory_space<semaphore_mem>>
        %dma_start3A_89 = arith.constant 0 : i32
        %dma_start3A_90 = tpu.memref_slice %arg7[%run_scoped3A_86, %dma_start3A_89] : memref<40x64xi32, #tpu.memory_space<vmem>> -> memref<1x64xi32, #tpu.memory_space<vmem>>
        %dma_start3A_91 = tpu.memref_squeeze %dma_start3A_90 : memref<1x64xi32, #tpu.memory_space<vmem>> -> memref<64xi32, #tpu.memory_space<vmem>>
        %dma_start3A_92 = arith.constant 0 : i32
        %dma_start3A_93 = arith.constant 0 : i32
        %dma_start3A_94 = tpu.memref_slice %arg12[%dma_start3A_92, %dma_start3A_93] : memref<10240x128xf32, #tpu.memory_space<vmem_shared>> -> memref<10240x128xf32, #tpu.memory_space<vmem_shared>>
        tpu.enqueue_indirect_dma source(%arg11 : memref<64x128xf32, #tpu.memory_space<vmem>>) target(%dma_start3A_94 : memref<10240x128xf32, #tpu.memory_space<vmem_shared>>) offsets(%dma_start3A_91 : memref<64xi32, #tpu.memory_space<vmem>>) semaphore(%run_scoped3A_88 : memref<!tpu.dma_semaphore, #tpu.memory_space<semaphore_mem>>) {add = true}
        %dma_wait3A_95 = arith.constant 0 : i32
        %dma_wait3A_96 = tpu.memref_slice %arg7[%run_scoped3A_86, %dma_wait3A_95] : memref<40x64xi32, #tpu.memory_space<vmem>> -> memref<1x64xi32, #tpu.memory_space<vmem>>
        %dma_wait3A_97 = tpu.memref_squeeze %dma_wait3A_96 : memref<1x64xi32, #tpu.memory_space<vmem>> -> memref<64xi32, #tpu.memory_space<vmem>>
        %dma_wait3A_98 = arith.constant 0 : i32
        %dma_wait3A_99 = arith.constant 0 : i32
        %dma_wait3A_100 = tpu.memref_slice %arg12[%dma_wait3A_98, %dma_wait3A_99] : memref<10240x128xf32, #tpu.memory_space<vmem_shared>> -> memref<10240x128xf32, #tpu.memory_space<vmem_shared>>
        tpu.wait_indirect_dma semaphore(%run_scoped3A_88 : memref<!tpu.dma_semaphore, #tpu.memory_space<semaphore_mem>>) src(%arg11 : memref<64x128xf32, #tpu.memory_space<vmem>>) dst(%dma_wait3A_100 : memref<10240x128xf32, #tpu.memory_space<vmem_shared>>)
        tpu.yield
      }) : () -> ()
      %scan3A_87 = arith.constant 0 : i32
      scf.yield %scan3A_87 : i32
    }
    %scan3A_20 = arith.constant 4 : i32
    %barrier3A_21 = arith.constant 0 : index
    tpu.barrier barrier_id(%barrier3A_21)
    %mul3A = arith.constant 640 : i32
    %mul3A_22 = arith.muli %arg1, %mul3A : i32
    %mul3A_23 = arith.constant 640 : i32
    %mul3A_24 = arith.muli %arg1, %mul3A_23 : i32
    "tpu.region"() ({
      %run_scoped3A = tpu.sem_alloc : memref<!tpu.dma_semaphore, #tpu.memory_space<semaphore_mem>>
      %dma_start3A = arith.constant 0 : i32
      %dma_start3A_25 = tpu.memref_slice %arg5[%arg0, %mul3A_24, %dma_start3A] : memref<2x10240x128xf32, #tpu.memory_space<hbm>> -> memref<1x640x128xf32, #tpu.memory_space<hbm>>
      %dma_start3A_26 = tpu.memref_squeeze %dma_start3A_25 : memref<1x640x128xf32, #tpu.memory_space<hbm>> -> memref<640x128xf32, #tpu.memory_space<hbm>>
      %dma_start3A_27 = arith.constant 0 : i32
      %dma_start3A_28 = tpu.memref_slice %arg12[%mul3A_22, %dma_start3A_27] : memref<10240x128xf32, #tpu.memory_space<vmem_shared>> -> memref<640x128xf32, #tpu.memory_space<vmem_shared>>
      tpu.enqueue_dma source(%dma_start3A_28 : memref<640x128xf32, #tpu.memory_space<vmem_shared>>) target(%dma_start3A_26 : memref<640x128xf32, #tpu.memory_space<hbm>>) target_semaphore(%run_scoped3A : memref<!tpu.dma_semaphore, #tpu.memory_space<semaphore_mem>>)
      %dma_wait3A = arith.constant 0 : i32
      %dma_wait3A_29 = tpu.memref_slice %arg5[%arg0, %mul3A_24, %dma_wait3A] : memref<2x10240x128xf32, #tpu.memory_space<hbm>> -> memref<1x640x128xf32, #tpu.memory_space<hbm>>
      %dma_wait3A_30 = tpu.memref_squeeze %dma_wait3A_29 : memref<1x640x128xf32, #tpu.memory_space<hbm>> -> memref<640x128xf32, #tpu.memory_space<hbm>>
      %dma_wait3A_31 = arith.constant 0 : i32
      %dma_wait3A_32 = tpu.memref_slice %arg12[%mul3A_22, %dma_wait3A_31] : memref<10240x128xf32, #tpu.memory_space<vmem_shared>> -> memref<640x128xf32, #tpu.memory_space<vmem_shared>>
      tpu.wait_dma2 semaphore(%run_scoped3A : memref<!tpu.dma_semaphore, #tpu.memory_space<semaphore_mem>>) src(%dma_wait3A_32 : memref<640x128xf32, #tpu.memory_space<vmem_shared>>) dst(%dma_wait3A_30 : memref<640x128xf32, #tpu.memory_space<hbm>>)
      tpu.yield
    }) : () -> ()
    return
  }
}

module attributes {stable_mosaic.version = 14 : i64} {
  func.func @_matmul_body(%arg0: i32, %arg1: memref<1000x256xf32, #tpu.memory_space<vmem>>, %arg2: memref<256x256xf32, #tpu.memory_space<vmem>>, %arg3: memref<1000x256xf32, #tpu.memory_space<vmem>>) attributes {dimension_semantics = [#tpu.dimension_semantics<arbitrary>], iteration_bounds = array<i64: 10>, scalar_prefetch = 0 : i64, scratch_operands = 0 : i64, tpu.core_type = #tpu.core_type<tc>, window_params = [{transform_indices = @transform_0, window_bounds = array<i64: 1000, 256>}, {pipeline_mode = #tpu.pipeline_mode<synchronous>, transform_indices = @transform_1, window_bounds = array<i64: 256, 256>}, {transform_indices = @transform_2, window_bounds = array<i64: 1000, 256>}]} {
    %get3A = arith.constant 0 : index
    %get3A_0 = arith.constant 0 : index
    %get3A_1 = vector.load %arg1[%get3A, %get3A_0] : memref<1000x256xf32, #tpu.memory_space<vmem>>, vector<1000x256xf32>
    %get3A_2 = arith.constant 0 : index
    %get3A_3 = arith.constant 0 : index
    %get3A_4 = vector.load %arg2[%get3A_2, %get3A_3] : memref<256x256xf32, #tpu.memory_space<vmem>>, vector<256x256xf32>
    %dot_general3A = arith.constant dense<0.000000e+00> : vector<1000x256xf32>
    %dot_general3A_5 = tpu.matmul %get3A_1, %get3A_4, %dot_general3A {dimension_numbers = #tpu.dot_dimension_numbers<[1], [0], [0], [1], [0, 0, 1, 1], [], []>, transpose_lhs_hint = false} : vector<1000x256xf32>, vector<256x256xf32>, vector<1000x256xf32> -> vector<1000x256xf32>
    %swap3A = arith.constant 0 : index
    %swap3A_6 = arith.constant 0 : index
    %swap3A_7 = vector.load %arg3[%swap3A, %swap3A_6] : memref<1000x256xf32, #tpu.memory_space<vmem>>, vector<1000x256xf32>
    tpu.vector_store %arg3[%swap3A, %swap3A_6], %dot_general3A_5 {strides = array<i32>} : memref<1000x256xf32, #tpu.memory_space<vmem>>, vector<1000x256xf32>,
    return
  }
  func.func @transform_0(%arg0: i32) -> (i32, i32) {
    %c0_i32 = arith.constant 0 : i32
    %c0_i32_0 = arith.constant 0 : i32
    return %arg0, %c0_i32 : i32, i32
  }
  func.func @transform_1(%arg0: i32) -> (i32, i32) {
    %c0_i32 = arith.constant 0 : i32
    %c0_i32_0 = arith.constant 0 : i32
    %c0_i32_1 = arith.constant 0 : i32
    return %c0_i32, %c0_i32_0 : i32, i32
  }
  func.func @transform_2(%arg0: i32) -> (i32, i32) {
    %c0_i32 = arith.constant 0 : i32
    %c0_i32_0 = arith.constant 0 : i32
    return %arg0, %c0_i32 : i32, i32
  }
}

module attributes {stable_mosaic.version = 14 : i64} {
  func.func @_scale_split_body(%arg0: i32, %arg1: memref<1000x256xf32, #tpu.memory_space<vmem>>, %arg2: memref<2x1000x1xf32, #tpu.memory_space<vmem>>, %arg3: memref<2x1000x128xf32, #tpu.memory_space<vmem>>) attributes {dimension_semantics = [#tpu.dimension_semantics<arbitrary>], iteration_bounds = array<i64: 10>, scalar_prefetch = 0 : i64, scratch_operands = 0 : i64, tpu.core_type = #tpu.core_type<tc>, window_params = [{transform_indices = @transform_0, window_bounds = array<i64: 1000, 256>}, {transform_indices = @transform_1, window_bounds = array<i64: 2, 1000, 1>}, {transform_indices = @transform_2, window_bounds = array<i64: 2, 1000, 128>}]} {
    %get3A = arith.constant 0 : index
    %get3A_0 = arith.constant 0 : index
    %get3A_1 = arith.constant 0 : index
    %get3A_2 = vector.load %arg2[%get3A, %get3A_0, %get3A_1] : memref<2x1000x1xf32, #tpu.memory_space<vmem>>, vector<1x1000x1xf32>
    %get3A_3 = vector.shape_cast %get3A_2 : vector<1x1000x1xf32> to vector<1000x1xf32>
    %get3A_4 = arith.constant 1 : index
    %get3A_5 = arith.constant 0 : index
    %get3A_6 = arith.constant 0 : index
    %get3A_7 = vector.load %arg2[%get3A_4, %get3A_5, %get3A_6] : memref<2x1000x1xf32, #tpu.memory_space<vmem>>, vector<1x1000x1xf32>
    %get3A_8 = vector.shape_cast %get3A_7 : vector<1x1000x1xf32> to vector<1000x1xf32>
    %add3A = arith.addf %get3A_3, %get3A_8 : vector<1000x1xf32>
    %gt3A = arith.constant 0.000000e+00 : f32
    %gt3A_9 = vector.broadcast %gt3A : f32 to vector<1000x1xf32>
    %gt3A_10 = arith.cmpf ogt, %add3A, %gt3A_9 : vector<1000x1xf32>
    %jit3A = arith.constant 1.000000e+00 : f32
    %broadcast_in_dim3A = vector.broadcast %jit3A : f32 to vector<1000x1xf32>
    %select_n3A = arith.select %gt3A_10, %add3A, %broadcast_in_dim3A : vector<1000x1xi1>, vector<1000x1xf32>
    %gt3A_11 = arith.constant 0.000000e+00 : f32
    %gt3A_12 = vector.broadcast %gt3A_11 : f32 to vector<1000x1xf32>
    %gt3A_13 = arith.cmpf ogt, %add3A, %gt3A_12 : vector<1000x1xf32>
    %rsqrt3A = math.rsqrt %select_n3A : vector<1000x1xf32>
    %jit3A_14 = arith.constant 0.000000e+00 : f32
    %broadcast_in_dim3A_15 = vector.broadcast %jit3A_14 : f32 to vector<1000x1xf32>
    %select_n3A_16 = arith.select %gt3A_13, %rsqrt3A, %broadcast_in_dim3A_15 : vector<1000x1xi1>, vector<1000x1xf32>
    %get3A_17 = arith.constant 0 : index
    %get3A_18 = arith.constant 0 : index
    %get3A_19 = vector.load %arg1[%get3A_17, %get3A_18] : memref<1000x256xf32, #tpu.memory_space<vmem>>, vector<1000x256xf32>
    %mul3A = vector.broadcast %select_n3A_16 : vector<1000x1xf32> to vector<1000x256xf32>
    %mul3A_20 = arith.mulf %get3A_19, %mul3A : vector<1000x256xf32>
    %slice3A = vector.extract_strided_slice %mul3A_20 {offsets = [0, 0], sizes = [1000, 128], strides = [1, 1]} : vector<1000x256xf32> to vector<1000x128xf32>
    %swap3A = arith.constant 0 : index
    %swap3A_21 = arith.constant 0 : index
    %swap3A_22 = arith.constant 0 : index
    %swap3A_23 = vector.load %arg3[%swap3A, %swap3A_21, %swap3A_22] : memref<2x1000x128xf32, #tpu.memory_space<vmem>>, vector<1x1000x128xf32>
    %swap3A_24 = vector.shape_cast %swap3A_23 : vector<1x1000x128xf32> to vector<1000x128xf32>
    %swap3A_25 = vector.shape_cast %slice3A : vector<1000x128xf32> to vector<1x1000x128xf32>
    tpu.vector_store %arg3[%swap3A, %swap3A_21, %swap3A_22], %swap3A_25 {strides = array<i32>} : memref<2x1000x128xf32, #tpu.memory_space<vmem>>, vector<1x1000x128xf32>,
    %slice3A_26 = vector.extract_strided_slice %mul3A_20 {offsets = [0, 128], sizes = [1000, 128], strides = [1, 1]} : vector<1000x256xf32> to vector<1000x128xf32>
    %swap3A_27 = arith.constant 1 : index
    %swap3A_28 = arith.constant 0 : index
    %swap3A_29 = arith.constant 0 : index
    %swap3A_30 = vector.load %arg3[%swap3A_27, %swap3A_28, %swap3A_29] : memref<2x1000x128xf32, #tpu.memory_space<vmem>>, vector<1x1000x128xf32>
    %swap3A_31 = vector.shape_cast %swap3A_30 : vector<1x1000x128xf32> to vector<1000x128xf32>
    %swap3A_32 = vector.shape_cast %slice3A_26 : vector<1000x128xf32> to vector<1x1000x128xf32>
    tpu.vector_store %arg3[%swap3A_27, %swap3A_28, %swap3A_29], %swap3A_32 {strides = array<i32>} : memref<2x1000x128xf32, #tpu.memory_space<vmem>>, vector<1x1000x128xf32>,
    return
  }
  func.func @transform_0(%arg0: i32) -> (i32, i32) {
    %c0_i32 = arith.constant 0 : i32
    %c0_i32_0 = arith.constant 0 : i32
    return %arg0, %c0_i32 : i32, i32
  }
  func.func @transform_1(%arg0: i32) -> (i32, i32, i32) {
    %c0_i32 = arith.constant 0 : i32
    %c0_i32_0 = arith.constant 0 : i32
    %c0_i32_1 = arith.constant 0 : i32
    return %c0_i32, %arg0, %c0_i32_0 : i32, i32, i32
  }
  func.func @transform_2(%arg0: i32) -> (i32, i32, i32) {
    %c0_i32 = arith.constant 0 : i32
    %c0_i32_0 = arith.constant 0 : i32
    %c0_i32_1 = arith.constant 0 : i32
    return %c0_i32, %arg0, %c0_i32_0 : i32, i32, i32
  }
}

module attributes {stable_mosaic.version = 14 : i64} {
  func.func @_lin_mid_body(%arg0: i32, %arg1: memref<2x1000x128xf32, #tpu.memory_space<vmem>>, %arg2: memref<2x1000x1xf32, #tpu.memory_space<vmem>>, %arg3: memref<1x256xf32, #tpu.memory_space<vmem>>, %arg4: memref<256x256xf32, #tpu.memory_space<vmem>>, %arg5: memref<2x1000x128xf32, #tpu.memory_space<vmem>>) attributes {dimension_semantics = [#tpu.dimension_semantics<arbitrary>], iteration_bounds = array<i64: 10>, scalar_prefetch = 0 : i64, scratch_operands = 0 : i64, tpu.core_type = #tpu.core_type<tc>, window_params = [{transform_indices = @transform_0, window_bounds = array<i64: 2, 1000, 128>}, {transform_indices = @transform_1, window_bounds = array<i64: 2, 1000, 1>}, {pipeline_mode = #tpu.pipeline_mode<synchronous>, transform_indices = @transform_2, window_bounds = array<i64: 1, 256>}, {pipeline_mode = #tpu.pipeline_mode<synchronous>, transform_indices = @transform_3, window_bounds = array<i64: 256, 256>}, {transform_indices = @transform_4, window_bounds = array<i64: 2, 1000, 128>}]} {
    %get3A = arith.constant 0 : index
    %get3A_0 = arith.constant 0 : index
    %get3A_1 = arith.constant 0 : index
    %get3A_2 = vector.load %arg2[%get3A, %get3A_0, %get3A_1] : memref<2x1000x1xf32, #tpu.memory_space<vmem>>, vector<1x1000x1xf32>
    %get3A_3 = vector.shape_cast %get3A_2 : vector<1x1000x1xf32> to vector<1000x1xf32>
    %get3A_4 = arith.constant 1 : index
    %get3A_5 = arith.constant 0 : index
    %get3A_6 = arith.constant 0 : index
    %get3A_7 = vector.load %arg2[%get3A_4, %get3A_5, %get3A_6] : memref<2x1000x1xf32, #tpu.memory_space<vmem>>, vector<1x1000x1xf32>
    %get3A_8 = vector.shape_cast %get3A_7 : vector<1x1000x1xf32> to vector<1000x1xf32>
    %add3A = arith.addf %get3A_3, %get3A_8 : vector<1000x1xf32>
    %gt3A = arith.constant 0.000000e+00 : f32
    %gt3A_9 = vector.broadcast %gt3A : f32 to vector<1000x1xf32>
    %gt3A_10 = arith.cmpf ogt, %add3A, %gt3A_9 : vector<1000x1xf32>
    %jit3A = arith.constant 1.000000e+00 : f32
    %broadcast_in_dim3A = vector.broadcast %jit3A : f32 to vector<1000x1xf32>
    %select_n3A = arith.select %gt3A_10, %add3A, %broadcast_in_dim3A : vector<1000x1xi1>, vector<1000x1xf32>
    %gt3A_11 = arith.constant 0.000000e+00 : f32
    %gt3A_12 = vector.broadcast %gt3A_11 : f32 to vector<1000x1xf32>
    %gt3A_13 = arith.cmpf ogt, %add3A, %gt3A_12 : vector<1000x1xf32>
    %rsqrt3A = math.rsqrt %select_n3A : vector<1000x1xf32>
    %jit3A_14 = arith.constant 0.000000e+00 : f32
    %broadcast_in_dim3A_15 = vector.broadcast %jit3A_14 : f32 to vector<1000x1xf32>
    %select_n3A_16 = arith.select %gt3A_13, %rsqrt3A, %broadcast_in_dim3A_15 : vector<1000x1xi1>, vector<1000x1xf32>
    %get3A_17 = arith.constant 0 : index
    %get3A_18 = arith.constant 0 : index
    %get3A_19 = arith.constant 0 : index
    %get3A_20 = vector.load %arg1[%get3A_17, %get3A_18, %get3A_19] : memref<2x1000x128xf32, #tpu.memory_space<vmem>>, vector<1x1000x128xf32>
    %get3A_21 = vector.shape_cast %get3A_20 : vector<1x1000x128xf32> to vector<1000x128xf32>
    %get3A_22 = arith.constant 1 : index
    %get3A_23 = arith.constant 0 : index
    %get3A_24 = arith.constant 0 : index
    %get3A_25 = vector.load %arg1[%get3A_22, %get3A_23, %get3A_24] : memref<2x1000x128xf32, #tpu.memory_space<vmem>>, vector<1x1000x128xf32>
    %get3A_26 = vector.shape_cast %get3A_25 : vector<1x1000x128xf32> to vector<1000x128xf32>
    %concatenate3A = tpu.concatenate %get3A_21, %get3A_26 in 1 : vector<1000x128xf32>, vector<1000x128xf32> -> vector<1000x256xf32>
    %mul3A = vector.broadcast %select_n3A_16 : vector<1000x1xf32> to vector<1000x256xf32>
    %mul3A_27 = arith.mulf %concatenate3A, %mul3A : vector<1000x256xf32>
    %get3A_28 = arith.constant 0 : index
    %get3A_29 = arith.constant 0 : index
    %get3A_30 = vector.load %arg3[%get3A_28, %get3A_29] : memref<1x256xf32, #tpu.memory_space<vmem>>, vector<1x256xf32>
    %add3A_31 = vector.broadcast %get3A_30 : vector<1x256xf32> to vector<1000x256xf32>
    %add3A_32 = arith.addf %mul3A_27, %add3A_31 : vector<1000x256xf32>
    %get3A_33 = arith.constant 0 : index
    %get3A_34 = arith.constant 0 : index
    %get3A_35 = vector.load %arg4[%get3A_33, %get3A_34] : memref<256x256xf32, #tpu.memory_space<vmem>>, vector<256x256xf32>
    %dot_general3A = arith.constant dense<0.000000e+00> : vector<1000x256xf32>
    %dot_general3A_36 = tpu.matmul %add3A_32, %get3A_35, %dot_general3A {dimension_numbers = #tpu.dot_dimension_numbers<[1], [0], [0], [1], [0, 0, 1, 1], [], []>, transpose_lhs_hint = false} : vector<1000x256xf32>, vector<256x256xf32>, vector<1000x256xf32> -> vector<1000x256xf32>
    %mul3A_37 = vector.broadcast %select_n3A_16 : vector<1000x1xf32> to vector<1000x256xf32>
    %mul3A_38 = arith.mulf %dot_general3A_36, %mul3A_37 : vector<1000x256xf32>
    %slice3A = vector.extract_strided_slice %mul3A_38 {offsets = [0, 0], sizes = [1000, 128], strides = [1, 1]} : vector<1000x256xf32> to vector<1000x128xf32>
    %swap3A = arith.constant 0 : index
    %swap3A_39 = arith.constant 0 : index
    %swap3A_40 = arith.constant 0 : index
    %swap3A_41 = vector.load %arg5[%swap3A, %swap3A_39, %swap3A_40] : memref<2x1000x128xf32, #tpu.memory_space<vmem>>, vector<1x1000x128xf32>
    %swap3A_42 = vector.shape_cast %swap3A_41 : vector<1x1000x128xf32> to vector<1000x128xf32>
    %swap3A_43 = vector.shape_cast %slice3A : vector<1000x128xf32> to vector<1x1000x128xf32>
    tpu.vector_store %arg5[%swap3A, %swap3A_39, %swap3A_40], %swap3A_43 {strides = array<i32>} : memref<2x1000x128xf32, #tpu.memory_space<vmem>>, vector<1x1000x128xf32>,
    %slice3A_44 = vector.extract_strided_slice %mul3A_38 {offsets = [0, 128], sizes = [1000, 128], strides = [1, 1]} : vector<1000x256xf32> to vector<1000x128xf32>
    %swap3A_45 = arith.constant 1 : index
    %swap3A_46 = arith.constant 0 : index
    %swap3A_47 = arith.constant 0 : index
    %swap3A_48 = vector.load %arg5[%swap3A_45, %swap3A_46, %swap3A_47] : memref<2x1000x128xf32, #tpu.memory_space<vmem>>, vector<1x1000x128xf32>
    %swap3A_49 = vector.shape_cast %swap3A_48 : vector<1x1000x128xf32> to vector<1000x128xf32>
    %swap3A_50 = vector.shape_cast %slice3A_44 : vector<1000x128xf32> to vector<1x1000x128xf32>
    tpu.vector_store %arg5[%swap3A_45, %swap3A_46, %swap3A_47], %swap3A_50 {strides = array<i32>} : memref<2x1000x128xf32, #tpu.memory_space<vmem>>, vector<1x1000x128xf32>,
    return
  }
  func.func @transform_0(%arg0: i32) -> (i32, i32, i32) {
    %c0_i32 = arith.constant 0 : i32
    %c0_i32_0 = arith.constant 0 : i32
    %c0_i32_1 = arith.constant 0 : i32
    return %c0_i32, %arg0, %c0_i32_0 : i32, i32, i32
  }
  func.func @transform_1(%arg0: i32) -> (i32, i32, i32) {
    %c0_i32 = arith.constant 0 : i32
    %c0_i32_0 = arith.constant 0 : i32
    %c0_i32_1 = arith.constant 0 : i32
    return %c0_i32, %arg0, %c0_i32_0 : i32, i32, i32
  }
  func.func @transform_2(%arg0: i32) -> (i32, i32) {
    %c0_i32 = arith.constant 0 : i32
    %c0_i32_0 = arith.constant 0 : i32
    %c0_i32_1 = arith.constant 0 : i32
    return %c0_i32, %c0_i32_0 : i32, i32
  }
  func.func @transform_3(%arg0: i32) -> (i32, i32) {
    %c0_i32 = arith.constant 0 : i32
    %c0_i32_0 = arith.constant 0 : i32
    %c0_i32_1 = arith.constant 0 : i32
    return %c0_i32, %c0_i32_0 : i32, i32
  }
  func.func @transform_4(%arg0: i32) -> (i32, i32, i32) {
    %c0_i32 = arith.constant 0 : i32
    %c0_i32_0 = arith.constant 0 : i32
    %c0_i32_1 = arith.constant 0 : i32
    return %c0_i32, %arg0, %c0_i32_0 : i32, i32, i32
  }
}

module attributes {stable_mosaic.version = 14 : i64} {
  func.func @_final_body(%arg0: i32, %arg1: memref<2x1000x128xf32, #tpu.memory_space<vmem>>, %arg2: memref<2x1000x1xf32, #tpu.memory_space<vmem>>, %arg3: memref<1x256xf32, #tpu.memory_space<vmem>>, %arg4: memref<1000x256xf32, #tpu.memory_space<vmem>>) attributes {dimension_semantics = [#tpu.dimension_semantics<arbitrary>], iteration_bounds = array<i64: 10>, scalar_prefetch = 0 : i64, scratch_operands = 0 : i64, tpu.core_type = #tpu.core_type<tc>, window_params = [{transform_indices = @transform_0, window_bounds = array<i64: 2, 1000, 128>}, {transform_indices = @transform_1, window_bounds = array<i64: 2, 1000, 1>}, {pipeline_mode = #tpu.pipeline_mode<synchronous>, transform_indices = @transform_2, window_bounds = array<i64: 1, 256>}, {transform_indices = @transform_3, window_bounds = array<i64: 1000, 256>}]} {
    %get3A = arith.constant 0 : index
    %get3A_0 = arith.constant 0 : index
    %get3A_1 = arith.constant 0 : index
    %get3A_2 = vector.load %arg2[%get3A, %get3A_0, %get3A_1] : memref<2x1000x1xf32, #tpu.memory_space<vmem>>, vector<1x1000x1xf32>
    %get3A_3 = vector.shape_cast %get3A_2 : vector<1x1000x1xf32> to vector<1000x1xf32>
    %get3A_4 = arith.constant 1 : index
    %get3A_5 = arith.constant 0 : index
    %get3A_6 = arith.constant 0 : index
    %get3A_7 = vector.load %arg2[%get3A_4, %get3A_5, %get3A_6] : memref<2x1000x1xf32, #tpu.memory_space<vmem>>, vector<1x1000x1xf32>
    %get3A_8 = vector.shape_cast %get3A_7 : vector<1x1000x1xf32> to vector<1000x1xf32>
    %add3A = arith.addf %get3A_3, %get3A_8 : vector<1000x1xf32>
    %gt3A = arith.constant 0.000000e+00 : f32
    %gt3A_9 = vector.broadcast %gt3A : f32 to vector<1000x1xf32>
    %gt3A_10 = arith.cmpf ogt, %add3A, %gt3A_9 : vector<1000x1xf32>
    %jit3A = arith.constant 1.000000e+00 : f32
    %broadcast_in_dim3A = vector.broadcast %jit3A : f32 to vector<1000x1xf32>
    %select_n3A = arith.select %gt3A_10, %add3A, %broadcast_in_dim3A : vector<1000x1xi1>, vector<1000x1xf32>
    %gt3A_11 = arith.constant 0.000000e+00 : f32
    %gt3A_12 = vector.broadcast %gt3A_11 : f32 to vector<1000x1xf32>
    %gt3A_13 = arith.cmpf ogt, %add3A, %gt3A_12 : vector<1000x1xf32>
    %rsqrt3A = math.rsqrt %select_n3A : vector<1000x1xf32>
    %jit3A_14 = arith.constant 0.000000e+00 : f32
    %broadcast_in_dim3A_15 = vector.broadcast %jit3A_14 : f32 to vector<1000x1xf32>
    %select_n3A_16 = arith.select %gt3A_13, %rsqrt3A, %broadcast_in_dim3A_15 : vector<1000x1xi1>, vector<1000x1xf32>
    %get3A_17 = arith.constant 0 : index
    %get3A_18 = arith.constant 0 : index
    %get3A_19 = arith.constant 0 : index
    %get3A_20 = vector.load %arg1[%get3A_17, %get3A_18, %get3A_19] : memref<2x1000x128xf32, #tpu.memory_space<vmem>>, vector<1x1000x128xf32>
    %get3A_21 = vector.shape_cast %get3A_20 : vector<1x1000x128xf32> to vector<1000x128xf32>
    %get3A_22 = arith.constant 1 : index
    %get3A_23 = arith.constant 0 : index
    %get3A_24 = arith.constant 0 : index
    %get3A_25 = vector.load %arg1[%get3A_22, %get3A_23, %get3A_24] : memref<2x1000x128xf32, #tpu.memory_space<vmem>>, vector<1x1000x128xf32>
    %get3A_26 = vector.shape_cast %get3A_25 : vector<1x1000x128xf32> to vector<1000x128xf32>
    %concatenate3A = tpu.concatenate %get3A_21, %get3A_26 in 1 : vector<1000x128xf32>, vector<1000x128xf32> -> vector<1000x256xf32>
    %mul3A = vector.broadcast %select_n3A_16 : vector<1000x1xf32> to vector<1000x256xf32>
    %mul3A_27 = arith.mulf %concatenate3A, %mul3A : vector<1000x256xf32>
    %get3A_28 = arith.constant 0 : index
    %get3A_29 = arith.constant 0 : index
    %get3A_30 = vector.load %arg3[%get3A_28, %get3A_29] : memref<1x256xf32, #tpu.memory_space<vmem>>, vector<1x256xf32>
    %add3A_31 = vector.broadcast %get3A_30 : vector<1x256xf32> to vector<1000x256xf32>
    %add3A_32 = arith.addf %mul3A_27, %add3A_31 : vector<1000x256xf32>
    %swap3A = arith.constant 0 : index
    %swap3A_33 = arith.constant 0 : index
    %swap3A_34 = vector.load %arg4[%swap3A, %swap3A_33] : memref<1000x256xf32, #tpu.memory_space<vmem>>, vector<1000x256xf32>
    tpu.vector_store %arg4[%swap3A, %swap3A_33], %add3A_32 {strides = array<i32>} : memref<1000x256xf32, #tpu.memory_space<vmem>>, vector<1000x256xf32>,
    return
  }
  func.func @transform_0(%arg0: i32) -> (i32, i32, i32) {
    %c0_i32 = arith.constant 0 : i32
    %c0_i32_0 = arith.constant 0 : i32
    %c0_i32_1 = arith.constant 0 : i32
    return %c0_i32, %arg0, %c0_i32_0 : i32, i32, i32
  }
  func.func @transform_1(%arg0: i32) -> (i32, i32, i32) {
    %c0_i32 = arith.constant 0 : i32
    %c0_i32_0 = arith.constant 0 : i32
    %c0_i32_1 = arith.constant 0 : i32
    return %c0_i32, %arg0, %c0_i32_0 : i32, i32, i32
  }
  func.func @transform_2(%arg0: i32) -> (i32, i32) {
    %c0_i32 = arith.constant 0 : i32
    %c0_i32_0 = arith.constant 0 : i32
    %c0_i32_1 = arith.constant 0 : i32
    return %c0_i32, %c0_i32_0 : i32, i32
  }
  func.func @transform_3(%arg0: i32) -> (i32, i32) {
    %c0_i32 = arith.constant 0 : i32
    %c0_i32_0 = arith.constant 0 : i32
    return %arg0, %c0_i32 : i32, i32
  }
}

</mosaic_0001>

<sc_bundles>
// kernel: kernel.12.cloned.1.call-start
scs
__scs_entry_jumppad:
0x0: {  	(pc) =	sbr.rel $0x88, $3  }
0x1: {  	(tag) =	ssettag $0x0;
	lr =	simm.s32 $0x1  }
0x2: {  	[smem:$0x3F9B] =	sst lr;
	_ =	strace $0xD0000000  }
0x3: {  	_ = 	snop  }
0x4: {  	_ = 	snop  }
0x5: {  	_ = 	snop  }
0x6: {  	_ = 	snop  }
0x7: {  	_ = 	snop  }
__scs_overlays_trampoline_lowered:
0x8: {  	[smem:$0x3FAA] =	sst s0  }
0x9: {  	[smem:$0x3FAB] =	sst s1  }
0xa: {  	[smem:$0x3FAC] =	sst s2  }
0xb: {  	[smem:$0x3FAD] =	sst s3  }
0xc: {  	[smem:$0x3FAE] =	sst s4  }
0xd: {  	[smem:$0x3FAF] =	sst s5  }
0xe: {  	[smem:$0x3FB0] =	sst s6  }
0xf: {  	[smem:$0x3FB1] =	sst s7  }
0x10: {  	[smem:$0x3FB2] =	sst s8  }
0x11: {  	[smem:$0x3FB3] =	sst s9;
	s0 =	simm.s32 @!p0 $0x0  }
0x12: {  	s1 =	sld [smem:$0x3F99];
	s0 =	simm.s32 @p0 $0x1  }
0x13: {  	[smem:$0x3FB4] =	sst s0;
	s0 =	simm.s32 @!p1 $0x0  }
0x14: {  	s2 =	sld [smem:$0x3F98];
	s0 =	simm.s32 @p1 $0x1  }
0x15: {  	[smem:$0x3FB5] =	sst s0;
	s0 =	simm.s32 @!p2 $0x0  }
0x16: {  	s3 =	sld [smem:$0x3FDB];
	s0 =	simm.s32 @p2 $0x1  }
0x17: {  	s4 =	simm.s32 $0x1BF5;
	[smem:$0x3FB7] =	sst s0  }
0x18: {  	s0 =	sld [smem:$0x3F9A];
	_ =	swait.ge [sflag:s4], $0x0  }
0x19: {  	s7 =	sld [smem:$0x3F9B]  }
0x1a: {  	s8 =	sadd.s32 $0xFFFFE003, lr  }
0x1b: {  	s9 =	sadd.s32 $0xFFFFFEF7, lr;
	s5 =	simm.s32 $0xFFFFFFFF;
	p2 =	slt.u32 s8, $0xFFFFF086  }
0x1c: {  	p1 =	slt.u32 s9, $0xF7A;
	s5 =	simm.s32 @!p2 $0x0  }
0x1d: {  	s5 =	simm.s32 @p1 $0x1;
	p0 =	seq.s32 s7, s2  }
0x1e: {  	s7 =	smul.u32 @!p0 $0xF7A, s2;
	p2 =	seq.s32 @!p0 s5, $0x0  }
0x1f: {  	s9 =	smul.u32 $0xF7A, s1;
	s8 =	simm.s32 @!p0 $0x1BF5;
	p2 =	por !p2, p0  }
0x20: {  	[sflag:s8] =	ssyncset.s32 @!p0 $0xFFFFF086;
	s6 =	sadd.s32 @!p0 s3, s7;
	s7 =	simm.s32 @!p0 $0x108  }
0x21: {  	s3 =	sadd.s32 s3, s9;
	s6 =	sadd.s32 @!p0 $0x88, s6;
	s7 =	simm.s32 @p2 $0x1082  }
0x22: {  	[simem:s7], [sflag:s8] =	dma.local @!p0 [hbm:s6], $0xF7A  }
0x23: {  	s9 =	sor.u32 $0xD0000000, s2;
	s6 =	simm.s32 $0x108;
	_ =	swait.ge @!p0 [sflag:s8], $0x0  }
0x24: {  	s3 =	sadd.s32 $0x88, s3;
	s6 =	simm.s32 @!p1 $0x1082;
	[sflag:s4] =	ssyncset.s32 $0xFFFFF086  }
0x25: {  	[simem:s6], [sflag:s4] =	dma.local [hbm:s3], $0xF7A  }
0x26: {  	[smem:$0x3F9B] =	sst s1;
	(tag) =	ssettag s2;
	_ =	strace s9  }
0x27: {  	s1 =	sld [smem:$0x3FAB]  }
0x28: {  	s2 =	sld [smem:$0x3FAC]  }
0x29: {  	s4 =	sld [smem:$0x3FAE]  }
0x2a: {  	p0 =	seq.s32 s5, $0x0;
	s5 =	sld [smem:$0x3FAF]  }
0x2b: {  	s6 =	sld [smem:$0x3FB0]  }
0x2c: {  	s7 =	sld [smem:$0x3FB1]  }
0x2d: {  	s3 =	simm.s32 $0x108;
	s8 =	sld [smem:$0x3FB2]  }
0x2e: {  	s3 =	simm.s32 @!p0 $0x1082;
	s9 =	sld [smem:$0x3FB3]  }
0x2f: {  	lr =	sadd.s32 s0, s3;
	s0 =	sld [smem:$0x3FAA]  }
0x30: {  	s3 =	sld [smem:$0x3FAD]  }
0x31: {  	[smem:$0x3FB6] =	sst s10  }
0x32: {  	s10 =	sld [smem:$0x3FB4];
	_ =	sdelay $0x3  }
0x33: {  	p0 =	seq.s32 s10, $0x1;
	s10 =	sld [smem:$0x3FB6];
	_ =	sdelay $0x3  }
0x34: {  	[smem:$0x3FB6] =	sst s10  }
0x35: {  	s10 =	sld [smem:$0x3FB5];
	_ =	sdelay $0x3  }
0x36: {  	p1 =	seq.s32 s10, $0x1;
	s10 =	sld [smem:$0x3FB6];
	_ =	sdelay $0x3  }
0x37: {  	[smem:$0x3FB6] =	sst s10  }
0x38: {  	s10 =	sld [smem:$0x3FB7]  }
0x39: {  	_ = 	snop;
	(pc) =	sbr.ind lr, $3  }
0x3a: {  	_ = 	snop  }
0x3b: {  	_ = 	snop  }
0x3c: {  	p2 =	seq.s32 s10, $0x1;
	s10 =	sld [smem:$0x3FB6]  }
0x3d: {  	_ =	shalt  }
0x3e: {  	_ =	shalt  }
0x3f: {  	_ =	shalt  }
0x40: {  	_ =	shalt  }
0x41: {  	_ =	shalt  }
0x42: {  	_ =	shalt  }
0x43: {  	_ =	shalt  }
0x44: {  	_ =	shalt  }
0x45: {  	_ =	shalt  }
0x46: {  	_ =	shalt  }
0x47: {  	_ =	shalt  }
0x48: {  	_ =	shalt  }
0x49: {  	_ =	shalt  }
0x4a: {  	_ =	shalt  }
0x4b: {  	_ =	shalt  }
0x4c: {  	_ =	shalt  }
0x4d: {  	_ =	shalt  }
0x4e: {  	_ =	shalt  }
0x4f: {  	_ =	shalt  }
0x50: {  	_ =	shalt  }
0x51: {  	_ =	shalt  }
0x52: {  	_ =	shalt  }
0x53: {  	_ =	shalt  }
0x54: {  	_ =	shalt  }
0x55: {  	_ =	shalt  }
0x56: {  	_ =	shalt  }
0x57: {  	_ =	shalt  }
0x58: {  	_ =	shalt  }
0x59: {  	_ =	shalt  }
0x5a: {  	_ =	shalt  }
0x5b: {  	_ =	shalt  }
0x5c: {  	_ =	shalt  }
0x5d: {  	_ =	shalt  }
0x5e: {  	_ =	shalt  }
0x5f: {  	_ =	shalt  }
0x60: {  	_ =	shalt  }
0x61: {  	_ =	shalt  }
0x62: {  	_ =	shalt  }
0x63: {  	_ =	shalt  }
0x64: {  	_ =	shalt  }
0x65: {  	_ =	shalt  }
0x66: {  	_ =	shalt  }
0x67: {  	_ =	shalt  }
0x68: {  	_ =	shalt  }
0x69: {  	_ =	shalt  }
0x6a: {  	_ =	shalt  }
0x6b: {  	_ =	shalt  }
0x6c: {  	_ =	shalt  }
0x6d: {  	_ =	shalt  }
0x6e: {  	_ =	shalt  }
0x6f: {  	_ =	shalt  }
0x70: {  	_ =	shalt  }
0x71: {  	_ =	shalt  }
0x72: {  	_ =	shalt  }
0x73: {  	_ =	shalt  }
0x74: {  	_ =	shalt  }
0x75: {  	_ =	shalt  }
0x76: {  	_ =	shalt  }
0x77: {  	_ =	shalt  }
0x78: {  	_ =	shalt  }
0x79: {  	_ =	shalt  }
0x7a: {  	_ =	shalt  }
0x7b: {  	_ =	shalt  }
0x7c: {  	_ =	shalt  }
0x7d: {  	_ =	shalt  }
0x7e: {  	_ =	shalt  }
0x7f: {  	_ =	shalt  }
0x80: {  	_ =	shalt  }
0x81: {  	_ =	shalt  }
0x82: {  	_ =	shalt  }
0x83: {  	_ =	shalt  }
0x84: {  	_ =	shalt  }
0x85: {  	_ =	shalt  }
0x86: {  	_ =	shalt  }
0x87: {  	_ =	shalt  }
.Lfunc_end0:
.L_simem_size_0:
called_computation.1_lowered:
.L_overlay_start_0:
0x88: {  	s2 =	sld [smem:$0x3FD9]  }
0x89: {  	s3 =	sld [smem:$0x3FFE];
	_ =	sdelay $0x1  }
0x8a: {  	s1 =	srdreg.scid  }
0x8b: {  	s0 =	sand.u32 $0x1, s1  }
0x8c: {  	s17 =	sshll.u32 s0, $0xA;
	s2 =	sadd.s32 s3, s2  }
0x8d: {  	s2 =	sadd.s32 s2, s17  }
0x8e: {  	[smem:$0x3FC2] =	sst s2  }
0x8f: {  	_ = 	snop  }
0x90: {  	s2 =	sld [smem:$0x3FD0];
	(tm) =	ssettm $0x1  }
0x91: {  	s18 =	sld [smem:$0x3FFB];
	_ =	sdelay $0x3  }
0x92: {  	_ =	strace s18  }
0x93: {  	s3 =	sld [smem:$0x3FFC];
	_ =	sdelay $0x3  }
0x94: {  	_ =	strace s3  }
0x95: {  	s3 =	sld [smem:$0x3FFD];
	_ =	sdelay $0x3  }
0x96: {  	_ =	strace s3  }
0x97: {  	_ =	strace $0x8FFFFFFF  }
0x98: {  	s19 =	sld [smem:$0x3FDB];
	_ =	sdelay $0x1  }
0x99: {  	s4 =	simm.s32 $_scs_section_size  }
0x9a: {  	s5 =	simm.s32 $_size__tile_overlayer_lowered;
	s6 =	simm.s32 $_tile_overlayer_lowered  }
0x9b: {  	s22 =	simm.s32 $0x1BFF;
	s21 =	sshll.u32 s6, $0x1;
	s3 =	sadd.s32 s4, s19  }
0x9c: {  	s7 =	simm.s32 $0x0;
	s20 =	sshll.u32 s5, $0x1;
	s5 =	sadd.s32 s21, s3  }
0x9d: {  	[timem:s7], [sflag:s22] =	dma.local [hbm:s5], s20  }
0x9e: {  	_ =	swait.ge [sflag:s22], s20  }
0x9f: {  	s4 =	ssub.s32 $0x0, s20;
	[sflag:s22] =	ssyncset.done $0x0  }
0xa0: {  	[sflag:s22] =	ssyncadd.s32 s4;
	_ =	sdelay $0x1  }
0xa1: {  	s23 =	simm.s32 $0x1B8B  }
0xa2: {  	_ =	swait.ge [sflag:s23], $0x1  }
0xa3: {  	[sflag:s23] =	ssyncset.done $0x0  }
0xa4: {  	s25 =	simm.s32 $0x1B8E;
	s24 =	sld [smem:$0x3FFE];
	[sflag:s23] =	ssyncadd.s32 $0xFFFFFFFF  }
0xa5: {  	s26 =	simm.s32 $execute0_lowered;
	[smem:$0x3FD2] =	sst s25  }
0xa6: {  	s5 =	sshll.u32 s26, $0x1;
	_ =	strace $0x80000049;
	[dreg:$0x1] =	wrdreg $0xFFFFFFFF  }
0xa7: {  	s28 =	simm.s32 $_size_execute0_lowered;
	s3 =	sadd.s32 s3, s5;
	[dreg:$0x0] =	wrdreg $0x0  }
0xa8: {  	s5 =	sshll.u32 s28, $0x1;
	[dreg:$0x2] =	wrdreg s3  }
0xa9: {  	[dreg:$0x3] =	wrdreg s5  }
0xaa: {  	[dreg:$0x4] =	wrdreg $0xC0  }
0xab: {  	_ =	task [dreg:s7], $0x5FFFF  }
0xac: {  	[dreg:$0x1] =	wrdreg $0xFFFFFFFF  }
0xad: {  	[dreg:$0x0] =	wrdreg $0x60  }
0xae: {  	[dreg:$0x2] =	wrdreg s2  }
0xaf: {  	[dreg:$0x3] =	wrdreg s24  }
0xb0: {  	[dreg:$0x4] =	wrdreg $0xA8000  }
0xb1: {  	[dreg:$0x5] =	wrdreg $0x9  }
0xb2: {  	_ =	task.clear_ibuf [dreg:s7], $0x6FFFF;
	_ =	strace $0x90000049  }
0xb3: {  	s29 =	simm.s32 $0x9;
	_ =	strace $0x8000004B  }
0xb4: {  	_ =	swait.ge [sflag:s29], $0x1  }
0xb5: {  	[sflag:s29] =	ssyncadd.s32 $0xFFFFFFFF  }
0xb6: {  	_ =	strace $0x9000004B  }
0xb7: {  	_ =	sfence  }
0xb8: {  	s30 =	sld [smem:$0x0];
	_ =	sdelay $0x2  }
0xb9: {  	s31 =	sshll.u32 s1, $0xD;
	s1 =	sshrl.u32 s1, $0x2  }
0xba: {  	s3 =	sand.u32 $0x4000, s31;
	s1 =	sadd.s32 s1, s30  }
0xbb: {  	s0 =	sor.u32 s3, s0;
	s1 =	sshll.u32 s1, $0x11  }
0xbc: {  	s0 =	sor.u32 s1, s0  }
0xbd: {  	s0 =	sadd.s32 $0x8F2B, s0  }
0xbe: {  	[sflag:s0] =	ssyncadd.remote.s32 $0x1  }
0xbf: {  	_ =	sfence.sel $0xFFFF  }
0xc0: {  	[dreg:$0x0] =	wrdreg $0xFFFFFFFF;
	(pc) =	sbr.abs _section_cstart, $3  }
0xc1: {  	[dreg:$0x1] =	wrdreg $0xFFFFFFFF  }
0xc2: {  	_ =	task.clear_ibuf [dreg:s7], $0x2FFFF;
	_ =	strace $0x9FFFFFFF  }
0xc3: {  	(tm) =	ssettm $0x7FFFFFFF  }
tec
execute0_lowered:
.L_overlay_start_1:
0x0: {  	(tag) =	ssettag $0x1  }
0x1: {  	s1 =	rddreg [dreg:$0x0]  }
0x2: {  	s0 =	rddreg [dreg:$0x1]  }
0x3: {  	s2 =	rddreg [dreg:$0x2];
	s3 =	srdreg.scid  }
0x4: {  	s5 =	simm.s32 $0x0;
	s10 =	stileid.u32;
	s28 =	simm.s32 $0x100  }
0x5: {  	s29 =	simm.s32 $0x6800;
	s30 =	simm.s32 $0x8800;
	s31 =	simm.s32 $0x1  }
0x6: {  	s11 =	simm.s32 $0x2600;
	s3 =	sand.u32 $0x1, s3;
	s8 =	smul.u32 $0x50000, s10  }
0x7: {  	s12 =	simm.s32 $0x2680;
	s13 =	simm.s32 $0x2700;
	s4 =	smul.u32 $0x140000, s3  }
0x8: {  	s14 =	simm.s32 $0x2780;
	s9 =	smul.u32 $0x50000, s3;
	s3 =	ssub.s32 $0x2, s3  }
0x9: {  	[smem:$0x7FF] =	sst s5;
	s15 =	sshrl.u32 s3, $0x1;
	s8 =	sshrl.u32 s8, $0x2  }
0xa: {  	s7 =	smul.u32 $0x14000, s10;
	s3 =	ssub.s32 s3, s15;
	s20 =	sadd.s32 s8, s2  }
0xb: {  	_ =	strace $0x8000004A;
	s16 =	smax.u32 s3, $0x1;
	[dreg:$0x4] =	wrdreg s20  }
0xc: {  	s5 =	sadd.s32 $0xCC00, s0;
	s17 =	sadd.s32 $0x2000, s20;
	[dreg:$0x6] =	wrdreg s16  }
0xd: {  	s6 =	sadd.s32 $0x2C00, s0;
	s18 =	sadd.s32 $0x4000, s20;
	[dreg:$0x7] =	wrdreg s17  }
0xe: {  	s4 =	sadd.s32 s7, s4;
	s19 =	sadd.s32 $0x6000, s20;
	[dreg:$0x8] =	wrdreg s18  }
0xf: {  	s7 =	smul.u32 $0x5000, s10;
	s21 =	sadd.s32 $0x8000, s20;
	[dreg:$0x9] =	wrdreg s19  }
0x10: {  	s10 =	simm.s32 $0x1380;
	s22 =	sadd.s32 $0xA000, s20;
	[dreg:$0xa] =	wrdreg s21  }
0x11: {  	s15 =	simm.s32 $0x0;
	s23 =	sadd.s32 $0xC000, s20;
	[dreg:$0xb] =	wrdreg s22  }
0x12: {  	s4 =	sshrl.u32 s4, $0x3;
	s24 =	sadd.s32 $0xE000, s20;
	[dreg:$0xc] =	wrdreg s23  }
0x13: {  	s25 =	sadd.s32 $0x10000, s20;
	s26 =	sadd.s32 $0x12000, s20;
	[dreg:$0xd] =	wrdreg s24  }
0x14: {  	s3 =	simm.s32 $0x4;
	s0 =	sadd.s32 s4, s0;
	[dreg:$0xe] =	wrdreg s25  }
0x15: {  	s9 =	sadd.s32 s9, s7;
	[dreg:$0xf] =	wrdreg s26;
	s21 =	simm.s32 $0x2800  }
0x16: {  	s22 =	simm.s32 $0x5;
	s23 =	simm.s32 $0x1400;
	s24 =	simm.s32 $0x40  }
0x17: {  	s25 =	simm.s32 $0x80;
	s26 =	simm.s32 $0x4800;
	s0 =	sadd.s32 $0x70C00, s0  }
0x18: {  	v0 =	vimm.f32 $0.0e+00;
	s4 =	simm.s32 $0x3;
	[dreg:$0x5] =	wrdreg s0;
	s0 =	simm.s32 $0x2  }
.LBB2_1:
0x19: {  	s8 =	simm.s32 $0x0  }
0x1a: {  	s16 =	sand.u32 $0xFFFFFF80, s8  }
0x1b: {  	s16 =	ssub.s32 $0x0, s16  }
0x1c: {  	s19 =	simm.s32 $0x0;
	s8 =	sand.u32 $0x3FFFFF80, s8;
	s16 =	sand.u32 $0xFFFFFF80, s16  }
0x1d: {  	[dreg:$0x10] =	wrdreg s15;
	s17 =	sand.u32 $0x70, s19;
	s8 =	sadd.s32 s16, s8  }
0x1e: {  	s16 =	simm.s32 $0x1;
	s8 =	sor.u32 s17, s8;
	s17 =	simm.s32 $0x0  }
.LBB2_2:
0x1f: {  	s18 =	sshll.u32 s16, $0x4;
	p0 =	sne.s32 s16, $0x1FF;
	s16 =	sadd.s32 $0x1, s16;
	[tilespmem:s8+$0x2800] =	vst v0  }
.Ltmp0:
0x20: {  	s17 =	sadd.s32 $0x10, s17;
	s8 =	sand.u32 $0xFFFFFF80, s18;
	(pc) =	sbr.rel @p0 .LBB2_2-.Ltmp0, $4  }
0x21: {  	s8 =	ssub.s32 s17, s8  }
0x22: {  	s18 =	sand.u32 $0x3FFFFF80, s18;
	s8 =	sand.u32 $0xFFFFFF80, s8  }
0x23: {  	s19 =	sand.u32 $0x70, s17;
	s8 =	sadd.s32 s8, s18  }
0x24: {  	s8 =	sor.u32 s19, s8  }
0x25: {  	[tilespmem:s8+$0x2800] =	vst v0  }
0x26: {  	[spmem:s20] =	stream.linear.scatter [tilespmem:s21], [sflag:$0x5], $0x2000, $0x38;
	[tilespmem:$0x1E800] =	vst v63  }
0x27: {  	_ =	swait.ge [sflag:s22], $0x2000  }
0x28: {  	[sflag:s22] =	ssyncset.done $0x0  }
0x29: {  	s18 =	rddreg [dreg:$0x7];
	[sflag:s22] =	ssyncadd.s32 $0xFFFFE000  }
0x2a: {  	[spmem:s18] =	stream.linear.scatter [tilespmem:s21], [sflag:$0x5], $0x2000, $0x38;
	[tilespmem:$0x1E800] =	vst v63  }
0x2b: {  	_ =	swait.ge [sflag:s22], $0x2000  }
0x2c: {  	[sflag:s22] =	ssyncset.done $0x0  }
0x2d: {  	s19 =	rddreg [dreg:$0x8];
	[sflag:s22] =	ssyncadd.s32 $0xFFFFE000  }
0x2e: {  	[spmem:s19] =	stream.linear.scatter [tilespmem:s21], [sflag:$0x5], $0x2000, $0x38;
	[tilespmem:$0x1E800] =	vst v63  }
0x2f: {  	_ =	swait.ge [sflag:s22], $0x2000  }
0x30: {  	[sflag:s22] =	ssyncset.done $0x0  }
0x31: {  	s20 =	rddreg [dreg:$0x9];
	[sflag:s22] =	ssyncadd.s32 $0xFFFFE000  }
0x32: {  	[spmem:s20] =	stream.linear.scatter [tilespmem:s21], [sflag:$0x5], $0x2000, $0x38;
	[tilespmem:$0x1E800] =	vst v63  }
0x33: {  	_ =	swait.ge [sflag:s22], $0x2000  }
0x34: {  	[sflag:s22] =	ssyncset.done $0x0  }
0x35: {  	s15 =	rddreg [dreg:$0xa];
	[sflag:s22] =	ssyncadd.s32 $0xFFFFE000  }
0x36: {  	[spmem:s15] =	stream.linear.scatter [tilespmem:s21], [sflag:$0x5], $0x2000, $0x38;
	[tilespmem:$0x1E800] =	vst v63  }
0x37: {  	_ =	swait.ge [sflag:s22], $0x2000  }
0x38: {  	[sflag:s22] =	ssyncset.done $0x0  }
0x39: {  	s16 =	rddreg [dreg:$0xb];
	[sflag:s22] =	ssyncadd.s32 $0xFFFFE000  }
0x3a: {  	[spmem:s16] =	stream.linear.scatter [tilespmem:s21], [sflag:$0x5], $0x2000, $0x38;
	[tilespmem:$0x1E800] =	vst v63  }
0x3b: {  	_ =	swait.ge [sflag:s22], $0x2000  }
0x3c: {  	[sflag:s22] =	ssyncset.done $0x0  }
0x3d: {  	s17 =	rddreg [dreg:$0xc];
	[sflag:s22] =	ssyncadd.s32 $0xFFFFE000  }
0x3e: {  	[spmem:s17] =	stream.linear.scatter [tilespmem:s21], [sflag:$0x5], $0x2000, $0x38;
	[tilespmem:$0x1E800] =	vst v63  }
0x3f: {  	_ =	swait.ge [sflag:s22], $0x2000  }
0x40: {  	[sflag:s22] =	ssyncset.done $0x0  }
0x41: {  	s18 =	rddreg [dreg:$0xd];
	[sflag:s22] =	ssyncadd.s32 $0xFFFFE000  }
0x42: {  	[spmem:s18] =	stream.linear.scatter [tilespmem:s21], [sflag:$0x5], $0x2000, $0x38;
	[tilespmem:$0x1E800] =	vst v63  }
0x43: {  	_ =	swait.ge [sflag:s22], $0x2000  }
0x44: {  	[sflag:s22] =	ssyncset.done $0x0  }
0x45: {  	s19 =	rddreg [dreg:$0xe];
	[sflag:s22] =	ssyncadd.s32 $0xFFFFE000  }
0x46: {  	[spmem:s19] =	stream.linear.scatter [tilespmem:s21], [sflag:$0x5], $0x2000, $0x38;
	[tilespmem:$0x1E800] =	vst v63  }
0x47: {  	_ =	swait.ge [sflag:s22], $0x2000  }
0x48: {  	[sflag:s22] =	ssyncset.done $0x0  }
0x49: {  	s20 =	rddreg [dreg:$0xf];
	[sflag:s22] =	ssyncadd.s32 $0xFFFFE000  }
0x4a: {  	[spmem:s20] =	stream.linear.scatter [tilespmem:s21], [sflag:$0x5], $0x2000, $0x38;
	[tilespmem:$0x1E800] =	vst v63  }
0x4b: {  	_ =	swait.ge [sflag:s22], $0x2000  }
0x4c: {  	[sflag:s22] =	ssyncset.done $0x0  }
0x4d: {  	[sflag:s22] =	ssyncadd.s32 $0xFFFFE000  }
0x4e: {  	s16 =	simm.s32 $0x0;
	s17 =	simm.s32 $0x0;
	[bflag:$0x0] =	sbarrier.arrive $0xFFFF  }
.LBB2_4:
0x4f: {  	s8 =	smul.u32 $0x1400, s17;
	_ =	sdelay $0x1  }
0x50: {  	s18 =	sadd.s32 s9, s8  }
0x51: {  	s18 =	sshrl.u32 s18, $0x3  }
0x52: {  	s18 =	sadd.s32 s5, s18  }
0x53: {  	[tilespmem:s16], [sflag:$0x5] =	stream.linear.gather [hbm4b:s18+s16], $0x1400, $0x38;
	[tilespmem:$0x1E800] =	vst v63  }
0x54: {  	s8 =	sadd.s32 s7, s8;
	_ =	swait.ge [sflag:s22], $0x1400  }
0x55: {  	s8 =	sshrl.u32 s8, $0x3;
	[sflag:s22] =	ssyncset.done $0x0  }
0x56: {  	s8 =	sadd.s32 s6, s8;
	[sflag:s22] =	ssyncadd.s32 $0xFFFFEC00  }
0x57: {  	[tilespmem:s23], [sflag:$0x5] =	stream.linear.gather [hbm4b:s8+s16], $0x1400, $0x38;
	[tilespmem:$0x1E800] =	vst v63  }
0x58: {  	_ =	swait.ge [sflag:s22], $0x1400  }
0x59: {  	[sflag:s22] =	ssyncset.done $0x0  }
0x5a: {  	[sflag:s22] =	ssyncadd.s32 $0xFFFFEC00  }
0x5b: {  	[tilespmem:s21], [sflag:$0x1] =	stream.indirect.gather [hbm4b:s1+s24], $0x80, s16, s24, $0xb8;
	[tilespmem:$0x1E800] =	vst v63  }
0x5c: {  	_ = 	snop  }
0x5d: {  	[tilespmem:s26], [sflag:$0x2] =	stream.indirect.gather [hbm4b:s1+s24], $0x80, s25, s24, $0xb8;
	[tilespmem:$0x1E800] =	vst v63  }
0x5e: {  	_ = 	snop  }
0x5f: {  	[tilespmem:s29], [sflag:$0x3] =	stream.indirect.gather [hbm4b:s1+s24], $0x80, s28, s24, $0xb8;
	[tilespmem:$0x1E800] =	vst v63  }
0x60: {  	s15 =	simm.s32 $0x180  }
0x61: {  	[tilespmem:s30], [sflag:$0x4] =	stream.indirect.gather [hbm4b:s1+s24], $0x80, s15, s24, $0xb8;
	[tilespmem:$0x1E800] =	vst v63  }
0x62: {  	_ =	swait.ge [sflag:s31], $0x2000  }
0x63: {  	[sflag:s31] =	ssyncset.done $0x0  }
0x64: {  	s18 =	simm.s32 $0x1400;
	[sflag:s31] =	ssyncadd.s32 $0xFFFFE000  }
0x65: {  	[spmem:s2] =	stream.indirect.scatter.add.f32 [tilespmem:s21], [sflag:$0x5], $0x80, s18, s24, $0xb8;
	[tilespmem:$0x1E800] =	vst v63  }
0x66: {  	_ =	swait.ge [sflag:s22], $0x2000  }
0x67: {  	[sflag:s22] =	ssyncset.done $0x0  }
0x68: {  	s19 =	simm.s32 $0x200;
	[sflag:s22] =	ssyncadd.s32 $0xFFFFE000  }
0x69: {  	[tilespmem:s21], [sflag:$0x1] =	stream.indirect.gather [hbm4b:s1+s24], $0x80, s19, s24, $0xb8;
	[tilespmem:$0x1E800] =	vst v63  }
0x6a: {  	_ =	swait.ge [sflag:s0], $0x2000  }
0x6b: {  	[sflag:s0] =	ssyncset.done $0x0  }
0x6c: {  	s20 =	simm.s32 $0x1480;
	[sflag:s0] =	ssyncadd.s32 $0xFFFFE000  }
0x6d: {  	[spmem:s2] =	stream.indirect.scatter.add.f32 [tilespmem:s26], [sflag:$0x5], $0x80, s20, s24, $0xb8;
	[tilespmem:$0x1E800] =	vst v63  }
0x6e: {  	_ =	swait.ge [sflag:s22], $0x2000  }
0x6f: {  	[sflag:s22] =	ssyncset.done $0x0  }
0x70: {  	s15 =	simm.s32 $0x280;
	[sflag:s22] =	ssyncadd.s32 $0xFFFFE000  }
0x71: {  	[tilespmem:s26], [sflag:$0x2] =	stream.indirect.gather [hbm4b:s1+s24], $0x80, s15, s24, $0xb8;
	[tilespmem:$0x1E800] =	vst v63  }
0x72: {  	_ =	swait.ge [sflag:s4], $0x2000  }
0x73: {  	[sflag:s4] =	ssyncset.done $0x0  }
0x74: {  	s18 =	simm.s32 $0x1500;
	[sflag:s4] =	ssyncadd.s32 $0xFFFFE000  }
0x75: {  	[spmem:s2] =	stream.indirect.scatter.add.f32 [tilespmem:s29], [sflag:$0x5], $0x80, s18, s24, $0xb8;
	[tilespmem:$0x1E800] =	vst v63  }
0x76: {  	_ =	swait.ge [sflag:s22], $0x2000  }
0x77: {  	[sflag:s22] =	ssyncset.done $0x0  }
0x78: {  	s19 =	simm.s32 $0x300;
	[sflag:s22] =	ssyncadd.s32 $0xFFFFE000  }
0x79: {  	[tilespmem:s29], [sflag:$0x3] =	stream.indirect.gather [hbm4b:s1+s24], $0x80, s19, s24, $0xb8;
	[tilespmem:$0x1E800] =	vst v63  }
0x7a: {  	_ =	swait.ge [sflag:s3], $0x2000  }
0x7b: {  	[sflag:s3] =	ssyncset.done $0x0  }
0x7c: {  	s20 =	simm.s32 $0x1580;
	[sflag:s3] =	ssyncadd.s32 $0xFFFFE000  }
0x7d: {  	[spmem:s2] =	stream.indirect.scatter.add.f32 [tilespmem:s30], [sflag:$0x5], $0x80, s20, s24, $0xb8;
	[tilespmem:$0x1E800] =	vst v63  }
0x7e: {  	_ =	swait.ge [sflag:s22], $0x2000  }
0x7f: {  	s18 =	simm.s32 $0x200;
	s19 =	simm.s32 $0x1000;
	[sflag:s22] =	ssyncset.done $0x0  }
.LBB2_5:
0x80: {  	s15 =	sadd.s32 $0x180, s18  }
0x81: {  	[sflag:s22] =	ssyncadd.s32 $0xFFFFE000;
	s20 =	smov.u32 s19;
	s8 =	sadd.s32 $0x800, s19  }
0x82: {  	[tilespmem:s30], [sflag:$0x4] =	stream.indirect.gather [hbm4b:s1+s24], $0x80, s15, s24, $0xb8;
	[tilespmem:$0x1E800] =	vst v63  }
0x83: {  	p0 =	sne.s32 s19, $0x4000;
	_ =	swait.ge [sflag:s31], $0x2000  }
0x84: {  	[sflag:s31] =	ssyncset.done $0x0  }
0x85: {  	s15 =	sadd.s32 $0x1400, s18;
	[sflag:s31] =	ssyncadd.s32 $0xFFFFE000  }
0x86: {  	[spmem:s2] =	stream.indirect.scatter.add.f32 [tilespmem:s21], [sflag:$0x5], $0x80, s15, s24, $0xb8;
	[tilespmem:$0x1E800] =	vst v63  }
0x87: {  	_ =	swait.ge [sflag:s22], $0x2000  }
0x88: {  	[sflag:s22] =	ssyncset.done $0x0  }
0x89: {  	s15 =	sadd.s32 $0x200, s18;
	[sflag:s22] =	ssyncadd.s32 $0xFFFFE000  }
0x8a: {  	[tilespmem:s21], [sflag:$0x1] =	stream.indirect.gather [hbm4b:s1+s24], $0x80, s15, s24, $0xb8;
	[tilespmem:$0x1E800] =	vst v63  }
0x8b: {  	_ =	swait.ge [sflag:s0], $0x2000  }
0x8c: {  	[sflag:s0] =	ssyncset.done $0x0  }
0x8d: {  	s15 =	sadd.s32 $0x1480, s18;
	[sflag:s0] =	ssyncadd.s32 $0xFFFFE000  }
0x8e: {  	[spmem:s2] =	stream.indirect.scatter.add.f32 [tilespmem:s26], [sflag:$0x5], $0x80, s15, s24, $0xb8;
	[tilespmem:$0x1E800] =	vst v63  }
0x8f: {  	_ =	swait.ge [sflag:s22], $0x2000  }
0x90: {  	[sflag:s22] =	ssyncset.done $0x0  }
0x91: {  	s15 =	sadd.s32 $0x280, s18;
	[sflag:s22] =	ssyncadd.s32 $0xFFFFE000  }
0x92: {  	[tilespmem:s26], [sflag:$0x2] =	stream.indirect.gather [hbm4b:s1+s24], $0x80, s15, s24, $0xb8;
	[tilespmem:$0x1E800] =	vst v63  }
0x93: {  	_ =	swait.ge [sflag:s4], $0x2000  }
0x94: {  	[sflag:s4] =	ssyncset.done $0x0  }
0x95: {  	s15 =	sadd.s32 $0x1500, s18;
	[sflag:s4] =	ssyncadd.s32 $0xFFFFE000  }
0x96: {  	[spmem:s2] =	stream.indirect.scatter.add.f32 [tilespmem:s29], [sflag:$0x5], $0x80, s15, s24, $0xb8;
	[tilespmem:$0x1E800] =	vst v63  }
0x97: {  	_ =	swait.ge [sflag:s22], $0x2000  }
0x98: {  	[sflag:s22] =	ssyncset.done $0x0  }
0x99: {  	s15 =	sadd.s32 $0x300, s18;
	[sflag:s22] =	ssyncadd.s32 $0xFFFFE000  }
0x9a: {  	[tilespmem:s29], [sflag:$0x3] =	stream.indirect.gather [hbm4b:s1+s24], $0x80, s15, s24, $0xb8;
	[tilespmem:$0x1E800] =	vst v63  }
0x9b: {  	_ =	swait.ge [sflag:s3], $0x2000  }
.Ltmp1:
0x9c: {  	[sflag:s3] =	ssyncset.done $0x0;
	(pc) =	sbr.rel @p0 .LBB2_5-.Ltmp1, $4  }
0x9d: {  	s15 =	sadd.s32 $0x1580, s18;
	[sflag:s3] =	ssyncadd.s32 $0xFFFFE000  }
0x9e: {  	[spmem:s2] =	stream.indirect.scatter.add.f32 [tilespmem:s30], [sflag:$0x5], $0x80, s15, s24, $0xb8;
	[tilespmem:$0x1E800] =	vst v63  }
0x9f: {  	_ =	swait.ge [sflag:s22], $0x2000  }
0xa0: {  	s19 =	smov.u32 s8;
	s18 =	sshra.s32 s20, $0x2;
	[sflag:s22] =	ssyncset.done $0x0  }
0xa1: {  	s8 =	sadd.s32 $0x180, s18;
	[sflag:s22] =	ssyncadd.s32 $0xFFFFE000  }
0xa2: {  	[tilespmem:s30], [sflag:$0x4] =	stream.indirect.gather [hbm4b:s1+s24], $0x80, s8, s24, $0xb8;
	[tilespmem:$0x1E800] =	vst v63  }
0xa3: {  	_ =	swait.ge [sflag:s31], $0x2000  }
0xa4: {  	[sflag:s31] =	ssyncset.done $0x0  }
0xa5: {  	s20 =	sadd.s32 $0x1400, s18;
	[sflag:s31] =	ssyncadd.s32 $0xFFFFE000  }
0xa6: {  	[spmem:s2] =	stream.indirect.scatter.add.f32 [tilespmem:s21], [sflag:$0x5], $0x80, s20, s24, $0xb8;
	[tilespmem:$0x1E800] =	vst v63  }
0xa7: {  	_ =	swait.ge [sflag:s22], $0x2000  }
0xa8: {  	[sflag:s22] =	ssyncset.done $0x0  }
0xa9: {  	s15 =	sadd.s32 $0x200, s18;
	[sflag:s22] =	ssyncadd.s32 $0xFFFFE000  }
0xaa: {  	[tilespmem:s21], [sflag:$0x1] =	stream.indirect.gather [hbm4b:s1+s24], $0x80, s15, s24, $0xb8;
	[tilespmem:$0x1E800] =	vst v63  }
0xab: {  	_ =	swait.ge [sflag:s0], $0x2000  }
0xac: {  	[sflag:s0] =	ssyncset.done $0x0  }
0xad: {  	s19 =	sadd.s32 $0x1480, s18;
	[sflag:s0] =	ssyncadd.s32 $0xFFFFE000  }
0xae: {  	[spmem:s2] =	stream.indirect.scatter.add.f32 [tilespmem:s26], [sflag:$0x5], $0x80, s19, s24, $0xb8;
	[tilespmem:$0x1E800] =	vst v63  }
0xaf: {  	_ =	swait.ge [sflag:s22], $0x2000  }
0xb0: {  	[sflag:s22] =	ssyncset.done $0x0  }
0xb1: {  	s20 =	sadd.s32 $0x280, s18;
	[sflag:s22] =	ssyncadd.s32 $0xFFFFE000  }
0xb2: {  	[tilespmem:s26], [sflag:$0x2] =	stream.indirect.gather [hbm4b:s1+s24], $0x80, s20, s24, $0xb8;
	[tilespmem:$0x1E800] =	vst v63  }
0xb3: {  	_ =	swait.ge [sflag:s4], $0x2000  }
0xb4: {  	[sflag:s4] =	ssyncset.done $0x0  }
0xb5: {  	s15 =	sadd.s32 $0x1500, s18;
	[sflag:s4] =	ssyncadd.s32 $0xFFFFE000  }
0xb6: {  	[spmem:s2] =	stream.indirect.scatter.add.f32 [tilespmem:s29], [sflag:$0x5], $0x80, s15, s24, $0xb8;
	[tilespmem:$0x1E800] =	vst v63  }
0xb7: {  	_ =	swait.ge [sflag:s22], $0x2000  }
0xb8: {  	[sflag:s22] =	ssyncset.done $0x0  }
0xb9: {  	s19 =	sadd.s32 $0x300, s18;
	[sflag:s22] =	ssyncadd.s32 $0xFFFFE000  }
0xba: {  	[tilespmem:s29], [sflag:$0x3] =	stream.indirect.gather [hbm4b:s1+s24], $0x80, s19, s24, $0xb8;
	[tilespmem:$0x1E800] =	vst v63  }
0xbb: {  	_ =	swait.ge [sflag:s3], $0x2000  }
0xbc: {  	[sflag:s3] =	ssyncset.done $0x0  }
0xbd: {  	s20 =	sadd.s32 $0x1580, s18;
	[sflag:s3] =	ssyncadd.s32 $0xFFFFE000  }
0xbe: {  	[spmem:s2] =	stream.indirect.scatter.add.f32 [tilespmem:s30], [sflag:$0x5], $0x80, s20, s24, $0xb8;
	[tilespmem:$0x1E800] =	vst v63  }
0xbf: {  	_ =	swait.ge [sflag:s22], $0x2000  }
0xc0: {  	[sflag:s22] =	ssyncset.done $0x0  }
0xc1: {  	[sflag:s22] =	ssyncadd.s32 $0xFFFFE000  }
0xc2: {  	[tilespmem:s30], [sflag:$0x4] =	stream.indirect.gather [hbm4b:s1+s24], $0x80, s10, s24, $0xb8;
	[tilespmem:$0x1E800] =	vst v63  }
0xc3: {  	_ =	swait.ge [sflag:s31], $0x2000  }
0xc4: {  	[sflag:s31] =	ssyncset.done $0x0  }
0xc5: {  	[sflag:s31] =	ssyncadd.s32 $0xFFFFE000  }
0xc6: {  	[spmem:s2] =	stream.indirect.scatter.add.f32 [tilespmem:s21], [sflag:$0x5], $0x80, s11, s24, $0xb8;
	[tilespmem:$0x1E800] =	vst v63  }
0xc7: {  	_ =	swait.ge [sflag:s22], $0x2000  }
0xc8: {  	[sflag:s22] =	ssyncset.done $0x0  }
0xc9: {  	[sflag:s22] =	ssyncadd.s32 $0xFFFFE000  }
0xca: {  	_ =	swait.ge [sflag:s0], $0x2000  }
0xcb: {  	[sflag:s0] =	ssyncset.done $0x0  }
0xcc: {  	[sflag:s0] =	ssyncadd.s32 $0xFFFFE000  }
0xcd: {  	[spmem:s2] =	stream.indirect.scatter.add.f32 [tilespmem:s26], [sflag:$0x5], $0x80, s12, s24, $0xb8;
	[tilespmem:$0x1E800] =	vst v63  }
0xce: {  	_ =	swait.ge [sflag:s22], $0x2000  }
0xcf: {  	[sflag:s22] =	ssyncset.done $0x0  }
0xd0: {  	[sflag:s22] =	ssyncadd.s32 $0xFFFFE000  }
0xd1: {  	_ =	swait.ge [sflag:s4], $0x2000  }
0xd2: {  	[sflag:s4] =	ssyncset.done $0x0  }
0xd3: {  	[sflag:s4] =	ssyncadd.s32 $0xFFFFE000  }
0xd4: {  	[spmem:s2] =	stream.indirect.scatter.add.f32 [tilespmem:s29], [sflag:$0x5], $0x80, s13, s24, $0xb8;
	[tilespmem:$0x1E800] =	vst v63  }
0xd5: {  	_ =	swait.ge [sflag:s22], $0x2000  }
0xd6: {  	[sflag:s22] =	ssyncset.done $0x0  }
0xd7: {  	[sflag:s22] =	ssyncadd.s32 $0xFFFFE000  }
0xd8: {  	s17 =	sadd.s32 $0x1, s17;
	_ =	swait.ge [sflag:s3], $0x2000  }
0xd9: {  	p0 =	sne.s32 s17, $0x4;
	[sflag:s3] =	ssyncset.done $0x0  }
.Ltmp2:
0xda: {  	[sflag:s3] =	ssyncadd.s32 $0xFFFFE000;
	(pc) =	sbr.rel @p0 .LBB2_4-.Ltmp2, $4  }
0xdb: {  	[spmem:s2] =	stream.indirect.scatter.add.f32 [tilespmem:s30], [sflag:$0x5], $0x80, s14, s24, $0xb8;
	[tilespmem:$0x1E800] =	vst v63  }
0xdc: {  	_ =	swait.ge [sflag:s22], $0x2000  }
0xdd: {  	[sflag:s22] =	ssyncset.done $0x0  }
0xde: {  	[sflag:s22] =	ssyncadd.s32 $0xFFFFE000  }
0xdf: {  	s8 =	stileid.u32;
	[bflag:$0x0] =	sbarrier.arrive $0xFFFF  }
0xe0: {  	s8 =	sshll.u32 s8, $0x6;
	s20 =	rddreg [dreg:$0x4]  }
0xe1: {  	s16 =	rddreg [dreg:$0x5];
	s8 =	sor.u32 $0x1C05, s8;
	s15 =	sshrl.u32 s20, $0x3  }
0xe2: {  	[hbm:s16], [sflag:s8] =	dma.local [spmem:s15], $0x2800  }
0xe3: {  	_ =	swait.ge [sflag:s22], $0x2800  }
0xe4: {  	s18 =	rddreg [dreg:$0x10]  }
0xe5: {  	s19 =	rddreg [dreg:$0x6];
	s15 =	sadd.s32 $0x1, s18  }
0xe6: {  	p0 =	sne.s32 s15, s19  }
.Ltmp3:
0xe7: {  	_ = 	snop;
	(pc) =	sbr.rel @p0 .LBB2_1-.Ltmp3, $3  }
0xe8: {  	_ =	sdelay $0x1  }
0xe9: {  	[sflag:s22] =	ssyncset.done $0x0  }
0xea: {  	[sflag:s22] =	ssyncadd.s32 $0xFFFFD800  }
0xeb: {  	_ =	sfence.sel $0x180000  }
0xec: {  	[bflag:$0x0] =	sbarrier.arrive $0xFFFF  }
0xed: {  	_ =	strace $0x9000004A  }
0xee: {  	s0 =	stileid.u32;
	[bflag:$0x2] =	sbarrier.arrive $0xFFFF  }
0xef: {  	p0 =	sne.s32 s0, $0x0;
	s0 =	rddreg [dreg:$0x3]  }
0xf0: {  	s0 =	sadd.s32 @!p0 $0x100000, s0  }
0xf1: {  	[sflag:s0] =	ssyncadd.tile.s32 @!p0 $0x1;
	_ =	shalt  }
.Lfunc_end2:
_tile_overlayer_lowered:
.L_overlay_start_2:
0xf2: {  	(tag) =	ssettag $0x2  }
0xf3: {  	s0 =	rddreg [dreg:$0x0];
	s2 =	stileid.u32  }
0xf4: {  	s1 =	rddreg [dreg:$0x1];
	p0 =	sne.s32 s2, $0x0  }
0xf5: {  	s3 =	rddreg [dreg:$0x2];
	[bflag:$0x3] =	sbarrier.arrive $0xFFFF;
	s2 =	simm.s32 @!p0 $0x1C05  }
0xf6: {  	[timem:s3], [sflag:s2] =	dma.local @!p0 [hbm:s0], s1  }
0xf7: {  	s0 =	simm.s32 @!p0 $0x5  }
0xf8: {  	_ =	swait.ge @!p0 [sflag:s0], s1  }
0xf9: {  	s1 =	ssub.s32 @!p0 $0x0, s1;
	[sflag:s0] =	ssyncset.done @!p0 $0x0  }
0xfa: {  	[sflag:s0] =	ssyncadd.s32 @!p0 s1  }
0xfb: {  	[bflag:$0x3] =	sbarrier.arrive $0xFFFF  }
0xfc: {  	_ =	shalt  }

// kernel: kernel.15.cloned.1.call-start
scs
__scs_entry_jumppad:
0x0: {  	(pc) =	sbr.rel $0x88, $3  }
0x1: {  	(tag) =	ssettag $0x0;
	lr =	simm.s32 $0x1  }
0x2: {  	[smem:$0x3F9B] =	sst lr;
	_ =	strace $0xD0000000  }
0x3: {  	_ = 	snop  }
0x4: {  	_ = 	snop  }
0x5: {  	_ = 	snop  }
0x6: {  	_ = 	snop  }
0x7: {  	_ = 	snop  }
__scs_overlays_trampoline_lowered:
0x8: {  	[smem:$0x3FAA] =	sst s0  }
0x9: {  	[smem:$0x3FAB] =	sst s1  }
0xa: {  	[smem:$0x3FAC] =	sst s2  }
0xb: {  	[smem:$0x3FAD] =	sst s3  }
0xc: {  	[smem:$0x3FAE] =	sst s4  }
0xd: {  	[smem:$0x3FAF] =	sst s5  }
0xe: {  	[smem:$0x3FB0] =	sst s6  }
0xf: {  	[smem:$0x3FB1] =	sst s7  }
0x10: {  	[smem:$0x3FB2] =	sst s8  }
0x11: {  	[smem:$0x3FB3] =	sst s9;
	s0 =	simm.s32 @!p0 $0x0  }
0x12: {  	s1 =	sld [smem:$0x3F99];
	s0 =	simm.s32 @p0 $0x1  }
0x13: {  	[smem:$0x3FB4] =	sst s0;
	s0 =	simm.s32 @!p1 $0x0  }
0x14: {  	s2 =	sld [smem:$0x3F98];
	s0 =	simm.s32 @p1 $0x1  }
0x15: {  	[smem:$0x3FB5] =	sst s0;
	s0 =	simm.s32 @!p2 $0x0  }
0x16: {  	s3 =	sld [smem:$0x3FDB];
	s0 =	simm.s32 @p2 $0x1  }
0x17: {  	s4 =	simm.s32 $0x1BF5;
	[smem:$0x3FB7] =	sst s0  }
0x18: {  	s0 =	sld [smem:$0x3F9A];
	_ =	swait.ge [sflag:s4], $0x0  }
0x19: {  	s7 =	sld [smem:$0x3F9B]  }
0x1a: {  	s8 =	sadd.s32 $0xFFFFE003, lr  }
0x1b: {  	s9 =	sadd.s32 $0xFFFFFEF7, lr;
	s5 =	simm.s32 $0xFFFFFFFF;
	p2 =	slt.u32 s8, $0xFFFFF086  }
0x1c: {  	p1 =	slt.u32 s9, $0xF7A;
	s5 =	simm.s32 @!p2 $0x0  }
0x1d: {  	s5 =	simm.s32 @p1 $0x1;
	p0 =	seq.s32 s7, s2  }
0x1e: {  	s7 =	smul.u32 @!p0 $0xF7A, s2;
	p2 =	seq.s32 @!p0 s5, $0x0  }
0x1f: {  	s9 =	smul.u32 $0xF7A, s1;
	s8 =	simm.s32 @!p0 $0x1BF5;
	p2 =	por !p2, p0  }
0x20: {  	[sflag:s8] =	ssyncset.s32 @!p0 $0xFFFFF086;
	s6 =	sadd.s32 @!p0 s3, s7;
	s7 =	simm.s32 @!p0 $0x108  }
0x21: {  	s3 =	sadd.s32 s3, s9;
	s6 =	sadd.s32 @!p0 $0x88, s6;
	s7 =	simm.s32 @p2 $0x1082  }
0x22: {  	[simem:s7], [sflag:s8] =	dma.local @!p0 [hbm:s6], $0xF7A  }
0x23: {  	s9 =	sor.u32 $0xD0000000, s2;
	s6 =	simm.s32 $0x108;
	_ =	swait.ge @!p0 [sflag:s8], $0x0  }
0x24: {  	s3 =	sadd.s32 $0x88, s3;
	s6 =	simm.s32 @!p1 $0x1082;
	[sflag:s4] =	ssyncset.s32 $0xFFFFF086  }
0x25: {  	[simem:s6], [sflag:s4] =	dma.local [hbm:s3], $0xF7A  }
0x26: {  	[smem:$0x3F9B] =	sst s1;
	(tag) =	ssettag s2;
	_ =	strace s9  }
0x27: {  	s1 =	sld [smem:$0x3FAB]  }
0x28: {  	s2 =	sld [smem:$0x3FAC]  }
0x29: {  	s4 =	sld [smem:$0x3FAE]  }
0x2a: {  	p0 =	seq.s32 s5, $0x0;
	s5 =	sld [smem:$0x3FAF]  }
0x2b: {  	s6 =	sld [smem:$0x3FB0]  }
0x2c: {  	s7 =	sld [smem:$0x3FB1]  }
0x2d: {  	s3 =	simm.s32 $0x108;
	s8 =	sld [smem:$0x3FB2]  }
0x2e: {  	s3 =	simm.s32 @!p0 $0x1082;
	s9 =	sld [smem:$0x3FB3]  }
0x2f: {  	lr =	sadd.s32 s0, s3;
	s0 =	sld [smem:$0x3FAA]  }
0x30: {  	s3 =	sld [smem:$0x3FAD]  }
0x31: {  	[smem:$0x3FB6] =	sst s10  }
0x32: {  	s10 =	sld [smem:$0x3FB4];
	_ =	sdelay $0x3  }
0x33: {  	p0 =	seq.s32 s10, $0x1;
	s10 =	sld [smem:$0x3FB6];
	_ =	sdelay $0x3  }
0x34: {  	[smem:$0x3FB6] =	sst s10  }
0x35: {  	s10 =	sld [smem:$0x3FB5];
	_ =	sdelay $0x3  }
0x36: {  	p1 =	seq.s32 s10, $0x1;
	s10 =	sld [smem:$0x3FB6];
	_ =	sdelay $0x3  }
0x37: {  	[smem:$0x3FB6] =	sst s10  }
0x38: {  	s10 =	sld [smem:$0x3FB7]  }
0x39: {  	_ = 	snop;
	(pc) =	sbr.ind lr, $3  }
0x3a: {  	_ = 	snop  }
0x3b: {  	_ = 	snop  }
0x3c: {  	p2 =	seq.s32 s10, $0x1;
	s10 =	sld [smem:$0x3FB6]  }
0x3d: {  	_ =	shalt  }
0x3e: {  	_ =	shalt  }
0x3f: {  	_ =	shalt  }
0x40: {  	_ =	shalt  }
0x41: {  	_ =	shalt  }
0x42: {  	_ =	shalt  }
0x43: {  	_ =	shalt  }
0x44: {  	_ =	shalt  }
0x45: {  	_ =	shalt  }
0x46: {  	_ =	shalt  }
0x47: {  	_ =	shalt  }
0x48: {  	_ =	shalt  }
0x49: {  	_ =	shalt  }
0x4a: {  	_ =	shalt  }
0x4b: {  	_ =	shalt  }
0x4c: {  	_ =	shalt  }
0x4d: {  	_ =	shalt  }
0x4e: {  	_ =	shalt  }
0x4f: {  	_ =	shalt  }
0x50: {  	_ =	shalt  }
0x51: {  	_ =	shalt  }
0x52: {  	_ =	shalt  }
0x53: {  	_ =	shalt  }
0x54: {  	_ =	shalt  }
0x55: {  	_ =	shalt  }
0x56: {  	_ =	shalt  }
0x57: {  	_ =	shalt  }
0x58: {  	_ =	shalt  }
0x59: {  	_ =	shalt  }
0x5a: {  	_ =	shalt  }
0x5b: {  	_ =	shalt  }
0x5c: {  	_ =	shalt  }
0x5d: {  	_ =	shalt  }
0x5e: {  	_ =	shalt  }
0x5f: {  	_ =	shalt  }
0x60: {  	_ =	shalt  }
0x61: {  	_ =	shalt  }
0x62: {  	_ =	shalt  }
0x63: {  	_ =	shalt  }
0x64: {  	_ =	shalt  }
0x65: {  	_ =	shalt  }
0x66: {  	_ =	shalt  }
0x67: {  	_ =	shalt  }
0x68: {  	_ =	shalt  }
0x69: {  	_ =	shalt  }
0x6a: {  	_ =	shalt  }
0x6b: {  	_ =	shalt  }
0x6c: {  	_ =	shalt  }
0x6d: {  	_ =	shalt  }
0x6e: {  	_ =	shalt  }
0x6f: {  	_ =	shalt  }
0x70: {  	_ =	shalt  }
0x71: {  	_ =	shalt  }
0x72: {  	_ =	shalt  }
0x73: {  	_ =	shalt  }
0x74: {  	_ =	shalt  }
0x75: {  	_ =	shalt  }
0x76: {  	_ =	shalt  }
0x77: {  	_ =	shalt  }
0x78: {  	_ =	shalt  }
0x79: {  	_ =	shalt  }
0x7a: {  	_ =	shalt  }
0x7b: {  	_ =	shalt  }
0x7c: {  	_ =	shalt  }
0x7d: {  	_ =	shalt  }
0x7e: {  	_ =	shalt  }
0x7f: {  	_ =	shalt  }
0x80: {  	_ =	shalt  }
0x81: {  	_ =	shalt  }
0x82: {  	_ =	shalt  }
0x83: {  	_ =	shalt  }
0x84: {  	_ =	shalt  }
0x85: {  	_ =	shalt  }
0x86: {  	_ =	shalt  }
0x87: {  	_ =	shalt  }
.Lfunc_end0:
.L_simem_size_0:
called_computation.2_lowered:
.L_overlay_start_0:
0x88: {  	s2 =	sld [smem:$0x3FD9]  }
0x89: {  	s3 =	sld [smem:$0x3FFE];
	_ =	sdelay $0x1  }
0x8a: {  	s1 =	srdreg.scid  }
0x8b: {  	s0 =	sand.u32 $0x1, s1  }
0x8c: {  	s17 =	sshll.u32 s0, $0xA;
	s2 =	sadd.s32 s3, s2  }
0x8d: {  	s2 =	sadd.s32 s2, s17  }
0x8e: {  	[smem:$0x3FC2] =	sst s2  }
0x8f: {  	_ = 	snop  }
0x90: {  	s2 =	sld [smem:$0x3FD0];
	(tm) =	ssettm $0x1  }
0x91: {  	s18 =	sld [smem:$0x3FFB];
	_ =	sdelay $0x3  }
0x92: {  	_ =	strace s18  }
0x93: {  	s3 =	sld [smem:$0x3FFC];
	_ =	sdelay $0x3  }
0x94: {  	_ =	strace s3  }
0x95: {  	s3 =	sld [smem:$0x3FFD];
	_ =	sdelay $0x3  }
0x96: {  	_ =	strace s3  }
0x97: {  	_ =	strace $0x8FFFFFFF  }
0x98: {  	s19 =	sld [smem:$0x3FDB];
	_ =	sdelay $0x1  }
0x99: {  	s4 =	simm.s32 $_scs_section_size  }
0x9a: {  	s5 =	simm.s32 $_size__tile_overlayer_lowered;
	s6 =	simm.s32 $_tile_overlayer_lowered  }
0x9b: {  	s22 =	simm.s32 $0x1BFF;
	s21 =	sshll.u32 s6, $0x1;
	s3 =	sadd.s32 s4, s19  }
0x9c: {  	s7 =	simm.s32 $0x0;
	s20 =	sshll.u32 s5, $0x1;
	s5 =	sadd.s32 s21, s3  }
0x9d: {  	[timem:s7], [sflag:s22] =	dma.local [hbm:s5], s20  }
0x9e: {  	_ =	swait.ge [sflag:s22], s20  }
0x9f: {  	s4 =	ssub.s32 $0x0, s20;
	[sflag:s22] =	ssyncset.done $0x0  }
0xa0: {  	[sflag:s22] =	ssyncadd.s32 s4;
	_ =	sdelay $0x1  }
0xa1: {  	s23 =	simm.s32 $0x1B8B  }
0xa2: {  	_ =	swait.ge [sflag:s23], $0x1  }
0xa3: {  	[sflag:s23] =	ssyncset.done $0x0  }
0xa4: {  	s25 =	simm.s32 $0x1B8E;
	s24 =	sld [smem:$0x3FFE];
	[sflag:s23] =	ssyncadd.s32 $0xFFFFFFFF  }
0xa5: {  	s26 =	simm.s32 $execute0_lowered;
	[smem:$0x3FD2] =	sst s25  }
0xa6: {  	s5 =	sshll.u32 s26, $0x1;
	_ =	strace $0x8000004C;
	[dreg:$0x1] =	wrdreg $0xFFFFFFFF  }
0xa7: {  	s28 =	simm.s32 $_size_execute0_lowered;
	s3 =	sadd.s32 s3, s5;
	[dreg:$0x0] =	wrdreg $0x0  }
0xa8: {  	s5 =	sshll.u32 s28, $0x1;
	[dreg:$0x2] =	wrdreg s3  }
0xa9: {  	[dreg:$0x3] =	wrdreg s5  }
0xaa: {  	[dreg:$0x4] =	wrdreg $0xC0  }
0xab: {  	_ =	task [dreg:s7], $0x5FFFF  }
0xac: {  	[dreg:$0x1] =	wrdreg $0xFFFFFFFF  }
0xad: {  	[dreg:$0x0] =	wrdreg $0x60  }
0xae: {  	[dreg:$0x2] =	wrdreg s2  }
0xaf: {  	[dreg:$0x3] =	wrdreg s24  }
0xb0: {  	[dreg:$0x4] =	wrdreg $0xA8000  }
0xb1: {  	[dreg:$0x5] =	wrdreg $0x9  }
0xb2: {  	_ =	task.clear_ibuf [dreg:s7], $0x6FFFF;
	_ =	strace $0x9000004C  }
0xb3: {  	s29 =	simm.s32 $0x9;
	_ =	strace $0x8000004E  }
0xb4: {  	_ =	swait.ge [sflag:s29], $0x1  }
0xb5: {  	[sflag:s29] =	ssyncadd.s32 $0xFFFFFFFF  }
0xb6: {  	_ =	strace $0x9000004E  }
0xb7: {  	_ =	sfence  }
0xb8: {  	s30 =	sld [smem:$0x0];
	_ =	sdelay $0x2  }
0xb9: {  	s31 =	sshll.u32 s1, $0xD;
	s1 =	sshrl.u32 s1, $0x2  }
0xba: {  	s3 =	sand.u32 $0x4000, s31;
	s1 =	sadd.s32 s1, s30  }
0xbb: {  	s0 =	sor.u32 s3, s0;
	s1 =	sshll.u32 s1, $0x11  }
0xbc: {  	s0 =	sor.u32 s1, s0  }
0xbd: {  	s0 =	sadd.s32 $0x8F2B, s0  }
0xbe: {  	[sflag:s0] =	ssyncadd.remote.s32 $0x1  }
0xbf: {  	_ =	sfence.sel $0xFFFF  }
0xc0: {  	[dreg:$0x0] =	wrdreg $0xFFFFFFFF;
	(pc) =	sbr.abs _section_cstart, $3  }
0xc1: {  	[dreg:$0x1] =	wrdreg $0xFFFFFFFF  }
0xc2: {  	_ =	task.clear_ibuf [dreg:s7], $0x2FFFF;
	_ =	strace $0x9FFFFFFF  }
0xc3: {  	(tm) =	ssettm $0x7FFFFFFF  }
tec
execute0_lowered:
.L_overlay_start_1:
0x0: {  	(tag) =	ssettag $0x1  }
0x1: {  	s1 =	rddreg [dreg:$0x0]  }
0x2: {  	s0 =	rddreg [dreg:$0x1]  }
0x3: {  	s2 =	rddreg [dreg:$0x2];
	s3 =	srdreg.scid  }
0x4: {  	s5 =	simm.s32 $0x0;
	s10 =	stileid.u32;
	s28 =	simm.s32 $0x100  }
0x5: {  	s29 =	simm.s32 $0x6800;
	s30 =	simm.s32 $0x8800;
	s31 =	simm.s32 $0x1  }
0x6: {  	s11 =	simm.s32 $0x2600;
	s3 =	sand.u32 $0x1, s3;
	s8 =	smul.u32 $0x50000, s10  }
0x7: {  	s12 =	simm.s32 $0x2680;
	s13 =	simm.s32 $0x2700;
	s4 =	smul.u32 $0x140000, s3  }
0x8: {  	s14 =	simm.s32 $0x2780;
	s9 =	smul.u32 $0x50000, s3;
	s3 =	ssub.s32 $0x2, s3  }
0x9: {  	[smem:$0x7FF] =	sst s5;
	s15 =	sshrl.u32 s3, $0x1;
	s8 =	sshrl.u32 s8, $0x2  }
0xa: {  	s7 =	smul.u32 $0x14000, s10;
	s3 =	ssub.s32 s3, s15;
	s20 =	sadd.s32 s8, s2  }
0xb: {  	_ =	strace $0x8000004D;
	s16 =	smax.u32 s3, $0x1;
	[dreg:$0x4] =	wrdreg s20  }
0xc: {  	s5 =	sadd.s32 $0xCC00, s0;
	s17 =	sadd.s32 $0x2000, s20;
	[dreg:$0x6] =	wrdreg s16  }
0xd: {  	s6 =	sadd.s32 $0x2C00, s0;
	s18 =	sadd.s32 $0x4000, s20;
	[dreg:$0x7] =	wrdreg s17  }
0xe: {  	s4 =	sadd.s32 s7, s4;
	s19 =	sadd.s32 $0x6000, s20;
	[dreg:$0x8] =	wrdreg s18  }
0xf: {  	s7 =	smul.u32 $0x5000, s10;
	s21 =	sadd.s32 $0x8000, s20;
	[dreg:$0x9] =	wrdreg s19  }
0x10: {  	s10 =	simm.s32 $0x1380;
	s22 =	sadd.s32 $0xA000, s20;
	[dreg:$0xa] =	wrdreg s21  }
0x11: {  	s15 =	simm.s32 $0x0;
	s23 =	sadd.s32 $0xC000, s20;
	[dreg:$0xb] =	wrdreg s22  }
0x12: {  	s4 =	sshrl.u32 s4, $0x3;
	s24 =	sadd.s32 $0xE000, s20;
	[dreg:$0xc] =	wrdreg s23  }
0x13: {  	s25 =	sadd.s32 $0x10000, s20;
	s26 =	sadd.s32 $0x12000, s20;
	[dreg:$0xd] =	wrdreg s24  }
0x14: {  	s3 =	simm.s32 $0x4;
	s0 =	sadd.s32 s4, s0;
	[dreg:$0xe] =	wrdreg s25  }
0x15: {  	s9 =	sadd.s32 s9, s7;
	[dreg:$0xf] =	wrdreg s26;
	s21 =	simm.s32 $0x2800  }
0x16: {  	s22 =	simm.s32 $0x5;
	s23 =	simm.s32 $0x1400;
	s24 =	simm.s32 $0x40  }
0x17: {  	s25 =	simm.s32 $0x80;
	s26 =	simm.s32 $0x4800;
	s0 =	sadd.s32 $0x70C00, s0  }
0x18: {  	v0 =	vimm.f32 $0.0e+00;
	s4 =	simm.s32 $0x3;
	[dreg:$0x5] =	wrdreg s0;
	s0 =	simm.s32 $0x2  }
.LBB2_1:
0x19: {  	s8 =	simm.s32 $0x0  }
0x1a: {  	s16 =	sand.u32 $0xFFFFFF80, s8  }
0x1b: {  	s16 =	ssub.s32 $0x0, s16  }
0x1c: {  	s19 =	simm.s32 $0x0;
	s8 =	sand.u32 $0x3FFFFF80, s8;
	s16 =	sand.u32 $0xFFFFFF80, s16  }
0x1d: {  	[dreg:$0x10] =	wrdreg s15;
	s17 =	sand.u32 $0x70, s19;
	s8 =	sadd.s32 s16, s8  }
0x1e: {  	s16 =	simm.s32 $0x1;
	s8 =	sor.u32 s17, s8;
	s17 =	simm.s32 $0x0  }
.LBB2_2:
0x1f: {  	s18 =	sshll.u32 s16, $0x4;
	p0 =	sne.s32 s16, $0x1FF;
	s16 =	sadd.s32 $0x1, s16;
	[tilespmem:s8+$0x2800] =	vst v0  }
.Ltmp0:
0x20: {  	s17 =	sadd.s32 $0x10, s17;
	s8 =	sand.u32 $0xFFFFFF80, s18;
	(pc) =	sbr.rel @p0 .LBB2_2-.Ltmp0, $4  }
0x21: {  	s8 =	ssub.s32 s17, s8  }
0x22: {  	s18 =	sand.u32 $0x3FFFFF80, s18;
	s8 =	sand.u32 $0xFFFFFF80, s8  }
0x23: {  	s19 =	sand.u32 $0x70, s17;
	s8 =	sadd.s32 s8, s18  }
0x24: {  	s8 =	sor.u32 s19, s8  }
0x25: {  	[tilespmem:s8+$0x2800] =	vst v0  }
0x26: {  	[spmem:s20] =	stream.linear.scatter [tilespmem:s21], [sflag:$0x5], $0x2000, $0x38;
	[tilespmem:$0x1E800] =	vst v63  }
0x27: {  	_ =	swait.ge [sflag:s22], $0x2000  }
0x28: {  	[sflag:s22] =	ssyncset.done $0x0  }
0x29: {  	s18 =	rddreg [dreg:$0x7];
	[sflag:s22] =	ssyncadd.s32 $0xFFFFE000  }
0x2a: {  	[spmem:s18] =	stream.linear.scatter [tilespmem:s21], [sflag:$0x5], $0x2000, $0x38;
	[tilespmem:$0x1E800] =	vst v63  }
0x2b: {  	_ =	swait.ge [sflag:s22], $0x2000  }
0x2c: {  	[sflag:s22] =	ssyncset.done $0x0  }
0x2d: {  	s19 =	rddreg [dreg:$0x8];
	[sflag:s22] =	ssyncadd.s32 $0xFFFFE000  }
0x2e: {  	[spmem:s19] =	stream.linear.scatter [tilespmem:s21], [sflag:$0x5], $0x2000, $0x38;
	[tilespmem:$0x1E800] =	vst v63  }
0x2f: {  	_ =	swait.ge [sflag:s22], $0x2000  }
0x30: {  	[sflag:s22] =	ssyncset.done $0x0  }
0x31: {  	s20 =	rddreg [dreg:$0x9];
	[sflag:s22] =	ssyncadd.s32 $0xFFFFE000  }
0x32: {  	[spmem:s20] =	stream.linear.scatter [tilespmem:s21], [sflag:$0x5], $0x2000, $0x38;
	[tilespmem:$0x1E800] =	vst v63  }
0x33: {  	_ =	swait.ge [sflag:s22], $0x2000  }
0x34: {  	[sflag:s22] =	ssyncset.done $0x0  }
0x35: {  	s15 =	rddreg [dreg:$0xa];
	[sflag:s22] =	ssyncadd.s32 $0xFFFFE000  }
0x36: {  	[spmem:s15] =	stream.linear.scatter [tilespmem:s21], [sflag:$0x5], $0x2000, $0x38;
	[tilespmem:$0x1E800] =	vst v63  }
0x37: {  	_ =	swait.ge [sflag:s22], $0x2000  }
0x38: {  	[sflag:s22] =	ssyncset.done $0x0  }
0x39: {  	s16 =	rddreg [dreg:$0xb];
	[sflag:s22] =	ssyncadd.s32 $0xFFFFE000  }
0x3a: {  	[spmem:s16] =	stream.linear.scatter [tilespmem:s21], [sflag:$0x5], $0x2000, $0x38;
	[tilespmem:$0x1E800] =	vst v63  }
0x3b: {  	_ =	swait.ge [sflag:s22], $0x2000  }
0x3c: {  	[sflag:s22] =	ssyncset.done $0x0  }
0x3d: {  	s17 =	rddreg [dreg:$0xc];
	[sflag:s22] =	ssyncadd.s32 $0xFFFFE000  }
0x3e: {  	[spmem:s17] =	stream.linear.scatter [tilespmem:s21], [sflag:$0x5], $0x2000, $0x38;
	[tilespmem:$0x1E800] =	vst v63  }
0x3f: {  	_ =	swait.ge [sflag:s22], $0x2000  }
0x40: {  	[sflag:s22] =	ssyncset.done $0x0  }
0x41: {  	s18 =	rddreg [dreg:$0xd];
	[sflag:s22] =	ssyncadd.s32 $0xFFFFE000  }
0x42: {  	[spmem:s18] =	stream.linear.scatter [tilespmem:s21], [sflag:$0x5], $0x2000, $0x38;
	[tilespmem:$0x1E800] =	vst v63  }
0x43: {  	_ =	swait.ge [sflag:s22], $0x2000  }
0x44: {  	[sflag:s22] =	ssyncset.done $0x0  }
0x45: {  	s19 =	rddreg [dreg:$0xe];
	[sflag:s22] =	ssyncadd.s32 $0xFFFFE000  }
0x46: {  	[spmem:s19] =	stream.linear.scatter [tilespmem:s21], [sflag:$0x5], $0x2000, $0x38;
	[tilespmem:$0x1E800] =	vst v63  }
0x47: {  	_ =	swait.ge [sflag:s22], $0x2000  }
0x48: {  	[sflag:s22] =	ssyncset.done $0x0  }
0x49: {  	s20 =	rddreg [dreg:$0xf];
	[sflag:s22] =	ssyncadd.s32 $0xFFFFE000  }
0x4a: {  	[spmem:s20] =	stream.linear.scatter [tilespmem:s21], [sflag:$0x5], $0x2000, $0x38;
	[tilespmem:$0x1E800] =	vst v63  }
0x4b: {  	_ =	swait.ge [sflag:s22], $0x2000  }
0x4c: {  	[sflag:s22] =	ssyncset.done $0x0  }
0x4d: {  	[sflag:s22] =	ssyncadd.s32 $0xFFFFE000  }
0x4e: {  	s16 =	simm.s32 $0x0;
	s17 =	simm.s32 $0x0;
	[bflag:$0x0] =	sbarrier.arrive $0xFFFF  }
.LBB2_4:
0x4f: {  	s8 =	smul.u32 $0x1400, s17;
	_ =	sdelay $0x1  }
0x50: {  	s18 =	sadd.s32 s9, s8  }
0x51: {  	s18 =	sshrl.u32 s18, $0x3  }
0x52: {  	s18 =	sadd.s32 s5, s18  }
0x53: {  	[tilespmem:s16], [sflag:$0x5] =	stream.linear.gather [hbm4b:s18+s16], $0x1400, $0x38;
	[tilespmem:$0x1E800] =	vst v63  }
0x54: {  	s8 =	sadd.s32 s7, s8;
	_ =	swait.ge [sflag:s22], $0x1400  }
0x55: {  	s8 =	sshrl.u32 s8, $0x3;
	[sflag:s22] =	ssyncset.done $0x0  }
0x56: {  	s8 =	sadd.s32 s6, s8;
	[sflag:s22] =	ssyncadd.s32 $0xFFFFEC00  }
0x57: {  	[tilespmem:s23], [sflag:$0x5] =	stream.linear.gather [hbm4b:s8+s16], $0x1400, $0x38;
	[tilespmem:$0x1E800] =	vst v63  }
0x58: {  	_ =	swait.ge [sflag:s22], $0x1400  }
0x59: {  	[sflag:s22] =	ssyncset.done $0x0  }
0x5a: {  	[sflag:s22] =	ssyncadd.s32 $0xFFFFEC00  }
0x5b: {  	[tilespmem:s21], [sflag:$0x1] =	stream.indirect.gather [hbm4b:s1+s24], $0x80, s16, s24, $0xb8;
	[tilespmem:$0x1E800] =	vst v63  }
0x5c: {  	_ = 	snop  }
0x5d: {  	[tilespmem:s26], [sflag:$0x2] =	stream.indirect.gather [hbm4b:s1+s24], $0x80, s25, s24, $0xb8;
	[tilespmem:$0x1E800] =	vst v63  }
0x5e: {  	_ = 	snop  }
0x5f: {  	[tilespmem:s29], [sflag:$0x3] =	stream.indirect.gather [hbm4b:s1+s24], $0x80, s28, s24, $0xb8;
	[tilespmem:$0x1E800] =	vst v63  }
0x60: {  	s15 =	simm.s32 $0x180  }
0x61: {  	[tilespmem:s30], [sflag:$0x4] =	stream.indirect.gather [hbm4b:s1+s24], $0x80, s15, s24, $0xb8;
	[tilespmem:$0x1E800] =	vst v63  }
0x62: {  	_ =	swait.ge [sflag:s31], $0x2000  }
0x63: {  	[sflag:s31] =	ssyncset.done $0x0  }
0x64: {  	s18 =	simm.s32 $0x1400;
	[sflag:s31] =	ssyncadd.s32 $0xFFFFE000  }
0x65: {  	[spmem:s2] =	stream.indirect.scatter.add.f32 [tilespmem:s21], [sflag:$0x5], $0x80, s18, s24, $0xb8;
	[tilespmem:$0x1E800] =	vst v63  }
0x66: {  	_ =	swait.ge [sflag:s22], $0x2000  }
0x67: {  	[sflag:s22] =	ssyncset.done $0x0  }
0x68: {  	s19 =	simm.s32 $0x200;
	[sflag:s22] =	ssyncadd.s32 $0xFFFFE000  }
0x69: {  	[tilespmem:s21], [sflag:$0x1] =	stream.indirect.gather [hbm4b:s1+s24], $0x80, s19, s24, $0xb8;
	[tilespmem:$0x1E800] =	vst v63  }
0x6a: {  	_ =	swait.ge [sflag:s0], $0x2000  }
0x6b: {  	[sflag:s0] =	ssyncset.done $0x0  }
0x6c: {  	s20 =	simm.s32 $0x1480;
	[sflag:s0] =	ssyncadd.s32 $0xFFFFE000  }
0x6d: {  	[spmem:s2] =	stream.indirect.scatter.add.f32 [tilespmem:s26], [sflag:$0x5], $0x80, s20, s24, $0xb8;
	[tilespmem:$0x1E800] =	vst v63  }
0x6e: {  	_ =	swait.ge [sflag:s22], $0x2000  }
0x6f: {  	[sflag:s22] =	ssyncset.done $0x0  }
0x70: {  	s15 =	simm.s32 $0x280;
	[sflag:s22] =	ssyncadd.s32 $0xFFFFE000  }
0x71: {  	[tilespmem:s26], [sflag:$0x2] =	stream.indirect.gather [hbm4b:s1+s24], $0x80, s15, s24, $0xb8;
	[tilespmem:$0x1E800] =	vst v63  }
0x72: {  	_ =	swait.ge [sflag:s4], $0x2000  }
0x73: {  	[sflag:s4] =	ssyncset.done $0x0  }
0x74: {  	s18 =	simm.s32 $0x1500;
	[sflag:s4] =	ssyncadd.s32 $0xFFFFE000  }
0x75: {  	[spmem:s2] =	stream.indirect.scatter.add.f32 [tilespmem:s29], [sflag:$0x5], $0x80, s18, s24, $0xb8;
	[tilespmem:$0x1E800] =	vst v63  }
0x76: {  	_ =	swait.ge [sflag:s22], $0x2000  }
0x77: {  	[sflag:s22] =	ssyncset.done $0x0  }
0x78: {  	s19 =	simm.s32 $0x300;
	[sflag:s22] =	ssyncadd.s32 $0xFFFFE000  }
0x79: {  	[tilespmem:s29], [sflag:$0x3] =	stream.indirect.gather [hbm4b:s1+s24], $0x80, s19, s24, $0xb8;
	[tilespmem:$0x1E800] =	vst v63  }
0x7a: {  	_ =	swait.ge [sflag:s3], $0x2000  }
0x7b: {  	[sflag:s3] =	ssyncset.done $0x0  }
0x7c: {  	s20 =	simm.s32 $0x1580;
	[sflag:s3] =	ssyncadd.s32 $0xFFFFE000  }
0x7d: {  	[spmem:s2] =	stream.indirect.scatter.add.f32 [tilespmem:s30], [sflag:$0x5], $0x80, s20, s24, $0xb8;
	[tilespmem:$0x1E800] =	vst v63  }
0x7e: {  	_ =	swait.ge [sflag:s22], $0x2000  }
0x7f: {  	s18 =	simm.s32 $0x200;
	s19 =	simm.s32 $0x1000;
	[sflag:s22] =	ssyncset.done $0x0  }
.LBB2_5:
0x80: {  	s15 =	sadd.s32 $0x180, s18  }
0x81: {  	[sflag:s22] =	ssyncadd.s32 $0xFFFFE000;
	s20 =	smov.u32 s19;
	s8 =	sadd.s32 $0x800, s19  }
0x82: {  	[tilespmem:s30], [sflag:$0x4] =	stream.indirect.gather [hbm4b:s1+s24], $0x80, s15, s24, $0xb8;
	[tilespmem:$0x1E800] =	vst v63  }
0x83: {  	p0 =	sne.s32 s19, $0x4000;
	_ =	swait.ge [sflag:s31], $0x2000  }
0x84: {  	[sflag:s31] =	ssyncset.done $0x0  }
0x85: {  	s15 =	sadd.s32 $0x1400, s18;
	[sflag:s31] =	ssyncadd.s32 $0xFFFFE000  }
0x86: {  	[spmem:s2] =	stream.indirect.scatter.add.f32 [tilespmem:s21], [sflag:$0x5], $0x80, s15, s24, $0xb8;
	[tilespmem:$0x1E800] =	vst v63  }
0x87: {  	_ =	swait.ge [sflag:s22], $0x2000  }
0x88: {  	[sflag:s22] =	ssyncset.done $0x0  }
0x89: {  	s15 =	sadd.s32 $0x200, s18;
	[sflag:s22] =	ssyncadd.s32 $0xFFFFE000  }
0x8a: {  	[tilespmem:s21], [sflag:$0x1] =	stream.indirect.gather [hbm4b:s1+s24], $0x80, s15, s24, $0xb8;
	[tilespmem:$0x1E800] =	vst v63  }
0x8b: {  	_ =	swait.ge [sflag:s0], $0x2000  }
0x8c: {  	[sflag:s0] =	ssyncset.done $0x0  }
0x8d: {  	s15 =	sadd.s32 $0x1480, s18;
	[sflag:s0] =	ssyncadd.s32 $0xFFFFE000  }
0x8e: {  	[spmem:s2] =	stream.indirect.scatter.add.f32 [tilespmem:s26], [sflag:$0x5], $0x80, s15, s24, $0xb8;
	[tilespmem:$0x1E800] =	vst v63  }
0x8f: {  	_ =	swait.ge [sflag:s22], $0x2000  }
0x90: {  	[sflag:s22] =	ssyncset.done $0x0  }
0x91: {  	s15 =	sadd.s32 $0x280, s18;
	[sflag:s22] =	ssyncadd.s32 $0xFFFFE000  }
0x92: {  	[tilespmem:s26], [sflag:$0x2] =	stream.indirect.gather [hbm4b:s1+s24], $0x80, s15, s24, $0xb8;
	[tilespmem:$0x1E800] =	vst v63  }
0x93: {  	_ =	swait.ge [sflag:s4], $0x2000  }
0x94: {  	[sflag:s4] =	ssyncset.done $0x0  }
0x95: {  	s15 =	sadd.s32 $0x1500, s18;
	[sflag:s4] =	ssyncadd.s32 $0xFFFFE000  }
0x96: {  	[spmem:s2] =	stream.indirect.scatter.add.f32 [tilespmem:s29], [sflag:$0x5], $0x80, s15, s24, $0xb8;
	[tilespmem:$0x1E800] =	vst v63  }
0x97: {  	_ =	swait.ge [sflag:s22], $0x2000  }
0x98: {  	[sflag:s22] =	ssyncset.done $0x0  }
0x99: {  	s15 =	sadd.s32 $0x300, s18;
	[sflag:s22] =	ssyncadd.s32 $0xFFFFE000  }
0x9a: {  	[tilespmem:s29], [sflag:$0x3] =	stream.indirect.gather [hbm4b:s1+s24], $0x80, s15, s24, $0xb8;
	[tilespmem:$0x1E800] =	vst v63  }
0x9b: {  	_ =	swait.ge [sflag:s3], $0x2000  }
.Ltmp1:
0x9c: {  	[sflag:s3] =	ssyncset.done $0x0;
	(pc) =	sbr.rel @p0 .LBB2_5-.Ltmp1, $4  }
0x9d: {  	s15 =	sadd.s32 $0x1580, s18;
	[sflag:s3] =	ssyncadd.s32 $0xFFFFE000  }
0x9e: {  	[spmem:s2] =	stream.indirect.scatter.add.f32 [tilespmem:s30], [sflag:$0x5], $0x80, s15, s24, $0xb8;
	[tilespmem:$0x1E800] =	vst v63  }
0x9f: {  	_ =	swait.ge [sflag:s22], $0x2000  }
0xa0: {  	s19 =	smov.u32 s8;
	s18 =	sshra.s32 s20, $0x2;
	[sflag:s22] =	ssyncset.done $0x0  }
0xa1: {  	s8 =	sadd.s32 $0x180, s18;
	[sflag:s22] =	ssyncadd.s32 $0xFFFFE000  }
0xa2: {  	[tilespmem:s30], [sflag:$0x4] =	stream.indirect.gather [hbm4b:s1+s24], $0x80, s8, s24, $0xb8;
	[tilespmem:$0x1E800] =	vst v63  }
0xa3: {  	_ =	swait.ge [sflag:s31], $0x2000  }
0xa4: {  	[sflag:s31] =	ssyncset.done $0x0  }
0xa5: {  	s20 =	sadd.s32 $0x1400, s18;
	[sflag:s31] =	ssyncadd.s32 $0xFFFFE000  }
0xa6: {  	[spmem:s2] =	stream.indirect.scatter.add.f32 [tilespmem:s21], [sflag:$0x5], $0x80, s20, s24, $0xb8;
	[tilespmem:$0x1E800] =	vst v63  }
0xa7: {  	_ =	swait.ge [sflag:s22], $0x2000  }
0xa8: {  	[sflag:s22] =	ssyncset.done $0x0  }
0xa9: {  	s15 =	sadd.s32 $0x200, s18;
	[sflag:s22] =	ssyncadd.s32 $0xFFFFE000  }
0xaa: {  	[tilespmem:s21], [sflag:$0x1] =	stream.indirect.gather [hbm4b:s1+s24], $0x80, s15, s24, $0xb8;
	[tilespmem:$0x1E800] =	vst v63  }
0xab: {  	_ =	swait.ge [sflag:s0], $0x2000  }
0xac: {  	[sflag:s0] =	ssyncset.done $0x0  }
0xad: {  	s19 =	sadd.s32 $0x1480, s18;
	[sflag:s0] =	ssyncadd.s32 $0xFFFFE000  }
0xae: {  	[spmem:s2] =	stream.indirect.scatter.add.f32 [tilespmem:s26], [sflag:$0x5], $0x80, s19, s24, $0xb8;
	[tilespmem:$0x1E800] =	vst v63  }
0xaf: {  	_ =	swait.ge [sflag:s22], $0x2000  }
0xb0: {  	[sflag:s22] =	ssyncset.done $0x0  }
0xb1: {  	s20 =	sadd.s32 $0x280, s18;
	[sflag:s22] =	ssyncadd.s32 $0xFFFFE000  }
0xb2: {  	[tilespmem:s26], [sflag:$0x2] =	stream.indirect.gather [hbm4b:s1+s24], $0x80, s20, s24, $0xb8;
	[tilespmem:$0x1E800] =	vst v63  }
0xb3: {  	_ =	swait.ge [sflag:s4], $0x2000  }
0xb4: {  	[sflag:s4] =	ssyncset.done $0x0  }
0xb5: {  	s15 =	sadd.s32 $0x1500, s18;
	[sflag:s4] =	ssyncadd.s32 $0xFFFFE000  }
0xb6: {  	[spmem:s2] =	stream.indirect.scatter.add.f32 [tilespmem:s29], [sflag:$0x5], $0x80, s15, s24, $0xb8;
	[tilespmem:$0x1E800] =	vst v63  }
0xb7: {  	_ =	swait.ge [sflag:s22], $0x2000  }
0xb8: {  	[sflag:s22] =	ssyncset.done $0x0  }
0xb9: {  	s19 =	sadd.s32 $0x300, s18;
	[sflag:s22] =	ssyncadd.s32 $0xFFFFE000  }
0xba: {  	[tilespmem:s29], [sflag:$0x3] =	stream.indirect.gather [hbm4b:s1+s24], $0x80, s19, s24, $0xb8;
	[tilespmem:$0x1E800] =	vst v63  }
0xbb: {  	_ =	swait.ge [sflag:s3], $0x2000  }
0xbc: {  	[sflag:s3] =	ssyncset.done $0x0  }
0xbd: {  	s20 =	sadd.s32 $0x1580, s18;
	[sflag:s3] =	ssyncadd.s32 $0xFFFFE000  }
0xbe: {  	[spmem:s2] =	stream.indirect.scatter.add.f32 [tilespmem:s30], [sflag:$0x5], $0x80, s20, s24, $0xb8;
	[tilespmem:$0x1E800] =	vst v63  }
0xbf: {  	_ =	swait.ge [sflag:s22], $0x2000  }
0xc0: {  	[sflag:s22] =	ssyncset.done $0x0  }
0xc1: {  	[sflag:s22] =	ssyncadd.s32 $0xFFFFE000  }
0xc2: {  	[tilespmem:s30], [sflag:$0x4] =	stream.indirect.gather [hbm4b:s1+s24], $0x80, s10, s24, $0xb8;
	[tilespmem:$0x1E800] =	vst v63  }
0xc3: {  	_ =	swait.ge [sflag:s31], $0x2000  }
0xc4: {  	[sflag:s31] =	ssyncset.done $0x0  }
0xc5: {  	[sflag:s31] =	ssyncadd.s32 $0xFFFFE000  }
0xc6: {  	[spmem:s2] =	stream.indirect.scatter.add.f32 [tilespmem:s21], [sflag:$0x5], $0x80, s11, s24, $0xb8;
	[tilespmem:$0x1E800] =	vst v63  }
0xc7: {  	_ =	swait.ge [sflag:s22], $0x2000  }
0xc8: {  	[sflag:s22] =	ssyncset.done $0x0  }
0xc9: {  	[sflag:s22] =	ssyncadd.s32 $0xFFFFE000  }
0xca: {  	_ =	swait.ge [sflag:s0], $0x2000  }
0xcb: {  	[sflag:s0] =	ssyncset.done $0x0  }
0xcc: {  	[sflag:s0] =	ssyncadd.s32 $0xFFFFE000  }
0xcd: {  	[spmem:s2] =	stream.indirect.scatter.add.f32 [tilespmem:s26], [sflag:$0x5], $0x80, s12, s24, $0xb8;
	[tilespmem:$0x1E800] =	vst v63  }
0xce: {  	_ =	swait.ge [sflag:s22], $0x2000  }
0xcf: {  	[sflag:s22] =	ssyncset.done $0x0  }
0xd0: {  	[sflag:s22] =	ssyncadd.s32 $0xFFFFE000  }
0xd1: {  	_ =	swait.ge [sflag:s4], $0x2000  }
0xd2: {  	[sflag:s4] =	ssyncset.done $0x0  }
0xd3: {  	[sflag:s4] =	ssyncadd.s32 $0xFFFFE000  }
0xd4: {  	[spmem:s2] =	stream.indirect.scatter.add.f32 [tilespmem:s29], [sflag:$0x5], $0x80, s13, s24, $0xb8;
	[tilespmem:$0x1E800] =	vst v63  }
0xd5: {  	_ =	swait.ge [sflag:s22], $0x2000  }
0xd6: {  	[sflag:s22] =	ssyncset.done $0x0  }
0xd7: {  	[sflag:s22] =	ssyncadd.s32 $0xFFFFE000  }
0xd8: {  	s17 =	sadd.s32 $0x1, s17;
	_ =	swait.ge [sflag:s3], $0x2000  }
0xd9: {  	p0 =	sne.s32 s17, $0x4;
	[sflag:s3] =	ssyncset.done $0x0  }
.Ltmp2:
0xda: {  	[sflag:s3] =	ssyncadd.s32 $0xFFFFE000;
	(pc) =	sbr.rel @p0 .LBB2_4-.Ltmp2, $4  }
0xdb: {  	[spmem:s2] =	stream.indirect.scatter.add.f32 [tilespmem:s30], [sflag:$0x5], $0x80, s14, s24, $0xb8;
	[tilespmem:$0x1E800] =	vst v63  }
0xdc: {  	_ =	swait.ge [sflag:s22], $0x2000  }
0xdd: {  	[sflag:s22] =	ssyncset.done $0x0  }
0xde: {  	[sflag:s22] =	ssyncadd.s32 $0xFFFFE000  }
0xdf: {  	s8 =	stileid.u32;
	[bflag:$0x0] =	sbarrier.arrive $0xFFFF  }
0xe0: {  	s8 =	sshll.u32 s8, $0x6;
	s20 =	rddreg [dreg:$0x4]  }
0xe1: {  	s16 =	rddreg [dreg:$0x5];
	s8 =	sor.u32 $0x1C05, s8;
	s15 =	sshrl.u32 s20, $0x3  }
0xe2: {  	[hbm:s16], [sflag:s8] =	dma.local [spmem:s15], $0x2800  }
0xe3: {  	_ =	swait.ge [sflag:s22], $0x2800  }
0xe4: {  	s18 =	rddreg [dreg:$0x10]  }
0xe5: {  	s19 =	rddreg [dreg:$0x6];
	s15 =	sadd.s32 $0x1, s18  }
0xe6: {  	p0 =	sne.s32 s15, s19  }
.Ltmp3:
0xe7: {  	_ = 	snop;
	(pc) =	sbr.rel @p0 .LBB2_1-.Ltmp3, $3  }
0xe8: {  	_ =	sdelay $0x1  }
0xe9: {  	[sflag:s22] =	ssyncset.done $0x0  }
0xea: {  	[sflag:s22] =	ssyncadd.s32 $0xFFFFD800  }
0xeb: {  	_ =	sfence.sel $0x180000  }
0xec: {  	[bflag:$0x0] =	sbarrier.arrive $0xFFFF  }
0xed: {  	_ =	strace $0x9000004D  }
0xee: {  	s0 =	stileid.u32;
	[bflag:$0x2] =	sbarrier.arrive $0xFFFF  }
0xef: {  	p0 =	sne.s32 s0, $0x0;
	s0 =	rddreg [dreg:$0x3]  }
0xf0: {  	s0 =	sadd.s32 @!p0 $0x100000, s0  }
0xf1: {  	[sflag:s0] =	ssyncadd.tile.s32 @!p0 $0x1;
	_ =	shalt  }
.Lfunc_end2:
_tile_overlayer_lowered:
.L_overlay_start_2:
0xf2: {  	(tag) =	ssettag $0x2  }
0xf3: {  	s0 =	rddreg [dreg:$0x0];
	s2 =	stileid.u32  }
0xf4: {  	s1 =	rddreg [dreg:$0x1];
	p0 =	sne.s32 s2, $0x0  }
0xf5: {  	s3 =	rddreg [dreg:$0x2];
	[bflag:$0x3] =	sbarrier.arrive $0xFFFF;
	s2 =	simm.s32 @!p0 $0x1C05  }
0xf6: {  	[timem:s3], [sflag:s2] =	dma.local @!p0 [hbm:s0], s1  }
0xf7: {  	s0 =	simm.s32 @!p0 $0x5  }
0xf8: {  	_ =	swait.ge @!p0 [sflag:s0], s1  }
0xf9: {  	s1 =	ssub.s32 @!p0 $0x0, s1;
	[sflag:s0] =	ssyncset.done @!p0 $0x0  }
0xfa: {  	[sflag:s0] =	ssyncadd.s32 @!p0 s1  }
0xfb: {  	[bflag:$0x3] =	sbarrier.arrive $0xFFFF  }
0xfc: {  	_ =	shalt  }

// kernel: kernel.9.cloned.1.call-start
scs
__scs_entry_jumppad:
0x0: {  	(pc) =	sbr.rel $0x88, $3  }
0x1: {  	(tag) =	ssettag $0x0;
	lr =	simm.s32 $0x1  }
0x2: {  	[smem:$0x3F9B] =	sst lr;
	_ =	strace $0xD0000000  }
0x3: {  	_ = 	snop  }
0x4: {  	_ = 	snop  }
0x5: {  	_ = 	snop  }
0x6: {  	_ = 	snop  }
0x7: {  	_ = 	snop  }
__scs_overlays_trampoline_lowered:
0x8: {  	[smem:$0x3FAA] =	sst s0  }
0x9: {  	[smem:$0x3FAB] =	sst s1  }
0xa: {  	[smem:$0x3FAC] =	sst s2  }
0xb: {  	[smem:$0x3FAD] =	sst s3  }
0xc: {  	[smem:$0x3FAE] =	sst s4  }
0xd: {  	[smem:$0x3FAF] =	sst s5  }
0xe: {  	[smem:$0x3FB0] =	sst s6  }
0xf: {  	[smem:$0x3FB1] =	sst s7  }
0x10: {  	[smem:$0x3FB2] =	sst s8  }
0x11: {  	[smem:$0x3FB3] =	sst s9;
	s0 =	simm.s32 @!p0 $0x0  }
0x12: {  	s1 =	sld [smem:$0x3F99];
	s0 =	simm.s32 @p0 $0x1  }
0x13: {  	[smem:$0x3FB4] =	sst s0;
	s0 =	simm.s32 @!p1 $0x0  }
0x14: {  	s2 =	sld [smem:$0x3F98];
	s0 =	simm.s32 @p1 $0x1  }
0x15: {  	[smem:$0x3FB5] =	sst s0;
	s0 =	simm.s32 @!p2 $0x0  }
0x16: {  	s3 =	sld [smem:$0x3FDB];
	s0 =	simm.s32 @p2 $0x1  }
0x17: {  	s4 =	simm.s32 $0x1BF5;
	[smem:$0x3FB7] =	sst s0  }
0x18: {  	s0 =	sld [smem:$0x3F9A];
	_ =	swait.ge [sflag:s4], $0x0  }
0x19: {  	s7 =	sld [smem:$0x3F9B]  }
0x1a: {  	s8 =	sadd.s32 $0xFFFFE003, lr  }
0x1b: {  	s9 =	sadd.s32 $0xFFFFFEF7, lr;
	s5 =	simm.s32 $0xFFFFFFFF;
	p2 =	slt.u32 s8, $0xFFFFF086  }
0x1c: {  	p1 =	slt.u32 s9, $0xF7A;
	s5 =	simm.s32 @!p2 $0x0  }
0x1d: {  	s5 =	simm.s32 @p1 $0x1;
	p0 =	seq.s32 s7, s2  }
0x1e: {  	s7 =	smul.u32 @!p0 $0xF7A, s2;
	p2 =	seq.s32 @!p0 s5, $0x0  }
0x1f: {  	s9 =	smul.u32 $0xF7A, s1;
	s8 =	simm.s32 @!p0 $0x1BF5;
	p2 =	por !p2, p0  }
0x20: {  	[sflag:s8] =	ssyncset.s32 @!p0 $0xFFFFF086;
	s6 =	sadd.s32 @!p0 s3, s7;
	s7 =	simm.s32 @!p0 $0x108  }
0x21: {  	s3 =	sadd.s32 s3, s9;
	s6 =	sadd.s32 @!p0 $0x88, s6;
	s7 =	simm.s32 @p2 $0x1082  }
0x22: {  	[simem:s7], [sflag:s8] =	dma.local @!p0 [hbm:s6], $0xF7A  }
0x23: {  	s9 =	sor.u32 $0xD0000000, s2;
	s6 =	simm.s32 $0x108;
	_ =	swait.ge @!p0 [sflag:s8], $0x0  }
0x24: {  	s3 =	sadd.s32 $0x88, s3;
	s6 =	simm.s32 @!p1 $0x1082;
	[sflag:s4] =	ssyncset.s32 $0xFFFFF086  }
0x25: {  	[simem:s6], [sflag:s4] =	dma.local [hbm:s3], $0xF7A  }
0x26: {  	[smem:$0x3F9B] =	sst s1;
	(tag) =	ssettag s2;
	_ =	strace s9  }
0x27: {  	s1 =	sld [smem:$0x3FAB]  }
0x28: {  	s2 =	sld [smem:$0x3FAC]  }
0x29: {  	s4 =	sld [smem:$0x3FAE]  }
0x2a: {  	p0 =	seq.s32 s5, $0x0;
	s5 =	sld [smem:$0x3FAF]  }
0x2b: {  	s6 =	sld [smem:$0x3FB0]  }
0x2c: {  	s7 =	sld [smem:$0x3FB1]  }
0x2d: {  	s3 =	simm.s32 $0x108;
	s8 =	sld [smem:$0x3FB2]  }
0x2e: {  	s3 =	simm.s32 @!p0 $0x1082;
	s9 =	sld [smem:$0x3FB3]  }
0x2f: {  	lr =	sadd.s32 s0, s3;
	s0 =	sld [smem:$0x3FAA]  }
0x30: {  	s3 =	sld [smem:$0x3FAD]  }
0x31: {  	[smem:$0x3FB6] =	sst s10  }
0x32: {  	s10 =	sld [smem:$0x3FB4];
	_ =	sdelay $0x3  }
0x33: {  	p0 =	seq.s32 s10, $0x1;
	s10 =	sld [smem:$0x3FB6];
	_ =	sdelay $0x3  }
0x34: {  	[smem:$0x3FB6] =	sst s10  }
0x35: {  	s10 =	sld [smem:$0x3FB5];
	_ =	sdelay $0x3  }
0x36: {  	p1 =	seq.s32 s10, $0x1;
	s10 =	sld [smem:$0x3FB6];
	_ =	sdelay $0x3  }
0x37: {  	[smem:$0x3FB6] =	sst s10  }
0x38: {  	s10 =	sld [smem:$0x3FB7]  }
0x39: {  	_ = 	snop;
	(pc) =	sbr.ind lr, $3  }
0x3a: {  	_ = 	snop  }
0x3b: {  	_ = 	snop  }
0x3c: {  	p2 =	seq.s32 s10, $0x1;
	s10 =	sld [smem:$0x3FB6]  }
0x3d: {  	_ =	shalt  }
0x3e: {  	_ =	shalt  }
0x3f: {  	_ =	shalt  }
0x40: {  	_ =	shalt  }
0x41: {  	_ =	shalt  }
0x42: {  	_ =	shalt  }
0x43: {  	_ =	shalt  }
0x44: {  	_ =	shalt  }
0x45: {  	_ =	shalt  }
0x46: {  	_ =	shalt  }
0x47: {  	_ =	shalt  }
0x48: {  	_ =	shalt  }
0x49: {  	_ =	shalt  }
0x4a: {  	_ =	shalt  }
0x4b: {  	_ =	shalt  }
0x4c: {  	_ =	shalt  }
0x4d: {  	_ =	shalt  }
0x4e: {  	_ =	shalt  }
0x4f: {  	_ =	shalt  }
0x50: {  	_ =	shalt  }
0x51: {  	_ =	shalt  }
0x52: {  	_ =	shalt  }
0x53: {  	_ =	shalt  }
0x54: {  	_ =	shalt  }
0x55: {  	_ =	shalt  }
0x56: {  	_ =	shalt  }
0x57: {  	_ =	shalt  }
0x58: {  	_ =	shalt  }
0x59: {  	_ =	shalt  }
0x5a: {  	_ =	shalt  }
0x5b: {  	_ =	shalt  }
0x5c: {  	_ =	shalt  }
0x5d: {  	_ =	shalt  }
0x5e: {  	_ =	shalt  }
0x5f: {  	_ =	shalt  }
0x60: {  	_ =	shalt  }
0x61: {  	_ =	shalt  }
0x62: {  	_ =	shalt  }
0x63: {  	_ =	shalt  }
0x64: {  	_ =	shalt  }
0x65: {  	_ =	shalt  }
0x66: {  	_ =	shalt  }
0x67: {  	_ =	shalt  }
0x68: {  	_ =	shalt  }
0x69: {  	_ =	shalt  }
0x6a: {  	_ =	shalt  }
0x6b: {  	_ =	shalt  }
0x6c: {  	_ =	shalt  }
0x6d: {  	_ =	shalt  }
0x6e: {  	_ =	shalt  }
0x6f: {  	_ =	shalt  }
0x70: {  	_ =	shalt  }
0x71: {  	_ =	shalt  }
0x72: {  	_ =	shalt  }
0x73: {  	_ =	shalt  }
0x74: {  	_ =	shalt  }
0x75: {  	_ =	shalt  }
0x76: {  	_ =	shalt  }
0x77: {  	_ =	shalt  }
0x78: {  	_ =	shalt  }
0x79: {  	_ =	shalt  }
0x7a: {  	_ =	shalt  }
0x7b: {  	_ =	shalt  }
0x7c: {  	_ =	shalt  }
0x7d: {  	_ =	shalt  }
0x7e: {  	_ =	shalt  }
0x7f: {  	_ =	shalt  }
0x80: {  	_ =	shalt  }
0x81: {  	_ =	shalt  }
0x82: {  	_ =	shalt  }
0x83: {  	_ =	shalt  }
0x84: {  	_ =	shalt  }
0x85: {  	_ =	shalt  }
0x86: {  	_ =	shalt  }
0x87: {  	_ =	shalt  }
.Lfunc_end0:
.L_simem_size_0:
called_computation_lowered:
.L_overlay_start_0:
0x88: {  	s2 =	sld [smem:$0x3FD9]  }
0x89: {  	s3 =	sld [smem:$0x3FFE];
	_ =	sdelay $0x1  }
0x8a: {  	s1 =	srdreg.scid  }
0x8b: {  	s0 =	sand.u32 $0x1, s1  }
0x8c: {  	s17 =	sshll.u32 s0, $0xA;
	s2 =	sadd.s32 s3, s2  }
0x8d: {  	s2 =	sadd.s32 s2, s17  }
0x8e: {  	[smem:$0x3FC2] =	sst s2  }
0x8f: {  	_ = 	snop  }
0x90: {  	s2 =	sld [smem:$0x3FD0];
	(tm) =	ssettm $0x1  }
0x91: {  	s18 =	sld [smem:$0x3FFB];
	_ =	sdelay $0x3  }
0x92: {  	_ =	strace s18  }
0x93: {  	s3 =	sld [smem:$0x3FFC];
	_ =	sdelay $0x3  }
0x94: {  	_ =	strace s3  }
0x95: {  	s3 =	sld [smem:$0x3FFD];
	_ =	sdelay $0x3  }
0x96: {  	_ =	strace s3  }
0x97: {  	_ =	strace $0x8FFFFFFF  }
0x98: {  	s19 =	sld [smem:$0x3FDB];
	_ =	sdelay $0x1  }
0x99: {  	s4 =	simm.s32 $_scs_section_size  }
0x9a: {  	s5 =	simm.s32 $_size__tile_overlayer_lowered;
	s6 =	simm.s32 $_tile_overlayer_lowered  }
0x9b: {  	s22 =	simm.s32 $0x1BFF;
	s21 =	sshll.u32 s6, $0x1;
	s3 =	sadd.s32 s4, s19  }
0x9c: {  	s7 =	simm.s32 $0x0;
	s20 =	sshll.u32 s5, $0x1;
	s5 =	sadd.s32 s21, s3  }
0x9d: {  	[timem:s7], [sflag:s22] =	dma.local [hbm:s5], s20  }
0x9e: {  	_ =	swait.ge [sflag:s22], s20  }
0x9f: {  	s4 =	ssub.s32 $0x0, s20;
	[sflag:s22] =	ssyncset.done $0x0  }
0xa0: {  	[sflag:s22] =	ssyncadd.s32 s4;
	_ =	sdelay $0x1  }
0xa1: {  	s23 =	simm.s32 $0x1B8B  }
0xa2: {  	_ =	swait.ge [sflag:s23], $0x1  }
0xa3: {  	[sflag:s23] =	ssyncset.done $0x0  }
0xa4: {  	s25 =	simm.s32 $0x1B8E;
	s24 =	sld [smem:$0x3FFE];
	[sflag:s23] =	ssyncadd.s32 $0xFFFFFFFF  }
0xa5: {  	s26 =	simm.s32 $execute0_lowered;
	[smem:$0x3FD2] =	sst s25  }
0xa6: {  	s5 =	sshll.u32 s26, $0x1;
	_ =	strace $0x80000046;
	[dreg:$0x1] =	wrdreg $0xFFFFFFFF  }
0xa7: {  	s28 =	simm.s32 $_size_execute0_lowered;
	s3 =	sadd.s32 s3, s5;
	[dreg:$0x0] =	wrdreg $0x0  }
0xa8: {  	s5 =	sshll.u32 s28, $0x1;
	[dreg:$0x2] =	wrdreg s3  }
0xa9: {  	[dreg:$0x3] =	wrdreg s5  }
0xaa: {  	[dreg:$0x4] =	wrdreg $0xC0  }
0xab: {  	_ =	task [dreg:s7], $0x5FFFF  }
0xac: {  	[dreg:$0x1] =	wrdreg $0xFFFFFFFF  }
0xad: {  	[dreg:$0x0] =	wrdreg $0x60  }
0xae: {  	[dreg:$0x2] =	wrdreg s2  }
0xaf: {  	[dreg:$0x3] =	wrdreg s24  }
0xb0: {  	[dreg:$0x4] =	wrdreg $0x17000  }
0xb1: {  	[dreg:$0x5] =	wrdreg $0x9  }
0xb2: {  	_ =	task.clear_ibuf [dreg:s7], $0x6FFFF;
	_ =	strace $0x90000046  }
0xb3: {  	s29 =	simm.s32 $0x9;
	_ =	strace $0x80000048  }
0xb4: {  	_ =	swait.ge [sflag:s29], $0x1  }
0xb5: {  	[sflag:s29] =	ssyncadd.s32 $0xFFFFFFFF  }
0xb6: {  	_ =	strace $0x90000048  }
0xb7: {  	_ =	sfence  }
0xb8: {  	s30 =	sld [smem:$0x0];
	_ =	sdelay $0x2  }
0xb9: {  	s31 =	sshll.u32 s1, $0xD;
	s1 =	sshrl.u32 s1, $0x2  }
0xba: {  	s3 =	sand.u32 $0x4000, s31;
	s1 =	sadd.s32 s1, s30  }
0xbb: {  	s0 =	sor.u32 s3, s0;
	s1 =	sshll.u32 s1, $0x11  }
0xbc: {  	s0 =	sor.u32 s1, s0  }
0xbd: {  	s0 =	sadd.s32 $0x8F2B, s0  }
0xbe: {  	[sflag:s0] =	ssyncadd.remote.s32 $0x1  }
0xbf: {  	_ =	sfence.sel $0xFFFF  }
0xc0: {  	[dreg:$0x0] =	wrdreg $0xFFFFFFFF;
	(pc) =	sbr.abs _section_cstart, $3  }
0xc1: {  	[dreg:$0x1] =	wrdreg $0xFFFFFFFF  }
0xc2: {  	_ =	task.clear_ibuf [dreg:s7], $0x2FFFF;
	_ =	strace $0x9FFFFFFF  }
0xc3: {  	(tm) =	ssettm $0x7FFFFFFF  }
tec
execute0_lowered:
.L_overlay_start_1:
0x0: {  	(tag) =	ssettag $0x1  }
0x1: {  	s5 =	rddreg [dreg:$0x0]  }
0x2: {  	s4 =	rddreg [dreg:$0x1]  }
0x3: {  	s2 =	rddreg [dreg:$0x2]  }
0x4: {  	s3 =	srdreg.scid;
	s1 =	stileid.u32  }
0x5: {  	s0 =	rddreg [dreg:$0x3];
	s11 =	simm.s32 $0x1400;
	s14 =	simm.s32 $0x20  }
0x6: {  	s15 =	simm.s32 $0x10;
	s16 =	simm.s32 $0x0;
	s7 =	smul.u32 $0x500, s1  }
0x7: {  	s6 =	sand.u32 $0x1, s3;
	s3 =	simm.s32 $0x0;
	s26 =	smul.u32 $0x1400, s1  }
0x8: {  	s10 =	smul.u32 $0xA00, s1;
	s12 =	sshll.u32 s1, $0x6;
	s8 =	sshll.u32 s6, $0x7  }
0x9: {  	s9 =	smul.u32 $0x14000, s6;
	[smem:$0x7FF] =	sst s3;
	s28 =	ssub.s32 $0x2, s6  }
0xa: {  	s12 =	sor.u32 $0x1C01, s12;
	s7 =	sor.u32 s8, s7;
	_ =	strace $0x80000047  }
0xb: {  	s30 =	sshrl.u32 s28, $0x1;
	s31 =	sshrl.u32 s10, $0x2;
	s10 =	simm.s32 $0x80  }
0xc: {  	s7 =	sshrl.u32 s7, $0x3;
	s29 =	sadd.s32 s26, s9;
	s8 =	ssub.s32 s28, s30  }
0xd: {  	s9 =	simm.s32 $0x1;
	s7 =	sadd.s32 s7, s4;
	s6 =	sshrl.u32 s29, $0x3  }
0xe: {  	s4 =	sadd.s32 s31, s2;
	s5 =	sadd.s32 s5, s6;
	s6 =	sadd.s32 $0x2200, s7  }
0xf: {  	v0 =	vimm.f32 $0.0e+00;
	v1 =	vimm.f32 $1.000000000e+00;
	s7 =	smax.u32 s8, $0x1;
	s8 =	simm.s32 $0x1480;
	s13 =	sshrl.u32 s4, $0x3  }
.LBB2_1:
0x10: {  	[tilespmem:$0x1480] =	vst v0  }
0x11: {  	[tilespmem:$0x1490] =	vst v0  }
0x12: {  	[tilespmem:$0x14A0] =	vst v0  }
0x13: {  	[tilespmem:$0x14B0] =	vst v0  }
0x14: {  	[tilespmem:$0x14C0] =	vst v0  }
0x15: {  	[tilespmem:$0x14D0] =	vst v0  }
0x16: {  	[tilespmem:$0x14E0] =	vst v0  }
0x17: {  	[tilespmem:$0x14F0] =	vst v0  }
0x18: {  	[tilespmem:$0x1500] =	vst v0  }
0x19: {  	[tilespmem:$0x1510] =	vst v0  }
0x1a: {  	[tilespmem:$0x1520] =	vst v0  }
0x1b: {  	[tilespmem:$0x1530] =	vst v0  }
0x1c: {  	[tilespmem:$0x1540] =	vst v0  }
0x1d: {  	[tilespmem:$0x1550] =	vst v0  }
0x1e: {  	[tilespmem:$0x1560] =	vst v0  }
0x1f: {  	[tilespmem:$0x1570] =	vst v0  }
0x20: {  	[tilespmem:$0x1580] =	vst v0  }
0x21: {  	[tilespmem:$0x1590] =	vst v0  }
0x22: {  	[tilespmem:$0x15A0] =	vst v0  }
0x23: {  	[tilespmem:$0x15B0] =	vst v0  }
0x24: {  	[tilespmem:$0x15C0] =	vst v0  }
0x25: {  	[tilespmem:$0x15D0] =	vst v0  }
0x26: {  	[tilespmem:$0x15E0] =	vst v0  }
0x27: {  	[tilespmem:$0x15F0] =	vst v0  }
0x28: {  	[tilespmem:$0x1600] =	vst v0  }
0x29: {  	[tilespmem:$0x1610] =	vst v0  }
0x2a: {  	[tilespmem:$0x1620] =	vst v0  }
0x2b: {  	[tilespmem:$0x1630] =	vst v0  }
0x2c: {  	[tilespmem:$0x1640] =	vst v0  }
0x2d: {  	[tilespmem:$0x1650] =	vst v0  }
0x2e: {  	[tilespmem:$0x1660] =	vst v0  }
0x2f: {  	[tilespmem:$0x1670] =	vst v0  }
0x30: {  	[tilespmem:$0x1680] =	vst v0  }
0x31: {  	[tilespmem:$0x1690] =	vst v0  }
0x32: {  	[tilespmem:$0x16A0] =	vst v0  }
0x33: {  	[tilespmem:$0x16B0] =	vst v0  }
0x34: {  	[tilespmem:$0x16C0] =	vst v0  }
0x35: {  	[tilespmem:$0x16D0] =	vst v0  }
0x36: {  	[tilespmem:$0x16E0] =	vst v0  }
0x37: {  	[tilespmem:$0x16F0] =	vst v0  }
0x38: {  	[tilespmem:$0x1400] =	vst v1  }
0x39: {  	[tilespmem:$0x1410] =	vst v1  }
0x3a: {  	[tilespmem:$0x1420] =	vst v1  }
0x3b: {  	[tilespmem:$0x1430] =	vst v1  }
0x3c: {  	[tilespmem:$0x1440] =	vst v1  }
0x3d: {  	[tilespmem:$0x1450] =	vst v1  }
0x3e: {  	[tilespmem:$0x1460] =	vst v1  }
0x3f: {  	[tilespmem:$0x1470] =	vst v1  }
0x40: {  	[spmem:s4] =	stream.linear.scatter [tilespmem:s8], [sflag:$0x1], $0x280, $0x38;
	[tilespmem:$0x1980] =	vst v63  }
0x41: {  	_ =	swait.ge [sflag:s9], $0x280  }
0x42: {  	[sflag:s9] =	ssyncset.done $0x0  }
0x43: {  	[sflag:s9] =	ssyncadd.s32 $0xFFFFFD80  }
0x44: {  	[tilespmem:s3], [sflag:$0x1] =	stream.linear.gather [hbm4b:s5+s3], $0x1400, $0x38;
	[tilespmem:$0x1980] =	vst v63  }
0x45: {  	_ =	swait.ge [sflag:s9], $0x1400  }
0x46: {  	[sflag:s9] =	ssyncset.done $0x0  }
0x47: {  	[sflag:s9] =	ssyncadd.s32 $0xFFFFEC00  }
0x48: {  	s17 =	simm.s32 $0x0;
	[bflag:$0x0] =	sbarrier.arrive $0xFFFF  }
0x49: {  	[spmem:s2] =	stream.indirect.scatter.add.f32 [tilespmem:s11], [sflag:$0x1], $0x1, s17, s10, $0xb8;
	[tilespmem:$0x1980] =	vst v63  }
0x4a: {  	_ =	swait.ge [sflag:s9], $0x80  }
0x4b: {  	s17 =	simm.s32 $0x200;
	[sflag:s9] =	ssyncset.done $0x0  }
.LBB2_2:
0x4c: {  	s18 =	sshra.s32 s17, $0x2;
	[sflag:s9] =	ssyncadd.s32 $0xFFFFFF80;
	p0 =	sne.s32 s17, $0x4E00  }
0x4d: {  	[spmem:s2] =	stream.indirect.scatter.add.f32 [tilespmem:s11], [sflag:$0x1], $0x1, s18, s10, $0xb8;
	[tilespmem:$0x1980] =	vst v63  }
.Ltmp0:
0x4e: {  	_ = 	snop;
	(pc) =	sbr.rel @p0 .LBB2_2-.Ltmp0, $4  }
0x4f: {  	_ = 	snop  }
0x50: {  	s17 =	sadd.s32 $0x200, s17  }
0x51: {  	_ =	swait.ge [sflag:s9], $0x80  }
0x52: {  	[sflag:s9] =	ssyncset.done $0x0  }
0x53: {  	s16 =	sadd.s32 $0x1, s16  }
0x54: {  	[sflag:s9] =	ssyncadd.s32 $0xFFFFFF80;
	p0 =	sne.s32 s16, s7  }
.Ltmp1:
0x55: {  	[bflag:$0x0] =	sbarrier.arrive $0xFFFF;
	(pc) =	sbr.rel @p0 .LBB2_1-.Ltmp1, $4  }
0x56: {  	[hbm:s6@s14], [sflag:s12] =	dma.strided [spmem:s13@s15], $0x50, s9, $0x10   }
0x57: {  	_ =	swait.ge [sflag:s9], $0x50  }
0x58: {  	[sflag:s9] =	ssyncset.done $0x0  }
0x59: {  	[sflag:s9] =	ssyncadd.s32 $0xFFFFFFB0  }
0x5a: {  	_ =	sfence.sel $0x180000  }
0x5b: {  	[bflag:$0x0] =	sbarrier.arrive $0xFFFF  }
0x5c: {  	p0 =	sne.s32 s1, $0x0;
	_ =	strace $0x90000047  }
0x5d: {  	s0 =	sadd.s32 @!p0 $0x100000, s0;
	[bflag:$0x2] =	sbarrier.arrive $0xFFFF  }
0x5e: {  	[sflag:s0] =	ssyncadd.tile.s32 @!p0 $0x1;
	_ =	shalt  }
.Lfunc_end2:
_tile_overlayer_lowered:
.L_overlay_start_2:
0x5f: {  	(tag) =	ssettag $0x2  }
0x60: {  	s0 =	rddreg [dreg:$0x0];
	s2 =	stileid.u32  }
0x61: {  	s1 =	rddreg [dreg:$0x1];
	p0 =	sne.s32 s2, $0x0  }
0x62: {  	s3 =	rddreg [dreg:$0x2];
	[bflag:$0x3] =	sbarrier.arrive $0xFFFF;
	s2 =	simm.s32 @!p0 $0x1C01  }
0x63: {  	[timem:s3], [sflag:s2] =	dma.local @!p0 [hbm:s0], s1  }
0x64: {  	s0 =	simm.s32 @!p0 $0x1  }
0x65: {  	_ =	swait.ge @!p0 [sflag:s0], s1  }
0x66: {  	s1 =	ssub.s32 @!p0 $0x0, s1;
	[sflag:s0] =	ssyncset.done @!p0 $0x0  }
0x67: {  	[sflag:s0] =	ssyncadd.s32 @!p0 s1  }
0x68: {  	[bflag:$0x3] =	sbarrier.arrive $0xFFFF  }
0x69: {  	_ =	shalt  }

</sc_bundles>
